<compile_context>
chip_gen: v7x
topology: tpu7x:2x2x1
jax: 0.10.2.dev20260603
libtpu: 0.0.44.dev20260713+nightly
codegen_flags: <defaults>
</compile_context>

<pallas_src>
import jax
import jax.numpy as jnp
from jax import lax
from jax.experimental import pallas as pl
from jax.experimental.pallas import tpu as pltpu
import jax.experimental.pallas.tpu_sc as plsc

N = 10000
N2 = 10240
E0 = 320000 + N
NW = 32
WN = 64
NWIN = 168
WG = 128
NWG = 84
EPW = NWIN * WN
EP = NW * EPW
TPW = N2 // 16
NBG = 4
NBS = 3
HIGH = lax.Precision.HIGHEST



def _proj1_body(x_ref, wl_ref, wr_ref, xl_ref, xr_ref):
    xb = x_ref[...]
    xl_ref[...] = jnp.dot(xb, wl_ref[...], precision=HIGH)
    xr_ref[...] = jnp.dot(xb, wr_ref[...], precision=HIGH)


def _edge1_body(m_ref, attbd_ref, expand_ref, pad16_ref, w_ref, den_ref):
    i = pl.program_id(0)
    m = m_ref[...]
    lr = jnp.where(m >= 0, m, 0.2 * m)
    score = jnp.dot(lr, attbd_ref[...], precision=HIGH)
    rows = lax.broadcasted_iota(jnp.int32, score.shape, 0) + i * score.shape[0]
    ex = jnp.where(rows < E0, jnp.exp(score), 0.0)
    w_ref[...] = m * jnp.dot(ex, expand_ref[...], precision=HIGH)
    den_ref[...] = jnp.dot(ex, pad16_ref[...], precision=HIGH)


def _mid_body(num_ref, den_ref, xr1_ref, bias_ref, expand_ref, w2l_ref,
              w2r_ref, e4_ref, xl2_ref, xr2_ref):
    ns = num_ref[0] + num_ref[1]
    dsum = den_ref[0] + den_ref[1]
    denx = jnp.dot(dsum[:, :4], expand_ref[...], precision=HIGH)
    t = (ns - denx * xr1_ref[...]) / (denx + 1e-16) + bias_ref[...]
    h = jnp.where(t > 0, t, jnp.exp(jnp.minimum(t, 0.0)) - 1.0)
    xl2_ref[...] = jnp.dot(h, w2l_ref[...], precision=HIGH) + e4_ref[...]
    xr2_ref[...] = jnp.dot(h, w2r_ref[...], precision=HIGH)


def _edge2_body(m_ref, att_ref, g_ref, s_ref, w_ref):
    i = pl.program_id(0)
    m = m_ref[...]
    lr = jnp.where(m >= 0, m, 0.2 * m)
    s8 = jnp.dot(lr * att_ref[...], g_ref[...], precision=HIGH)
    r = lax.broadcasted_iota(jnp.int32, s8.shape, 0) + i * s8.shape[0]
    c = lax.broadcasted_iota(jnp.int32, s8.shape, 1)
    eid = r * 8 + c
    ex8 = jnp.where(eid < E0, jnp.exp(s8), 0.0)
    w_ref[...] = m * jnp.dot(ex8, s_ref[...], precision=HIGH)


def _final_body(num2_ref, xr2_ref, bias2_ref, out_ref):
    s = num2_ref[0] + num2_ref[1]
    d2 = s[:, 4:5]
    out_ref[...] = (s - d2 * xr2_ref[...]) / (d2 + 1e-16) + bias2_ref[...]



_MESH = plsc.VectorSubcoreMesh(core_axis_name="c", subcore_axis_name="s")


def _gather_m_call(tl, tr, idxs3, idxd3, d):

    def body(tl_ref, tr_ref, idxs_ref, idxd_ref, out_ref, idxsv, idxdv, *scr):
        buf = list(scr[0:NBG])
        gl = list(scr[NBG:2 * NBG])
        gr = list(scr[2 * NBG:3 * NBG])
        wb = list(scr[3 * NBG:4 * NBG])
        wid = lax.axis_index("c") * 16 + lax.axis_index("s")
        base0 = wid * EPW
        pltpu.sync_copy(idxs_ref.at[wid], idxsv)
        pltpu.sync_copy(idxd_ref.at[wid], idxdv)
        for b in range(NBG - 1):
            pltpu.async_copy(tl_ref.at[idxsv.at[b]], buf[b], gl[b])
        pltpu.make_async_copy(tl_ref.at[idxsv.at[0]], buf[0], gl[0]).wait()
        pltpu.async_copy(tr_ref.at[idxdv.at[0]], buf[0], gr[0], add=True)

        def it_body(it, carry):
            g0 = it * NBG
            for b in range(NBG):
                g = g0 + b
                b1 = (b + 1) % NBG
                bn = (b + NBG - 1) % NBG
                pltpu.make_async_copy(tr_ref.at[idxdv.at[b]], buf[b],
                                      gr[b]).wait()
                pltpu.async_copy(buf[b], out_ref.at[pl.ds(base0 + g * WG, WG)],
                                 wb[b])
                @pl.when(g + 1 < NWG)
                def _advance():
                    pltpu.make_async_copy(tl_ref.at[idxsv.at[b1]], buf[b1],
                                          gl[b1]).wait()
                    pltpu.async_copy(tr_ref.at[idxdv.at[g + 1]], buf[b1],
                                     gr[b1], add=True)
                gn = g + NBG - 1

                @pl.when(gn < NWG)
                def _refill():
                    @pl.when(g >= 1)
                    def _drain_wb():
                        pltpu.make_async_copy(
                            buf[bn], out_ref.at[pl.ds(0, WG)], wb[bn]).wait()
                    pltpu.async_copy(tl_ref.at[idxsv.at[gn]], buf[bn], gl[bn])
            return carry

        lax.fori_loop(0, NWG // NBG, it_body, 0)
        for b in range(NBG):
            pltpu.make_async_copy(buf[b], out_ref.at[pl.ds(0, WG)],
                                  wb[b]).wait()

    fn = pl.kernel(
        body,
        out_type=jax.ShapeDtypeStruct((EP, d), jnp.float32),
        mesh=_MESH,
        scratch_types=(
            [pltpu.VMEM((NWG, WG), jnp.int32)] * 2
            + [pltpu.VMEM((WG, d), jnp.float32)] * NBG
            + [pltpu.SemaphoreType.DMA] * (3 * NBG)
        ),
        compiler_params=pltpu.CompilerParams(use_tc_tiling_on_sc=(d == 128)),
    )
    return fn(tl, tr, idxs3, idxd3)


def _scatter_call(w, idx3d, zsrc, d):

    def body(w_ref, idx_ref, z_ref, num_ref, idxv, *scr):
        buf = list(scr[0:NBS])
        ls = list(scr[NBS:2 * NBS])
        ss = list(scr[2 * NBS:3 * NBS])
        snum = scr[3 * NBS]
        cid = lax.axis_index("c")
        sid = lax.axis_index("s")
        wid = cid * 16 + sid
        base0 = wid * EPW
        pltpu.sync_copy(z_ref, snum.at[pl.ds(sid * TPW, TPW)])
        plsc.subcore_barrier()
        pltpu.sync_copy(idx_ref.at[wid], idxv)
        for b in range(NBS - 1):
            pltpu.async_copy(w_ref.at[pl.ds(base0 + b * WN, WN)],
                             buf[b], ls[b])

        def it_body(it, carry):
            g0 = it * NBS
            for b in range(NBS):
                g = g0 + b
                pltpu.make_async_copy(w_ref.at[pl.ds(base0, WN)],
                                      buf[b], ls[b]).wait()
                pltpu.async_copy(buf[b], snum.at[idxv.at[g]], ss[b],
                                 add=True)
                gn = g + NBS - 1
                bn = (b + NBS - 1) % NBS

                @pl.when(gn < NWIN)
                def _refill():
                    @pl.when(g >= 1)
                    def _drain_sc():
                        pltpu.make_async_copy(
                            buf[bn], snum.at[idxv.at[0]], ss[bn]).wait()
                    pltpu.async_copy(w_ref.at[pl.ds(base0 + gn * WN, WN)],
                                     buf[bn], ls[bn])
            return carry

        lax.fori_loop(0, NWIN // NBS, it_body, 0)
        for b in range(NBS):
            pltpu.make_async_copy(buf[b], snum.at[idxv.at[0]], ss[b]).wait()
        plsc.subcore_barrier()
        pltpu.sync_copy(snum.at[pl.ds(sid * TPW, TPW)],
                        num_ref.at[cid, pl.ds(sid * TPW, TPW)])

    fn = pl.kernel(
        body,
        out_type=jax.ShapeDtypeStruct((2, N2, d), jnp.float32),
        mesh=_MESH,
        scratch_types=(
            [pltpu.VMEM((NWIN, WN), jnp.int32)]
            + [pltpu.VMEM((WN, d), jnp.float32)] * NBS
            + [pltpu.SemaphoreType.DMA] * (2 * NBS)
            + [pltpu.VMEM_SHARED((N2, d), jnp.float32)]
        ),
        compiler_params=pltpu.CompilerParams(use_tc_tiling_on_sc=(d == 128)),
    )
    return fn(w, idx3d, zsrc)



def _full(shape):
    return pl.BlockSpec(shape, lambda i: tuple(0 for _ in shape))


def kernel(x, edge_index, W1l, W1r, att1, bias1, W2l, W2r, att2, bias2):
    f32 = jnp.float32
    loop = jnp.arange(N, dtype=jnp.int32)
    padi = jnp.arange(EP - E0, dtype=jnp.int32) % N
    src_full = jnp.concatenate([edge_index[0].astype(jnp.int32), loop, padi])
    dst_full = jnp.concatenate([edge_index[1].astype(jnp.int32), loop, padi])
    src3g = src_full.reshape(NW, NWG, WG)
    dst3g = dst_full.reshape(NW, NWG, WG)
    dst3 = dst_full.reshape(NW, NWIN, WN)

    x_pad = jnp.pad(x.astype(f32), ((0, N2 - N), (0, 0)))

    att_bd = jnp.zeros((128, 4), f32)
    att_bd = att_bd.at[jnp.arange(128), jnp.arange(128) // 32].set(
        att1.astype(f32).reshape(128))
    expand = jnp.kron(jnp.eye(4, dtype=f32), jnp.ones((1, 32), f32))
    pad16 = jnp.concatenate([jnp.eye(4, dtype=f32),
                             jnp.zeros((4, 12), f32)], axis=1)
    w2l_pad = jnp.pad(W2l.astype(f32), ((0, 0), (0, 12)))
    w2r_pad = jnp.pad(W2r.astype(f32), ((0, 0), (0, 12)))
    e4 = jnp.zeros((1, 16), f32).at[0, 4].set(1.0)
    att2_tile = jnp.tile(jnp.pad(att2.astype(f32)[0], (0, 12)), 8)[None, :]
    gmat = jnp.kron(jnp.eye(8, dtype=f32), jnp.ones((16, 1), f32))
    smat = jnp.kron(jnp.eye(8, dtype=f32), jnp.ones((1, 16), f32))
    bias1r = bias1.astype(f32).reshape(1, 128)
    bias2p = jnp.pad(bias2.astype(f32), (0, 12)).reshape(1, 16)
    z128 = jnp.zeros((TPW, 128), f32)
    z16 = jnp.zeros((TPW, 16), f32)

    RB = 1024
    xl1, xr1 = pl.pallas_call(
        _proj1_body,
        grid=(N2 // RB,),
        in_specs=[pl.BlockSpec((RB, 128), lambda i: (i, 0)),
                  _full((128, 128)), _full((128, 128))],
        out_specs=[pl.BlockSpec((RB, 128), lambda i: (i, 0))] * 2,
        out_shape=[jax.ShapeDtypeStruct((N2, 128), f32)] * 2,
    )(x_pad, W1l.astype(f32), W1r.astype(f32))

    m1 = _gather_m_call(xl1, xr1, src3g, dst3g, 128)

    EB = 1024
    w1, den1e = pl.pallas_call(
        _edge1_body,
        grid=(EP // EB,),
        in_specs=[pl.BlockSpec((EB, 128), lambda i: (i, 0)),
                  _full((128, 4)), _full((4, 128)), _full((4, 16))],
        out_specs=[pl.BlockSpec((EB, 128), lambda i: (i, 0)),
                   pl.BlockSpec((EB, 16), lambda i: (i, 0))],
        out_shape=[jax.ShapeDtypeStruct((EP, 128), f32),
                   jax.ShapeDtypeStruct((EP, 16), f32)],
    )(m1, att_bd, expand, pad16)

    num1 = _scatter_call(w1, dst3, z128, 128)
    den1 = _scatter_call(den1e, dst3, z16, 16)

    xl2, xr2 = pl.pallas_call(
        _mid_body,
        grid=(N2 // RB,),
        in_specs=[pl.BlockSpec((2, RB, 128), lambda i: (0, i, 0)),
                  pl.BlockSpec((2, RB, 16), lambda i: (0, i, 0)),
                  pl.BlockSpec((RB, 128), lambda i: (i, 0)),
                  _full((1, 128)), _full((4, 128)),
                  _full((128, 16)), _full((128, 16)), _full((1, 16))],
        out_specs=[pl.BlockSpec((RB, 16), lambda i: (i, 0))] * 2,
        out_shape=[jax.ShapeDtypeStruct((N2, 16), f32)] * 2,
    )(num1, den1, xr1, bias1r, expand, w2l_pad, w2r_pad, e4)

    m2 = _gather_m_call(xl2, xr2, src3g, dst3g, 16)

    E8 = EP // 8
    B2 = 512
    w2r8 = pl.pallas_call(
        _edge2_body,
        grid=(E8 // B2,),
        in_specs=[pl.BlockSpec((B2, 128), lambda i: (i, 0)),
                  _full((1, 128)), _full((128, 8)), _full((8, 128))],
        out_specs=pl.BlockSpec((B2, 128), lambda i: (i, 0)),
        out_shape=jax.ShapeDtypeStruct((E8, 128), f32),
    )(m2.reshape(E8, 128), att2_tile, gmat, smat)

    num2 = _scatter_call(w2r8.reshape(EP, 16), dst3, z16, 16)

    outp = pl.pallas_call(
        _final_body,
        grid=(N2 // RB,),
        in_specs=[pl.BlockSpec((2, RB, 16), lambda i: (0, i, 0)),
                  pl.BlockSpec((RB, 16), lambda i: (i, 0)),
                  _full((1, 16))],
        out_specs=pl.BlockSpec((RB, 16), lambda i: (i, 0)),
        out_shape=jax.ShapeDtypeStruct((N2, 16), f32),
    )(num2, xr2, bias2p)

    return outp[:N, :4]

# --- scband reference (transcript-rebuilt; emitter-appended) ---
"""Pipeline reference for scband-multi-task-gnn-69337952026660 (READ-ONLY COPY).

The authoritative reference and input builder live on the scoring server;
editing this copy changes nothing except your own understanding.
"""

import jax, jax.numpy as jnp
import numpy as np

N_NODES = 10000
N_EDGES = 320000
IN_CH = 128
HID = 32
HEADS1 = 4
OUT_CH = 4


def gatv2_layer(x, edge_index, Wl, Wr, att, bias, heads, ch, concat):
    N = x.shape[0]
    loop = jnp.arange(N, dtype=edge_index.dtype)
    src = jnp.concatenate([edge_index[0], loop])
    dst = jnp.concatenate([edge_index[1], loop])
    xl = (x @ Wl).reshape(N, heads, ch)
    xr = (x @ Wr).reshape(N, heads, ch)
    m = xl[src] + xr[dst]
    e = jax.nn.leaky_relu(m, 0.2)
    score = jnp.einsum('ehc,hc->eh', e, att)
    smax = jax.ops.segment_max(score, dst, num_segments=N)
    ex = jnp.exp(score - smax[dst])
    den = jax.ops.segment_sum(ex, dst, num_segments=N)
    alpha = ex / (den[dst] + 1e-16)
    out = jax.ops.segment_sum(xl[src] * alpha[:, :, None], dst, num_segments=N)
    if concat:
        out = out.reshape(N, heads * ch)
    else:
        out = out.mean(axis=1)
    return out + bias


def setup_inputs(seed: int = 0):
    key = jax.random.key(seed)
    ks = jax.random.split(key, 10)
    x = jax.random.normal(ks[0], (N_NODES, IN_CH), dtype=jnp.float32)
    edge_index = jax.random.randint(ks[1], (2, N_EDGES), 0, N_NODES, dtype=jnp.int32)
    s1 = 1.0 / np.sqrt(IN_CH)
    W1l = jax.random.uniform(ks[2], (IN_CH, HEADS1 * HID), minval=-s1, maxval=s1, dtype=jnp.float32)
    W1r = jax.random.uniform(ks[3], (IN_CH, HEADS1 * HID), minval=-s1, maxval=s1, dtype=jnp.float32)
    att1 = jax.random.uniform(ks[4], (HEADS1, HID), minval=-s1, maxval=s1, dtype=jnp.float32)
    bias1 = jnp.zeros((HEADS1 * HID,), dtype=jnp.float32)
    s2 = 1.0 / np.sqrt(HEADS1 * HID)
    W2l = jax.random.uniform(ks[5], (HEADS1 * HID, OUT_CH), minval=-s2, maxval=s2, dtype=jnp.float32)
    W2r = jax.random.uniform(ks[6], (HEADS1 * HID, OUT_CH), minval=-s2, maxval=s2, dtype=jnp.float32)
    att2 = jax.random.uniform(ks[7], (1, OUT_CH), minval=-s2, maxval=s2, dtype=jnp.float32)
    bias2 = jnp.zeros((OUT_CH,), dtype=jnp.float32)
    return {"x": x, "edge_index": edge_index, "W1l": W1l, "W1r": W1r, "att1": att1, "bias1": bias1,
            "W2l": W2l, "W2r": W2r, "att2": att2, "bias2": bias2}


def reference(x, edge_index, W1l, W1r, att1, bias1, W2l, W2r, att2, bias2):
    # dropout is identity in eval mode
    h = gatv2_layer(x, edge_index, W1l, W1r, att1, bias1, HEADS1, HID, True)
    h = jax.nn.elu(h)
    out = gatv2_layer(h, edge_index, W2l, W2r, att2, bias2, 1, OUT_CH, False)
    return out

if __name__ == "__main__":
    import jax
    _d = setup_inputs()
    print(jax.jit(kernel)(*tuple(_d.values())))

</pallas_src>

<mosaic_0001>
#map = affine_map<(d0, d1) -> (0, 0)>
#map1 = affine_map<(d0, d1) -> (0, 0, 0)>
module attributes {stable_mosaic.version = 14 : i64} {
  func.func @body(%arg0: i32, %arg1: i32, %arg2: memref<10240x128xf32, #tpu.memory_space<hbm>>, %arg3: memref<10240x128xf32, #tpu.memory_space<hbm>>, %arg4: memref<32x84x128xi32, #tpu.memory_space<hbm>>, %arg5: memref<32x84x128xi32, #tpu.memory_space<hbm>>, %arg6: memref<344064x128xf32, #tpu.memory_space<hbm>>, %arg7: memref<84x128xi32, #tpu.memory_space<vmem>>, %arg8: memref<84x128xi32, #tpu.memory_space<vmem>>, %arg9: memref<128x128xf32, #tpu.memory_space<vmem>>, %arg10: memref<128x128xf32, #tpu.memory_space<vmem>>, %arg11: memref<128x128xf32, #tpu.memory_space<vmem>>, %arg12: memref<128x128xf32, #tpu.memory_space<vmem>>, %arg13: memref<!tpu.dma_semaphore, #tpu.memory_space<semaphore_mem>>, %arg14: memref<!tpu.dma_semaphore, #tpu.memory_space<semaphore_mem>>, %arg15: memref<!tpu.dma_semaphore, #tpu.memory_space<semaphore_mem>>, %arg16: memref<!tpu.dma_semaphore, #tpu.memory_space<semaphore_mem>>, %arg17: memref<!tpu.dma_semaphore, #tpu.memory_space<semaphore_mem>>, %arg18: memref<!tpu.dma_semaphore, #tpu.memory_space<semaphore_mem>>, %arg19: memref<!tpu.dma_semaphore, #tpu.memory_space<semaphore_mem>>, %arg20: memref<!tpu.dma_semaphore, #tpu.memory_space<semaphore_mem>>, %arg21: memref<!tpu.dma_semaphore, #tpu.memory_space<semaphore_mem>>, %arg22: memref<!tpu.dma_semaphore, #tpu.memory_space<semaphore_mem>>, %arg23: memref<!tpu.dma_semaphore, #tpu.memory_space<semaphore_mem>>, %arg24: memref<!tpu.dma_semaphore, #tpu.memory_space<semaphore_mem>>) attributes {dimension_semantics = [#tpu.dimension_semantics<core_parallel>, #tpu.dimension_semantics<subcore_parallel>], iteration_bounds = array<i64: 2, 16>, scalar_prefetch = 0 : i64, scratch_operands = 18 : i64, tpu.core_type = #tpu.core_type<sc_vector_subcore>, window_params = [{transform_indices = #map}, {transform_indices = #map}, {transform_indices = #map1}, {transform_indices = #map1}, {transform_indices = #map}]} {
    %mul3A = arith.constant 16 : i32
    %mul3A_0 = arith.muli %arg0, %mul3A : i32
    %add3A = arith.addi %mul3A_0, %arg1 : i32
    %mul3A_1 = arith.constant 10752 : i32
    %mul3A_2 = arith.muli %add3A, %mul3A_1 : i32
    "tpu.region"() ({
      %run_scoped3A = tpu.sem_alloc : memref<!tpu.dma_semaphore, #tpu.memory_space<semaphore_mem>>
      %dma_start3A_65 = arith.constant 0 : i32
      %dma_start3A_66 = arith.constant 0 : i32
      %dma_start3A_67 = tpu.memref_slice %arg4[%add3A, %dma_start3A_65, %dma_start3A_66] : memref<32x84x128xi32, #tpu.memory_space<hbm>> -> memref<1x84x128xi32, #tpu.memory_space<hbm>>
      %dma_start3A_68 = tpu.memref_squeeze %dma_start3A_67 : memref<1x84x128xi32, #tpu.memory_space<hbm>> -> memref<84x128xi32, #tpu.memory_space<hbm>>
      %dma_start3A_69 = arith.constant 0 : i32
      %dma_start3A_70 = arith.constant 0 : i32
      %dma_start3A_71 = tpu.memref_slice %arg4[%add3A, %dma_start3A_69, %dma_start3A_70] : memref<32x84x128xi32, #tpu.memory_space<hbm>> -> memref<1x84x128xi32, #tpu.memory_space<hbm>>
      %dma_start3A_72 = tpu.memref_squeeze %dma_start3A_71 : memref<1x84x128xi32, #tpu.memory_space<hbm>> -> memref<84x128xi32, #tpu.memory_space<hbm>>
      tpu.enqueue_dma source(%dma_start3A_72 : memref<84x128xi32, #tpu.memory_space<hbm>>) target(%arg7 : memref<84x128xi32, #tpu.memory_space<vmem>>) target_semaphore(%run_scoped3A : memref<!tpu.dma_semaphore, #tpu.memory_space<semaphore_mem>>)
      %dma_wait3A_73 = arith.constant 0 : i32
      %dma_wait3A_74 = arith.constant 0 : i32
      %dma_wait3A_75 = tpu.memref_slice %arg4[%add3A, %dma_wait3A_73, %dma_wait3A_74] : memref<32x84x128xi32, #tpu.memory_space<hbm>> -> memref<1x84x128xi32, #tpu.memory_space<hbm>>
      %dma_wait3A_76 = tpu.memref_squeeze %dma_wait3A_75 : memref<1x84x128xi32, #tpu.memory_space<hbm>> -> memref<84x128xi32, #tpu.memory_space<hbm>>
      %dma_wait3A_77 = arith.constant 0 : i32
      %dma_wait3A_78 = arith.constant 0 : i32
      %dma_wait3A_79 = tpu.memref_slice %arg4[%add3A, %dma_wait3A_77, %dma_wait3A_78] : memref<32x84x128xi32, #tpu.memory_space<hbm>> -> memref<1x84x128xi32, #tpu.memory_space<hbm>>
      %dma_wait3A_80 = tpu.memref_squeeze %dma_wait3A_79 : memref<1x84x128xi32, #tpu.memory_space<hbm>> -> memref<84x128xi32, #tpu.memory_space<hbm>>
      tpu.wait_dma2 semaphore(%run_scoped3A : memref<!tpu.dma_semaphore, #tpu.memory_space<semaphore_mem>>) src(%dma_wait3A_80 : memref<84x128xi32, #tpu.memory_space<hbm>>) dst(%arg7 : memref<84x128xi32, #tpu.memory_space<vmem>>)
      tpu.yield
    }) : () -> ()
    "tpu.region"() ({
      %run_scoped3A = tpu.sem_alloc : memref<!tpu.dma_semaphore, #tpu.memory_space<semaphore_mem>>
      %dma_start3A_65 = arith.constant 0 : i32
      %dma_start3A_66 = arith.constant 0 : i32
      %dma_start3A_67 = tpu.memref_slice %arg5[%add3A, %dma_start3A_65, %dma_start3A_66] : memref<32x84x128xi32, #tpu.memory_space<hbm>> -> memref<1x84x128xi32, #tpu.memory_space<hbm>>
      %dma_start3A_68 = tpu.memref_squeeze %dma_start3A_67 : memref<1x84x128xi32, #tpu.memory_space<hbm>> -> memref<84x128xi32, #tpu.memory_space<hbm>>
      %dma_start3A_69 = arith.constant 0 : i32
      %dma_start3A_70 = arith.constant 0 : i32
      %dma_start3A_71 = tpu.memref_slice %arg5[%add3A, %dma_start3A_69, %dma_start3A_70] : memref<32x84x128xi32, #tpu.memory_space<hbm>> -> memref<1x84x128xi32, #tpu.memory_space<hbm>>
      %dma_start3A_72 = tpu.memref_squeeze %dma_start3A_71 : memref<1x84x128xi32, #tpu.memory_space<hbm>> -> memref<84x128xi32, #tpu.memory_space<hbm>>
      tpu.enqueue_dma source(%dma_start3A_72 : memref<84x128xi32, #tpu.memory_space<hbm>>) target(%arg8 : memref<84x128xi32, #tpu.memory_space<vmem>>) target_semaphore(%run_scoped3A : memref<!tpu.dma_semaphore, #tpu.memory_space<semaphore_mem>>)
      %dma_wait3A_73 = arith.constant 0 : i32
      %dma_wait3A_74 = arith.constant 0 : i32
      %dma_wait3A_75 = tpu.memref_slice %arg5[%add3A, %dma_wait3A_73, %dma_wait3A_74] : memref<32x84x128xi32, #tpu.memory_space<hbm>> -> memref<1x84x128xi32, #tpu.memory_space<hbm>>
      %dma_wait3A_76 = tpu.memref_squeeze %dma_wait3A_75 : memref<1x84x128xi32, #tpu.memory_space<hbm>> -> memref<84x128xi32, #tpu.memory_space<hbm>>
      %dma_wait3A_77 = arith.constant 0 : i32
      %dma_wait3A_78 = arith.constant 0 : i32
      %dma_wait3A_79 = tpu.memref_slice %arg5[%add3A, %dma_wait3A_77, %dma_wait3A_78] : memref<32x84x128xi32, #tpu.memory_space<hbm>> -> memref<1x84x128xi32, #tpu.memory_space<hbm>>
      %dma_wait3A_80 = tpu.memref_squeeze %dma_wait3A_79 : memref<1x84x128xi32, #tpu.memory_space<hbm>> -> memref<84x128xi32, #tpu.memory_space<hbm>>
      tpu.wait_dma2 semaphore(%run_scoped3A : memref<!tpu.dma_semaphore, #tpu.memory_space<semaphore_mem>>) src(%dma_wait3A_80 : memref<84x128xi32, #tpu.memory_space<hbm>>) dst(%arg8 : memref<84x128xi32, #tpu.memory_space<vmem>>)
      tpu.yield
    }) : () -> ()
    %dma_start3A = arith.constant 0 : i32
    %dma_start3A_3 = arith.constant 0 : i32
    %dma_start3A_4 = tpu.memref_slice %arg7[%dma_start3A, %dma_start3A_3] : memref<84x128xi32, #tpu.memory_space<vmem>> -> memref<1x128xi32, #tpu.memory_space<vmem>>
    %dma_start3A_5 = tpu.memref_squeeze %dma_start3A_4 : memref<1x128xi32, #tpu.memory_space<vmem>> -> memref<128xi32, #tpu.memory_space<vmem>>
    %dma_start3A_6 = arith.constant 0 : i32
    %dma_start3A_7 = arith.constant 0 : i32
    %dma_start3A_8 = tpu.memref_slice %arg2[%dma_start3A_6, %dma_start3A_7] : memref<10240x128xf32, #tpu.memory_space<hbm>> -> memref<10240x128xf32, #tpu.memory_space<hbm>>
    tpu.enqueue_indirect_dma source(%dma_start3A_8 : memref<10240x128xf32, #tpu.memory_space<hbm>>) target(%arg9 : memref<128x128xf32, #tpu.memory_space<vmem>>) offsets(%dma_start3A_5 : memref<128xi32, #tpu.memory_space<vmem>>) semaphore(%arg13 : memref<!tpu.dma_semaphore, #tpu.memory_space<semaphore_mem>>)
    %dma_start3A_9 = arith.constant 1 : i32
    %dma_start3A_10 = arith.constant 0 : i32
    %dma_start3A_11 = tpu.memref_slice %arg7[%dma_start3A_9, %dma_start3A_10] : memref<84x128xi32, #tpu.memory_space<vmem>> -> memref<1x128xi32, #tpu.memory_space<vmem>>
    %dma_start3A_12 = tpu.memref_squeeze %dma_start3A_11 : memref<1x128xi32, #tpu.memory_space<vmem>> -> memref<128xi32, #tpu.memory_space<vmem>>
    %dma_start3A_13 = arith.constant 0 : i32
    %dma_start3A_14 = arith.constant 0 : i32
    %dma_start3A_15 = tpu.memref_slice %arg2[%dma_start3A_13, %dma_start3A_14] : memref<10240x128xf32, #tpu.memory_space<hbm>> -> memref<10240x128xf32, #tpu.memory_space<hbm>>
    tpu.enqueue_indirect_dma source(%dma_start3A_15 : memref<10240x128xf32, #tpu.memory_space<hbm>>) target(%arg10 : memref<128x128xf32, #tpu.memory_space<vmem>>) offsets(%dma_start3A_12 : memref<128xi32, #tpu.memory_space<vmem>>) semaphore(%arg14 : memref<!tpu.dma_semaphore, #tpu.memory_space<semaphore_mem>>)
    %dma_start3A_16 = arith.constant 2 : i32
    %dma_start3A_17 = arith.constant 0 : i32
    %dma_start3A_18 = tpu.memref_slice %arg7[%dma_start3A_16, %dma_start3A_17] : memref<84x128xi32, #tpu.memory_space<vmem>> -> memref<1x128xi32, #tpu.memory_space<vmem>>
    %dma_start3A_19 = tpu.memref_squeeze %dma_start3A_18 : memref<1x128xi32, #tpu.memory_space<vmem>> -> memref<128xi32, #tpu.memory_space<vmem>>
    %dma_start3A_20 = arith.constant 0 : i32
    %dma_start3A_21 = arith.constant 0 : i32
    %dma_start3A_22 = tpu.memref_slice %arg2[%dma_start3A_20, %dma_start3A_21] : memref<10240x128xf32, #tpu.memory_space<hbm>> -> memref<10240x128xf32, #tpu.memory_space<hbm>>
    tpu.enqueue_indirect_dma source(%dma_start3A_22 : memref<10240x128xf32, #tpu.memory_space<hbm>>) target(%arg11 : memref<128x128xf32, #tpu.memory_space<vmem>>) offsets(%dma_start3A_19 : memref<128xi32, #tpu.memory_space<vmem>>) semaphore(%arg15 : memref<!tpu.dma_semaphore, #tpu.memory_space<semaphore_mem>>)
    %dma_wait3A = arith.constant 0 : i32
    %dma_wait3A_23 = arith.constant 0 : i32
    %dma_wait3A_24 = tpu.memref_slice %arg7[%dma_wait3A, %dma_wait3A_23] : memref<84x128xi32, #tpu.memory_space<vmem>> -> memref<1x128xi32, #tpu.memory_space<vmem>>
    %dma_wait3A_25 = tpu.memref_squeeze %dma_wait3A_24 : memref<1x128xi32, #tpu.memory_space<vmem>> -> memref<128xi32, #tpu.memory_space<vmem>>
    %dma_wait3A_26 = arith.constant 0 : i32
    %dma_wait3A_27 = arith.constant 0 : i32
    %dma_wait3A_28 = tpu.memref_slice %arg2[%dma_wait3A_26, %dma_wait3A_27] : memref<10240x128xf32, #tpu.memory_space<hbm>> -> memref<10240x128xf32, #tpu.memory_space<hbm>>
    tpu.wait_indirect_dma semaphore(%arg13 : memref<!tpu.dma_semaphore, #tpu.memory_space<semaphore_mem>>) src(%dma_wait3A_28 : memref<10240x128xf32, #tpu.memory_space<hbm>>) dst(%arg9 : memref<128x128xf32, #tpu.memory_space<vmem>>)
    %dma_start3A_29 = arith.constant 0 : i32
    %dma_start3A_30 = arith.constant 0 : i32
    %dma_start3A_31 = tpu.memref_slice %arg8[%dma_start3A_29, %dma_start3A_30] : memref<84x128xi32, #tpu.memory_space<vmem>> -> memref<1x128xi32, #tpu.memory_space<vmem>>
    %dma_start3A_32 = tpu.memref_squeeze %dma_start3A_31 : memref<1x128xi32, #tpu.memory_space<vmem>> -> memref<128xi32, #tpu.memory_space<vmem>>
    %dma_start3A_33 = arith.constant 0 : i32
    %dma_start3A_34 = arith.constant 0 : i32
    %dma_start3A_35 = tpu.memref_slice %arg3[%dma_start3A_33, %dma_start3A_34] : memref<10240x128xf32, #tpu.memory_space<hbm>> -> memref<10240x128xf32, #tpu.memory_space<hbm>>
    tpu.enqueue_indirect_dma source(%dma_start3A_35 : memref<10240x128xf32, #tpu.memory_space<hbm>>) target(%arg9 : memref<128x128xf32, #tpu.memory_space<vmem>>) offsets(%dma_start3A_32 : memref<128xi32, #tpu.memory_space<vmem>>) semaphore(%arg17 : memref<!tpu.dma_semaphore, #tpu.memory_space<semaphore_mem>>) {add = true}
    %scan3A = arith.constant 0 : i32
    %scan3A_36 = arith.constant 0 : i32
    %scan3A_37 = arith.constant 21 : i32
    %scan3A_38 = arith.addi %scan3A_36, %scan3A_37 : i32
    %scan3A_39 = arith.constant 1 : i32
    scf.for %scan3A_65 = %scan3A_36 to %scan3A_38 step %scan3A_39  : i32 {
      %mul3A_66 = arith.constant 4 : i32
      %mul3A_67 = arith.muli %scan3A_65, %mul3A_66 : i32
      %add3A_68 = arith.constant 0 : i32
      %add3A_69 = arith.addi %mul3A_67, %add3A_68 : i32
      %dma_wait3A_70 = arith.constant 0 : i32
      %dma_wait3A_71 = arith.constant 0 : i32
      %dma_wait3A_72 = tpu.memref_slice %arg8[%dma_wait3A_70, %dma_wait3A_71] : memref<84x128xi32, #tpu.memory_space<vmem>> -> memref<1x128xi32, #tpu.memory_space<vmem>>
      %dma_wait3A_73 = tpu.memref_squeeze %dma_wait3A_72 : memref<1x128xi32, #tpu.memory_space<vmem>> -> memref<128xi32, #tpu.memory_space<vmem>>
      %dma_wait3A_74 = arith.constant 0 : i32
      %dma_wait3A_75 = arith.constant 0 : i32
      %dma_wait3A_76 = tpu.memref_slice %arg3[%dma_wait3A_74, %dma_wait3A_75] : memref<10240x128xf32, #tpu.memory_space<hbm>> -> memref<10240x128xf32, #tpu.memory_space<hbm>>
      tpu.wait_indirect_dma semaphore(%arg17 : memref<!tpu.dma_semaphore, #tpu.memory_space<semaphore_mem>>) src(%dma_wait3A_76 : memref<10240x128xf32, #tpu.memory_space<hbm>>) dst(%arg9 : memref<128x128xf32, #tpu.memory_space<vmem>>)
      %mul3A_77 = arith.constant 128 : i32
      %mul3A_78 = arith.muli %add3A_69, %mul3A_77 : i32
      %add3A_79 = arith.addi %mul3A_2, %mul3A_78 : i32
      %dma_start3A_80 = arith.constant 0 : i32
      %dma_start3A_81 = tpu.memref_slice %arg6[%add3A_79, %dma_start3A_80] : memref<344064x128xf32, #tpu.memory_space<hbm>> -> memref<128x128xf32, #tpu.memory_space<hbm>>
      %dma_start3A_82 = arith.constant 0 : i32
      %dma_start3A_83 = tpu.memref_slice %arg6[%add3A_79, %dma_start3A_82] : memref<344064x128xf32, #tpu.memory_space<hbm>> -> memref<128x128xf32, #tpu.memory_space<hbm>>
      tpu.enqueue_dma source(%arg9 : memref<128x128xf32, #tpu.memory_space<vmem>>) target(%dma_start3A_83 : memref<128x128xf32, #tpu.memory_space<hbm>>) target_semaphore(%arg21 : memref<!tpu.dma_semaphore, #tpu.memory_space<semaphore_mem>>)
      %add3A_84 = arith.constant 1 : i32
      %add3A_85 = arith.addi %add3A_69, %add3A_84 : i32
      %lt3A = arith.constant 84 : i32
      %lt3A_86 = arith.cmpi slt, %add3A_85, %lt3A : i32
      %convert_element_type3A = arith.extui %lt3A_86 : i1 to i32
      %cond3A = arith.constant 0 : i32
      %cond3A_87 = arith.cmpi ne, %convert_element_type3A, %cond3A : i32
      scf.if %cond3A_87 {
        %dma_wait3A_192 = arith.constant 1 : i32
        %dma_wait3A_193 = arith.constant 0 : i32
        %dma_wait3A_194 = tpu.memref_slice %arg7[%dma_wait3A_192, %dma_wait3A_193] : memref<84x128xi32, #tpu.memory_space<vmem>> -> memref<1x128xi32, #tpu.memory_space<vmem>>
        %dma_wait3A_195 = tpu.memref_squeeze %dma_wait3A_194 : memref<1x128xi32, #tpu.memory_space<vmem>> -> memref<128xi32, #tpu.memory_space<vmem>>
        %dma_wait3A_196 = arith.constant 0 : i32
        %dma_wait3A_197 = arith.constant 0 : i32
        %dma_wait3A_198 = tpu.memref_slice %arg2[%dma_wait3A_196, %dma_wait3A_197] : memref<10240x128xf32, #tpu.memory_space<hbm>> -> memref<10240x128xf32, #tpu.memory_space<hbm>>
        tpu.wait_indirect_dma semaphore(%arg14 : memref<!tpu.dma_semaphore, #tpu.memory_space<semaphore_mem>>) src(%dma_wait3A_198 : memref<10240x128xf32, #tpu.memory_space<hbm>>) dst(%arg10 : memref<128x128xf32, #tpu.memory_space<vmem>>)
        %add3A_199 = arith.constant 1 : i32
        %add3A_200 = arith.addi %add3A_69, %add3A_199 : i32
        %dma_start3A_201 = arith.constant 0 : i32
        %dma_start3A_202 = tpu.memref_slice %arg8[%add3A_200, %dma_start3A_201] : memref<84x128xi32, #tpu.memory_space<vmem>> -> memref<1x128xi32, #tpu.memory_space<vmem>>
        %dma_start3A_203 = tpu.memref_squeeze %dma_start3A_202 : memref<1x128xi32, #tpu.memory_space<vmem>> -> memref<128xi32, #tpu.memory_space<vmem>>
        %dma_start3A_204 = arith.constant 0 : i32
        %dma_start3A_205 = arith.constant 0 : i32
        %dma_start3A_206 = tpu.memref_slice %arg3[%dma_start3A_204, %dma_start3A_205] : memref<10240x128xf32, #tpu.memory_space<hbm>> -> memref<10240x128xf32, #tpu.memory_space<hbm>>
        tpu.enqueue_indirect_dma source(%dma_start3A_206 : memref<10240x128xf32, #tpu.memory_space<hbm>>) target(%arg10 : memref<128x128xf32, #tpu.memory_space<vmem>>) offsets(%dma_start3A_203 : memref<128xi32, #tpu.memory_space<vmem>>) semaphore(%arg18 : memref<!tpu.dma_semaphore, #tpu.memory_space<semaphore_mem>>) {add = true}
      } else {
      }
      %add3A_88 = arith.constant 4 : i32
      %add3A_89 = arith.addi %add3A_69, %add3A_88 : i32
      %sub3A = arith.constant 1 : i32
      %sub3A_90 = arith.subi %add3A_89, %sub3A : i32
      %lt3A_91 = arith.constant 84 : i32
      %lt3A_92 = arith.cmpi slt, %sub3A_90, %lt3A_91 : i32
      %convert_element_type3A_93 = arith.extui %lt3A_92 : i1 to i32
      %cond3A_94 = arith.constant 0 : i32
      %cond3A_95 = arith.cmpi ne, %convert_element_type3A_93, %cond3A_94 : i32
      scf.if %cond3A_95 {
        %ge3A = arith.constant 1 : i32
        %ge3A_192 = arith.cmpi sge, %add3A_69, %ge3A : i32
        %convert_element_type3A_193 = arith.extui %ge3A_192 : i1 to i32
        %cond3A_194 = arith.constant 0 : i32
        %cond3A_195 = arith.cmpi ne, %convert_element_type3A_193, %cond3A_194 : i32
        scf.if %cond3A_195 {
          %dma_wait3A_202 = arith.constant 0 : i32
          %dma_wait3A_203 = arith.constant 0 : i32
          %dma_wait3A_204 = tpu.memref_slice %arg6[%dma_wait3A_202, %dma_wait3A_203] : memref<344064x128xf32, #tpu.memory_space<hbm>> -> memref<128x128xf32, #tpu.memory_space<hbm>>
          %dma_wait3A_205 = arith.constant 0 : i32
          %dma_wait3A_206 = arith.constant 0 : i32
          %dma_wait3A_207 = tpu.memref_slice %arg6[%dma_wait3A_205, %dma_wait3A_206] : memref<344064x128xf32, #tpu.memory_space<hbm>> -> memref<128x128xf32, #tpu.memory_space<hbm>>
          tpu.wait_dma2 semaphore(%arg24 : memref<!tpu.dma_semaphore, #tpu.memory_space<semaphore_mem>>) src(%arg12 : memref<128x128xf32, #tpu.memory_space<vmem>>) dst(%dma_wait3A_207 : memref<128x128xf32, #tpu.memory_space<hbm>>)
        } else {
        }
        %dma_start3A_196 = arith.constant 0 : i32
        %dma_start3A_197 = tpu.memref_slice %arg7[%sub3A_90, %dma_start3A_196] : memref<84x128xi32, #tpu.memory_space<vmem>> -> memref<1x128xi32, #tpu.memory_space<vmem>>
        %dma_start3A_198 = tpu.memref_squeeze %dma_start3A_197 : memref<1x128xi32, #tpu.memory_space<vmem>> -> memref<128xi32, #tpu.memory_space<vmem>>
        %dma_start3A_199 = arith.constant 0 : i32
        %dma_start3A_200 = arith.constant 0 : i32
        %dma_start3A_201 = tpu.memref_slice %arg2[%dma_start3A_199, %dma_start3A_200] : memref<10240x128xf32, #tpu.memory_space<hbm>> -> memref<10240x128xf32, #tpu.memory_space<hbm>>
        tpu.enqueue_indirect_dma source(%dma_start3A_201 : memref<10240x128xf32, #tpu.memory_space<hbm>>) target(%arg12 : memref<128x128xf32, #tpu.memory_space<vmem>>) offsets(%dma_start3A_198 : memref<128xi32, #tpu.memory_space<vmem>>) semaphore(%arg16 : memref<!tpu.dma_semaphore, #tpu.memory_space<semaphore_mem>>)
      } else {
      }
      %add3A_96 = arith.constant 1 : i32
      %add3A_97 = arith.addi %mul3A_67, %add3A_96 : i32
      %dma_wait3A_98 = arith.constant 1 : i32
      %dma_wait3A_99 = arith.constant 0 : i32
      %dma_wait3A_100 = tpu.memref_slice %arg8[%dma_wait3A_98, %dma_wait3A_99] : memref<84x128xi32, #tpu.memory_space<vmem>> -> memref<1x128xi32, #tpu.memory_space<vmem>>
      %dma_wait3A_101 = tpu.memref_squeeze %dma_wait3A_100 : memref<1x128xi32, #tpu.memory_space<vmem>> -> memref<128xi32, #tpu.memory_space<vmem>>
      %dma_wait3A_102 = arith.constant 0 : i32
      %dma_wait3A_103 = arith.constant 0 : i32
      %dma_wait3A_104 = tpu.memref_slice %arg3[%dma_wait3A_102, %dma_wait3A_103] : memref<10240x128xf32, #tpu.memory_space<hbm>> -> memref<10240x128xf32, #tpu.memory_space<hbm>>
      tpu.wait_indirect_dma semaphore(%arg18 : memref<!tpu.dma_semaphore, #tpu.memory_space<semaphore_mem>>) src(%dma_wait3A_104 : memref<10240x128xf32, #tpu.memory_space<hbm>>) dst(%arg10 : memref<128x128xf32, #tpu.memory_space<vmem>>)
      %mul3A_105 = arith.constant 128 : i32
      %mul3A_106 = arith.muli %add3A_97, %mul3A_105 : i32
      %add3A_107 = arith.addi %mul3A_2, %mul3A_106 : i32
      %dma_start3A_108 = arith.constant 0 : i32
      %dma_start3A_109 = tpu.memref_slice %arg6[%add3A_107, %dma_start3A_108] : memref<344064x128xf32, #tpu.memory_space<hbm>> -> memref<128x128xf32, #tpu.memory_space<hbm>>
      %dma_start3A_110 = arith.constant 0 : i32
      %dma_start3A_111 = tpu.memref_slice %arg6[%add3A_107, %dma_start3A_110] : memref<344064x128xf32, #tpu.memory_space<hbm>> -> memref<128x128xf32, #tpu.memory_space<hbm>>
      tpu.enqueue_dma source(%arg10 : memref<128x128xf32, #tpu.memory_space<vmem>>) target(%dma_start3A_111 : memref<128x128xf32, #tpu.memory_space<hbm>>) target_semaphore(%arg22 : memref<!tpu.dma_semaphore, #tpu.memory_space<semaphore_mem>>)
      %add3A_112 = arith.constant 1 : i32
      %add3A_113 = arith.addi %add3A_97, %add3A_112 : i32
      %lt3A_114 = arith.constant 84 : i32
      %lt3A_115 = arith.cmpi slt, %add3A_113, %lt3A_114 : i32
      %convert_element_type3A_116 = arith.extui %lt3A_115 : i1 to i32
      %cond3A_117 = arith.constant 0 : i32
      %cond3A_118 = arith.cmpi ne, %convert_element_type3A_116, %cond3A_117 : i32
      scf.if %cond3A_118 {
        %dma_wait3A_192 = arith.constant 2 : i32
        %dma_wait3A_193 = arith.constant 0 : i32
        %dma_wait3A_194 = tpu.memref_slice %arg7[%dma_wait3A_192, %dma_wait3A_193] : memref<84x128xi32, #tpu.memory_space<vmem>> -> memref<1x128xi32, #tpu.memory_space<vmem>>
        %dma_wait3A_195 = tpu.memref_squeeze %dma_wait3A_194 : memref<1x128xi32, #tpu.memory_space<vmem>> -> memref<128xi32, #tpu.memory_space<vmem>>
        %dma_wait3A_196 = arith.constant 0 : i32
        %dma_wait3A_197 = arith.constant 0 : i32
        %dma_wait3A_198 = tpu.memref_slice %arg2[%dma_wait3A_196, %dma_wait3A_197] : memref<10240x128xf32, #tpu.memory_space<hbm>> -> memref<10240x128xf32, #tpu.memory_space<hbm>>
        tpu.wait_indirect_dma semaphore(%arg15 : memref<!tpu.dma_semaphore, #tpu.memory_space<semaphore_mem>>) src(%dma_wait3A_198 : memref<10240x128xf32, #tpu.memory_space<hbm>>) dst(%arg11 : memref<128x128xf32, #tpu.memory_space<vmem>>)
        %add3A_199 = arith.constant 1 : i32
        %add3A_200 = arith.addi %add3A_97, %add3A_199 : i32
        %dma_start3A_201 = arith.constant 0 : i32
        %dma_start3A_202 = tpu.memref_slice %arg8[%add3A_200, %dma_start3A_201] : memref<84x128xi32, #tpu.memory_space<vmem>> -> memref<1x128xi32, #tpu.memory_space<vmem>>
        %dma_start3A_203 = tpu.memref_squeeze %dma_start3A_202 : memref<1x128xi32, #tpu.memory_space<vmem>> -> memref<128xi32, #tpu.memory_space<vmem>>
        %dma_start3A_204 = arith.constant 0 : i32
        %dma_start3A_205 = arith.constant 0 : i32
        %dma_start3A_206 = tpu.memref_slice %arg3[%dma_start3A_204, %dma_start3A_205] : memref<10240x128xf32, #tpu.memory_space<hbm>> -> memref<10240x128xf32, #tpu.memory_space<hbm>>
        tpu.enqueue_indirect_dma source(%dma_start3A_206 : memref<10240x128xf32, #tpu.memory_space<hbm>>) target(%arg11 : memref<128x128xf32, #tpu.memory_space<vmem>>) offsets(%dma_start3A_203 : memref<128xi32, #tpu.memory_space<vmem>>) semaphore(%arg19 : memref<!tpu.dma_semaphore, #tpu.memory_space<semaphore_mem>>) {add = true}
      } else {
      }
      %add3A_119 = arith.constant 4 : i32
      %add3A_120 = arith.addi %add3A_97, %add3A_119 : i32
      %sub3A_121 = arith.constant 1 : i32
      %sub3A_122 = arith.subi %add3A_120, %sub3A_121 : i32
      %lt3A_123 = arith.constant 84 : i32
      %lt3A_124 = arith.cmpi slt, %sub3A_122, %lt3A_123 : i32
      %convert_element_type3A_125 = arith.extui %lt3A_124 : i1 to i32
      %cond3A_126 = arith.constant 0 : i32
      %cond3A_127 = arith.cmpi ne, %convert_element_type3A_125, %cond3A_126 : i32
      scf.if %cond3A_127 {
        %ge3A = arith.constant 1 : i32
        %ge3A_192 = arith.cmpi sge, %add3A_97, %ge3A : i32
        %convert_element_type3A_193 = arith.extui %ge3A_192 : i1 to i32
        %cond3A_194 = arith.constant 0 : i32
        %cond3A_195 = arith.cmpi ne, %convert_element_type3A_193, %cond3A_194 : i32
        scf.if %cond3A_195 {
          %dma_wait3A_202 = arith.constant 0 : i32
          %dma_wait3A_203 = arith.constant 0 : i32
          %dma_wait3A_204 = tpu.memref_slice %arg6[%dma_wait3A_202, %dma_wait3A_203] : memref<344064x128xf32, #tpu.memory_space<hbm>> -> memref<128x128xf32, #tpu.memory_space<hbm>>
          %dma_wait3A_205 = arith.constant 0 : i32
          %dma_wait3A_206 = arith.constant 0 : i32
          %dma_wait3A_207 = tpu.memref_slice %arg6[%dma_wait3A_205, %dma_wait3A_206] : memref<344064x128xf32, #tpu.memory_space<hbm>> -> memref<128x128xf32, #tpu.memory_space<hbm>>
          tpu.wait_dma2 semaphore(%arg21 : memref<!tpu.dma_semaphore, #tpu.memory_space<semaphore_mem>>) src(%arg9 : memref<128x128xf32, #tpu.memory_space<vmem>>) dst(%dma_wait3A_207 : memref<128x128xf32, #tpu.memory_space<hbm>>)
        } else {
        }
        %dma_start3A_196 = arith.constant 0 : i32
        %dma_start3A_197 = tpu.memref_slice %arg7[%sub3A_122, %dma_start3A_196] : memref<84x128xi32, #tpu.memory_space<vmem>> -> memref<1x128xi32, #tpu.memory_space<vmem>>
        %dma_start3A_198 = tpu.memref_squeeze %dma_start3A_197 : memref<1x128xi32, #tpu.memory_space<vmem>> -> memref<128xi32, #tpu.memory_space<vmem>>
        %dma_start3A_199 = arith.constant 0 : i32
        %dma_start3A_200 = arith.constant 0 : i32
        %dma_start3A_201 = tpu.memref_slice %arg2[%dma_start3A_199, %dma_start3A_200] : memref<10240x128xf32, #tpu.memory_space<hbm>> -> memref<10240x128xf32, #tpu.memory_space<hbm>>
        tpu.enqueue_indirect_dma source(%dma_start3A_201 : memref<10240x128xf32, #tpu.memory_space<hbm>>) target(%arg9 : memref<128x128xf32, #tpu.memory_space<vmem>>) offsets(%dma_start3A_198 : memref<128xi32, #tpu.memory_space<vmem>>) semaphore(%arg13 : memref<!tpu.dma_semaphore, #tpu.memory_space<semaphore_mem>>)
      } else {
      }
      %add3A_128 = arith.constant 2 : i32
      %add3A_129 = arith.addi %mul3A_67, %add3A_128 : i32
      %dma_wait3A_130 = arith.constant 2 : i32
      %dma_wait3A_131 = arith.constant 0 : i32
      %dma_wait3A_132 = tpu.memref_slice %arg8[%dma_wait3A_130, %dma_wait3A_131] : memref<84x128xi32, #tpu.memory_space<vmem>> -> memref<1x128xi32, #tpu.memory_space<vmem>>
      %dma_wait3A_133 = tpu.memref_squeeze %dma_wait3A_132 : memref<1x128xi32, #tpu.memory_space<vmem>> -> memref<128xi32, #tpu.memory_space<vmem>>
      %dma_wait3A_134 = arith.constant 0 : i32
      %dma_wait3A_135 = arith.constant 0 : i32
      %dma_wait3A_136 = tpu.memref_slice %arg3[%dma_wait3A_134, %dma_wait3A_135] : memref<10240x128xf32, #tpu.memory_space<hbm>> -> memref<10240x128xf32, #tpu.memory_space<hbm>>
      tpu.wait_indirect_dma semaphore(%arg19 : memref<!tpu.dma_semaphore, #tpu.memory_space<semaphore_mem>>) src(%dma_wait3A_136 : memref<10240x128xf32, #tpu.memory_space<hbm>>) dst(%arg11 : memref<128x128xf32, #tpu.memory_space<vmem>>)
      %mul3A_137 = arith.constant 128 : i32
      %mul3A_138 = arith.muli %add3A_129, %mul3A_137 : i32
      %add3A_139 = arith.addi %mul3A_2, %mul3A_138 : i32
      %dma_start3A_140 = arith.constant 0 : i32
      %dma_start3A_141 = tpu.memref_slice %arg6[%add3A_139, %dma_start3A_140] : memref<344064x128xf32, #tpu.memory_space<hbm>> -> memref<128x128xf32, #tpu.memory_space<hbm>>
      %dma_start3A_142 = arith.constant 0 : i32
      %dma_start3A_143 = tpu.memref_slice %arg6[%add3A_139, %dma_start3A_142] : memref<344064x128xf32, #tpu.memory_space<hbm>> -> memref<128x128xf32, #tpu.memory_space<hbm>>
      tpu.enqueue_dma source(%arg11 : memref<128x128xf32, #tpu.memory_space<vmem>>) target(%dma_start3A_143 : memref<128x128xf32, #tpu.memory_space<hbm>>) target_semaphore(%arg23 : memref<!tpu.dma_semaphore, #tpu.memory_space<semaphore_mem>>)
      %add3A_144 = arith.constant 1 : i32
      %add3A_145 = arith.addi %add3A_129, %add3A_144 : i32
      %lt3A_146 = arith.constant 84 : i32
      %lt3A_147 = arith.cmpi slt, %add3A_145, %lt3A_146 : i32
      %convert_element_type3A_148 = arith.extui %lt3A_147 : i1 to i32
      %cond3A_149 = arith.constant 0 : i32
      %cond3A_150 = arith.cmpi ne, %convert_element_type3A_148, %cond3A_149 : i32
      scf.if %cond3A_150 {
        %dma_wait3A_192 = arith.constant 3 : i32
        %dma_wait3A_193 = arith.constant 0 : i32
        %dma_wait3A_194 = tpu.memref_slice %arg7[%dma_wait3A_192, %dma_wait3A_193] : memref<84x128xi32, #tpu.memory_space<vmem>> -> memref<1x128xi32, #tpu.memory_space<vmem>>
        %dma_wait3A_195 = tpu.memref_squeeze %dma_wait3A_194 : memref<1x128xi32, #tpu.memory_space<vmem>> -> memref<128xi32, #tpu.memory_space<vmem>>
        %dma_wait3A_196 = arith.constant 0 : i32
        %dma_wait3A_197 = arith.constant 0 : i32
        %dma_wait3A_198 = tpu.memref_slice %arg2[%dma_wait3A_196, %dma_wait3A_197] : memref<10240x128xf32, #tpu.memory_space<hbm>> -> memref<10240x128xf32, #tpu.memory_space<hbm>>
        tpu.wait_indirect_dma semaphore(%arg16 : memref<!tpu.dma_semaphore, #tpu.memory_space<semaphore_mem>>) src(%dma_wait3A_198 : memref<10240x128xf32, #tpu.memory_space<hbm>>) dst(%arg12 : memref<128x128xf32, #tpu.memory_space<vmem>>)
        %add3A_199 = arith.constant 1 : i32
        %add3A_200 = arith.addi %add3A_129, %add3A_199 : i32
        %dma_start3A_201 = arith.constant 0 : i32
        %dma_start3A_202 = tpu.memref_slice %arg8[%add3A_200, %dma_start3A_201] : memref<84x128xi32, #tpu.memory_space<vmem>> -> memref<1x128xi32, #tpu.memory_space<vmem>>
        %dma_start3A_203 = tpu.memref_squeeze %dma_start3A_202 : memref<1x128xi32, #tpu.memory_space<vmem>> -> memref<128xi32, #tpu.memory_space<vmem>>
        %dma_start3A_204 = arith.constant 0 : i32
        %dma_start3A_205 = arith.constant 0 : i32
        %dma_start3A_206 = tpu.memref_slice %arg3[%dma_start3A_204, %dma_start3A_205] : memref<10240x128xf32, #tpu.memory_space<hbm>> -> memref<10240x128xf32, #tpu.memory_space<hbm>>
        tpu.enqueue_indirect_dma source(%dma_start3A_206 : memref<10240x128xf32, #tpu.memory_space<hbm>>) target(%arg12 : memref<128x128xf32, #tpu.memory_space<vmem>>) offsets(%dma_start3A_203 : memref<128xi32, #tpu.memory_space<vmem>>) semaphore(%arg20 : memref<!tpu.dma_semaphore, #tpu.memory_space<semaphore_mem>>) {add = true}
      } else {
      }
      %add3A_151 = arith.constant 4 : i32
      %add3A_152 = arith.addi %add3A_129, %add3A_151 : i32
      %sub3A_153 = arith.constant 1 : i32
      %sub3A_154 = arith.subi %add3A_152, %sub3A_153 : i32
      %lt3A_155 = arith.constant 84 : i32
      %lt3A_156 = arith.cmpi slt, %sub3A_154, %lt3A_155 : i32
      %convert_element_type3A_157 = arith.extui %lt3A_156 : i1 to i32
      %cond3A_158 = arith.constant 0 : i32
      %cond3A_159 = arith.cmpi ne, %convert_element_type3A_157, %cond3A_158 : i32
      scf.if %cond3A_159 {
        %ge3A = arith.constant 1 : i32
        %ge3A_192 = arith.cmpi sge, %add3A_129, %ge3A : i32
        %convert_element_type3A_193 = arith.extui %ge3A_192 : i1 to i32
        %cond3A_194 = arith.constant 0 : i32
        %cond3A_195 = arith.cmpi ne, %convert_element_type3A_193, %cond3A_194 : i32
        scf.if %cond3A_195 {
          %dma_wait3A_202 = arith.constant 0 : i32
          %dma_wait3A_203 = arith.constant 0 : i32
          %dma_wait3A_204 = tpu.memref_slice %arg6[%dma_wait3A_202, %dma_wait3A_203] : memref<344064x128xf32, #tpu.memory_space<hbm>> -> memref<128x128xf32, #tpu.memory_space<hbm>>
          %dma_wait3A_205 = arith.constant 0 : i32
          %dma_wait3A_206 = arith.constant 0 : i32
          %dma_wait3A_207 = tpu.memref_slice %arg6[%dma_wait3A_205, %dma_wait3A_206] : memref<344064x128xf32, #tpu.memory_space<hbm>> -> memref<128x128xf32, #tpu.memory_space<hbm>>
          tpu.wait_dma2 semaphore(%arg22 : memref<!tpu.dma_semaphore, #tpu.memory_space<semaphore_mem>>) src(%arg10 : memref<128x128xf32, #tpu.memory_space<vmem>>) dst(%dma_wait3A_207 : memref<128x128xf32, #tpu.memory_space<hbm>>)
        } else {
        }
        %dma_start3A_196 = arith.constant 0 : i32
        %dma_start3A_197 = tpu.memref_slice %arg7[%sub3A_154, %dma_start3A_196] : memref<84x128xi32, #tpu.memory_space<vmem>> -> memref<1x128xi32, #tpu.memory_space<vmem>>
        %dma_start3A_198 = tpu.memref_squeeze %dma_start3A_197 : memref<1x128xi32, #tpu.memory_space<vmem>> -> memref<128xi32, #tpu.memory_space<vmem>>
        %dma_start3A_199 = arith.constant 0 : i32
        %dma_start3A_200 = arith.constant 0 : i32
        %dma_start3A_201 = tpu.memref_slice %arg2[%dma_start3A_199, %dma_start3A_200] : memref<10240x128xf32, #tpu.memory_space<hbm>> -> memref<10240x128xf32, #tpu.memory_space<hbm>>
        tpu.enqueue_indirect_dma source(%dma_start3A_201 : memref<10240x128xf32, #tpu.memory_space<hbm>>) target(%arg10 : memref<128x128xf32, #tpu.memory_space<vmem>>) offsets(%dma_start3A_198 : memref<128xi32, #tpu.memory_space<vmem>>) semaphore(%arg14 : memref<!tpu.dma_semaphore, #tpu.memory_space<semaphore_mem>>)
      } else {
      }
      %add3A_160 = arith.constant 3 : i32
      %add3A_161 = arith.addi %mul3A_67, %add3A_160 : i32
      %dma_wait3A_162 = arith.constant 3 : i32
      %dma_wait3A_163 = arith.constant 0 : i32
      %dma_wait3A_164 = tpu.memref_slice %arg8[%dma_wait3A_162, %dma_wait3A_163] : memref<84x128xi32, #tpu.memory_space<vmem>> -> memref<1x128xi32, #tpu.memory_space<vmem>>
      %dma_wait3A_165 = tpu.memref_squeeze %dma_wait3A_164 : memref<1x128xi32, #tpu.memory_space<vmem>> -> memref<128xi32, #tpu.memory_space<vmem>>
      %dma_wait3A_166 = arith.constant 0 : i32
      %dma_wait3A_167 = arith.constant 0 : i32
      %dma_wait3A_168 = tpu.memref_slice %arg3[%dma_wait3A_166, %dma_wait3A_167] : memref<10240x128xf32, #tpu.memory_space<hbm>> -> memref<10240x128xf32, #tpu.memory_space<hbm>>
      tpu.wait_indirect_dma semaphore(%arg20 : memref<!tpu.dma_semaphore, #tpu.memory_space<semaphore_mem>>) src(%dma_wait3A_168 : memref<10240x128xf32, #tpu.memory_space<hbm>>) dst(%arg12 : memref<128x128xf32, #tpu.memory_space<vmem>>)
      %mul3A_169 = arith.constant 128 : i32
      %mul3A_170 = arith.muli %add3A_161, %mul3A_169 : i32
      %add3A_171 = arith.addi %mul3A_2, %mul3A_170 : i32
      %dma_start3A_172 = arith.constant 0 : i32
      %dma_start3A_173 = tpu.memref_slice %arg6[%add3A_171, %dma_start3A_172] : memref<344064x128xf32, #tpu.memory_space<hbm>> -> memref<128x128xf32, #tpu.memory_space<hbm>>
      %dma_start3A_174 = arith.constant 0 : i32
      %dma_start3A_175 = tpu.memref_slice %arg6[%add3A_171, %dma_start3A_174] : memref<344064x128xf32, #tpu.memory_space<hbm>> -> memref<128x128xf32, #tpu.memory_space<hbm>>
      tpu.enqueue_dma source(%arg12 : memref<128x128xf32, #tpu.memory_space<vmem>>) target(%dma_start3A_175 : memref<128x128xf32, #tpu.memory_space<hbm>>) target_semaphore(%arg24 : memref<!tpu.dma_semaphore, #tpu.memory_space<semaphore_mem>>)
      %add3A_176 = arith.constant 1 : i32
      %add3A_177 = arith.addi %add3A_161, %add3A_176 : i32
      %lt3A_178 = arith.constant 84 : i32
      %lt3A_179 = arith.cmpi slt, %add3A_177, %lt3A_178 : i32
      %convert_element_type3A_180 = arith.extui %lt3A_179 : i1 to i32
      %cond3A_181 = arith.constant 0 : i32
      %cond3A_182 = arith.cmpi ne, %convert_element_type3A_180, %cond3A_181 : i32
      scf.if %cond3A_182 {
        %dma_wait3A_192 = arith.constant 0 : i32
        %dma_wait3A_193 = arith.constant 0 : i32
        %dma_wait3A_194 = tpu.memref_slice %arg7[%dma_wait3A_192, %dma_wait3A_193] : memref<84x128xi32, #tpu.memory_space<vmem>> -> memref<1x128xi32, #tpu.memory_space<vmem>>
        %dma_wait3A_195 = tpu.memref_squeeze %dma_wait3A_194 : memref<1x128xi32, #tpu.memory_space<vmem>> -> memref<128xi32, #tpu.memory_space<vmem>>
        %dma_wait3A_196 = arith.constant 0 : i32
        %dma_wait3A_197 = arith.constant 0 : i32
        %dma_wait3A_198 = tpu.memref_slice %arg2[%dma_wait3A_196, %dma_wait3A_197] : memref<10240x128xf32, #tpu.memory_space<hbm>> -> memref<10240x128xf32, #tpu.memory_space<hbm>>
        tpu.wait_indirect_dma semaphore(%arg13 : memref<!tpu.dma_semaphore, #tpu.memory_space<semaphore_mem>>) src(%dma_wait3A_198 : memref<10240x128xf32, #tpu.memory_space<hbm>>) dst(%arg9 : memref<128x128xf32, #tpu.memory_space<vmem>>)
        %add3A_199 = arith.constant 1 : i32
        %add3A_200 = arith.addi %add3A_161, %add3A_199 : i32
        %dma_start3A_201 = arith.constant 0 : i32
        %dma_start3A_202 = tpu.memref_slice %arg8[%add3A_200, %dma_start3A_201] : memref<84x128xi32, #tpu.memory_space<vmem>> -> memref<1x128xi32, #tpu.memory_space<vmem>>
        %dma_start3A_203 = tpu.memref_squeeze %dma_start3A_202 : memref<1x128xi32, #tpu.memory_space<vmem>> -> memref<128xi32, #tpu.memory_space<vmem>>
        %dma_start3A_204 = arith.constant 0 : i32
        %dma_start3A_205 = arith.constant 0 : i32
        %dma_start3A_206 = tpu.memref_slice %arg3[%dma_start3A_204, %dma_start3A_205] : memref<10240x128xf32, #tpu.memory_space<hbm>> -> memref<10240x128xf32, #tpu.memory_space<hbm>>
        tpu.enqueue_indirect_dma source(%dma_start3A_206 : memref<10240x128xf32, #tpu.memory_space<hbm>>) target(%arg9 : memref<128x128xf32, #tpu.memory_space<vmem>>) offsets(%dma_start3A_203 : memref<128xi32, #tpu.memory_space<vmem>>) semaphore(%arg17 : memref<!tpu.dma_semaphore, #tpu.memory_space<semaphore_mem>>) {add = true}
      } else {
      }
      %add3A_183 = arith.constant 4 : i32
      %add3A_184 = arith.addi %add3A_161, %add3A_183 : i32
      %sub3A_185 = arith.constant 1 : i32
      %sub3A_186 = arith.subi %add3A_184, %sub3A_185 : i32
      %lt3A_187 = arith.constant 84 : i32
      %lt3A_188 = arith.cmpi slt, %sub3A_186, %lt3A_187 : i32
      %convert_element_type3A_189 = arith.extui %lt3A_188 : i1 to i32
      %cond3A_190 = arith.constant 0 : i32
      %cond3A_191 = arith.cmpi ne, %convert_element_type3A_189, %cond3A_190 : i32
      scf.if %cond3A_191 {
        %ge3A = arith.constant 1 : i32
        %ge3A_192 = arith.cmpi sge, %add3A_161, %ge3A : i32
        %convert_element_type3A_193 = arith.extui %ge3A_192 : i1 to i32
        %cond3A_194 = arith.constant 0 : i32
        %cond3A_195 = arith.cmpi ne, %convert_element_type3A_193, %cond3A_194 : i32
        scf.if %cond3A_195 {
          %dma_wait3A_202 = arith.constant 0 : i32
          %dma_wait3A_203 = arith.constant 0 : i32
          %dma_wait3A_204 = tpu.memref_slice %arg6[%dma_wait3A_202, %dma_wait3A_203] : memref<344064x128xf32, #tpu.memory_space<hbm>> -> memref<128x128xf32, #tpu.memory_space<hbm>>
          %dma_wait3A_205 = arith.constant 0 : i32
          %dma_wait3A_206 = arith.constant 0 : i32
          %dma_wait3A_207 = tpu.memref_slice %arg6[%dma_wait3A_205, %dma_wait3A_206] : memref<344064x128xf32, #tpu.memory_space<hbm>> -> memref<128x128xf32, #tpu.memory_space<hbm>>
          tpu.wait_dma2 semaphore(%arg23 : memref<!tpu.dma_semaphore, #tpu.memory_space<semaphore_mem>>) src(%arg11 : memref<128x128xf32, #tpu.memory_space<vmem>>) dst(%dma_wait3A_207 : memref<128x128xf32, #tpu.memory_space<hbm>>)
        } else {
        }
        %dma_start3A_196 = arith.constant 0 : i32
        %dma_start3A_197 = tpu.memref_slice %arg7[%sub3A_186, %dma_start3A_196] : memref<84x128xi32, #tpu.memory_space<vmem>> -> memref<1x128xi32, #tpu.memory_space<vmem>>
        %dma_start3A_198 = tpu.memref_squeeze %dma_start3A_197 : memref<1x128xi32, #tpu.memory_space<vmem>> -> memref<128xi32, #tpu.memory_space<vmem>>
        %dma_start3A_199 = arith.constant 0 : i32
        %dma_start3A_200 = arith.constant 0 : i32
        %dma_start3A_201 = tpu.memref_slice %arg2[%dma_start3A_199, %dma_start3A_200] : memref<10240x128xf32, #tpu.memory_space<hbm>> -> memref<10240x128xf32, #tpu.memory_space<hbm>>
        tpu.enqueue_indirect_dma source(%dma_start3A_201 : memref<10240x128xf32, #tpu.memory_space<hbm>>) target(%arg11 : memref<128x128xf32, #tpu.memory_space<vmem>>) offsets(%dma_start3A_198 : memref<128xi32, #tpu.memory_space<vmem>>) semaphore(%arg15 : memref<!tpu.dma_semaphore, #tpu.memory_space<semaphore_mem>>)
      } else {
      }
    }
    %scan3A_40 = arith.constant 21 : i32
    %dma_wait3A_41 = arith.constant 0 : i32
    %dma_wait3A_42 = arith.constant 0 : i32
    %dma_wait3A_43 = tpu.memref_slice %arg6[%dma_wait3A_41, %dma_wait3A_42] : memref<344064x128xf32, #tpu.memory_space<hbm>> -> memref<128x128xf32, #tpu.memory_space<hbm>>
    %dma_wait3A_44 = arith.constant 0 : i32
    %dma_wait3A_45 = arith.constant 0 : i32
    %dma_wait3A_46 = tpu.memref_slice %arg6[%dma_wait3A_44, %dma_wait3A_45] : memref<344064x128xf32, #tpu.memory_space<hbm>> -> memref<128x128xf32, #tpu.memory_space<hbm>>
    tpu.wait_dma2 semaphore(%arg21 : memref<!tpu.dma_semaphore, #tpu.memory_space<semaphore_mem>>) src(%arg9 : memref<128x128xf32, #tpu.memory_space<vmem>>) dst(%dma_wait3A_46 : memref<128x128xf32, #tpu.memory_space<hbm>>)
    %dma_wait3A_47 = arith.constant 0 : i32
    %dma_wait3A_48 = arith.constant 0 : i32
    %dma_wait3A_49 = tpu.memref_slice %arg6[%dma_wait3A_47, %dma_wait3A_48] : memref<344064x128xf32, #tpu.memory_space<hbm>> -> memref<128x128xf32, #tpu.memory_space<hbm>>
    %dma_wait3A_50 = arith.constant 0 : i32
    %dma_wait3A_51 = arith.constant 0 : i32
    %dma_wait3A_52 = tpu.memref_slice %arg6[%dma_wait3A_50, %dma_wait3A_51] : memref<344064x128xf32, #tpu.memory_space<hbm>> -> memref<128x128xf32, #tpu.memory_space<hbm>>
    tpu.wait_dma2 semaphore(%arg22 : memref<!tpu.dma_semaphore, #tpu.memory_space<semaphore_mem>>) src(%arg10 : memref<128x128xf32, #tpu.memory_space<vmem>>) dst(%dma_wait3A_52 : memref<128x128xf32, #tpu.memory_space<hbm>>)
    %dma_wait3A_53 = arith.constant 0 : i32
    %dma_wait3A_54 = arith.constant 0 : i32
    %dma_wait3A_55 = tpu.memref_slice %arg6[%dma_wait3A_53, %dma_wait3A_54] : memref<344064x128xf32, #tpu.memory_space<hbm>> -> memref<128x128xf32, #tpu.memory_space<hbm>>
    %dma_wait3A_56 = arith.constant 0 : i32
    %dma_wait3A_57 = arith.constant 0 : i32
    %dma_wait3A_58 = tpu.memref_slice %arg6[%dma_wait3A_56, %dma_wait3A_57] : memref<344064x128xf32, #tpu.memory_space<hbm>> -> memref<128x128xf32, #tpu.memory_space<hbm>>
    tpu.wait_dma2 semaphore(%arg23 : memref<!tpu.dma_semaphore, #tpu.memory_space<semaphore_mem>>) src(%arg11 : memref<128x128xf32, #tpu.memory_space<vmem>>) dst(%dma_wait3A_58 : memref<128x128xf32, #tpu.memory_space<hbm>>)
    %dma_wait3A_59 = arith.constant 0 : i32
    %dma_wait3A_60 = arith.constant 0 : i32
    %dma_wait3A_61 = tpu.memref_slice %arg6[%dma_wait3A_59, %dma_wait3A_60] : memref<344064x128xf32, #tpu.memory_space<hbm>> -> memref<128x128xf32, #tpu.memory_space<hbm>>
    %dma_wait3A_62 = arith.constant 0 : i32
    %dma_wait3A_63 = arith.constant 0 : i32
    %dma_wait3A_64 = tpu.memref_slice %arg6[%dma_wait3A_62, %dma_wait3A_63] : memref<344064x128xf32, #tpu.memory_space<hbm>> -> memref<128x128xf32, #tpu.memory_space<hbm>>
    tpu.wait_dma2 semaphore(%arg24 : memref<!tpu.dma_semaphore, #tpu.memory_space<semaphore_mem>>) src(%arg12 : memref<128x128xf32, #tpu.memory_space<vmem>>) dst(%dma_wait3A_64 : memref<128x128xf32, #tpu.memory_space<hbm>>)
    return
  }
}

#map = affine_map<(d0, d1) -> (0, 0)>
#map1 = affine_map<(d0, d1) -> (0, 0, 0)>
module attributes {stable_mosaic.version = 14 : i64} {
  func.func @body(%arg0: i32, %arg1: i32, %arg2: memref<10240x16xf32, #tpu.memory_space<hbm>>, %arg3: memref<10240x16xf32, #tpu.memory_space<hbm>>, %arg4: memref<32x84x128xi32, #tpu.memory_space<hbm>>, %arg5: memref<32x84x128xi32, #tpu.memory_space<hbm>>, %arg6: memref<344064x16xf32, #tpu.memory_space<hbm>>, %arg7: memref<84x128xi32, #tpu.memory_space<vmem>>, %arg8: memref<84x128xi32, #tpu.memory_space<vmem>>, %arg9: memref<128x16xf32, #tpu.memory_space<vmem>>, %arg10: memref<128x16xf32, #tpu.memory_space<vmem>>, %arg11: memref<128x16xf32, #tpu.memory_space<vmem>>, %arg12: memref<128x16xf32, #tpu.memory_space<vmem>>, %arg13: memref<!tpu.dma_semaphore, #tpu.memory_space<semaphore_mem>>, %arg14: memref<!tpu.dma_semaphore, #tpu.memory_space<semaphore_mem>>, %arg15: memref<!tpu.dma_semaphore, #tpu.memory_space<semaphore_mem>>, %arg16: memref<!tpu.dma_semaphore, #tpu.memory_space<semaphore_mem>>, %arg17: memref<!tpu.dma_semaphore, #tpu.memory_space<semaphore_mem>>, %arg18: memref<!tpu.dma_semaphore, #tpu.memory_space<semaphore_mem>>, %arg19: memref<!tpu.dma_semaphore, #tpu.memory_space<semaphore_mem>>, %arg20: memref<!tpu.dma_semaphore, #tpu.memory_space<semaphore_mem>>, %arg21: memref<!tpu.dma_semaphore, #tpu.memory_space<semaphore_mem>>, %arg22: memref<!tpu.dma_semaphore, #tpu.memory_space<semaphore_mem>>, %arg23: memref<!tpu.dma_semaphore, #tpu.memory_space<semaphore_mem>>, %arg24: memref<!tpu.dma_semaphore, #tpu.memory_space<semaphore_mem>>) attributes {dimension_semantics = [#tpu.dimension_semantics<core_parallel>, #tpu.dimension_semantics<subcore_parallel>], iteration_bounds = array<i64: 2, 16>, scalar_prefetch = 0 : i64, scratch_operands = 18 : i64, tpu.core_type = #tpu.core_type<sc_vector_subcore>, window_params = [{transform_indices = #map}, {transform_indices = #map}, {transform_indices = #map1}, {transform_indices = #map1}, {transform_indices = #map}]} {
    %mul3A = arith.constant 16 : i32
    %mul3A_0 = arith.muli %arg0, %mul3A : i32
    %add3A = arith.addi %mul3A_0, %arg1 : i32
    %mul3A_1 = arith.constant 10752 : i32
    %mul3A_2 = arith.muli %add3A, %mul3A_1 : i32
    "tpu.region"() ({
      %run_scoped3A = tpu.sem_alloc : memref<!tpu.dma_semaphore, #tpu.memory_space<semaphore_mem>>
      %dma_start3A_65 = arith.constant 0 : i32
      %dma_start3A_66 = arith.constant 0 : i32
      %dma_start3A_67 = tpu.memref_slice %arg4[%add3A, %dma_start3A_65, %dma_start3A_66] : memref<32x84x128xi32, #tpu.memory_space<hbm>> -> memref<1x84x128xi32, #tpu.memory_space<hbm>>
      %dma_start3A_68 = tpu.memref_squeeze %dma_start3A_67 : memref<1x84x128xi32, #tpu.memory_space<hbm>> -> memref<84x128xi32, #tpu.memory_space<hbm>>
      %dma_start3A_69 = arith.constant 0 : i32
      %dma_start3A_70 = arith.constant 0 : i32
      %dma_start3A_71 = tpu.memref_slice %arg4[%add3A, %dma_start3A_69, %dma_start3A_70] : memref<32x84x128xi32, #tpu.memory_space<hbm>> -> memref<1x84x128xi32, #tpu.memory_space<hbm>>
      %dma_start3A_72 = tpu.memref_squeeze %dma_start3A_71 : memref<1x84x128xi32, #tpu.memory_space<hbm>> -> memref<84x128xi32, #tpu.memory_space<hbm>>
      tpu.enqueue_dma source(%dma_start3A_72 : memref<84x128xi32, #tpu.memory_space<hbm>>) target(%arg7 : memref<84x128xi32, #tpu.memory_space<vmem>>) target_semaphore(%run_scoped3A : memref<!tpu.dma_semaphore, #tpu.memory_space<semaphore_mem>>)
      %dma_wait3A_73 = arith.constant 0 : i32
      %dma_wait3A_74 = arith.constant 0 : i32
      %dma_wait3A_75 = tpu.memref_slice %arg4[%add3A, %dma_wait3A_73, %dma_wait3A_74] : memref<32x84x128xi32, #tpu.memory_space<hbm>> -> memref<1x84x128xi32, #tpu.memory_space<hbm>>
      %dma_wait3A_76 = tpu.memref_squeeze %dma_wait3A_75 : memref<1x84x128xi32, #tpu.memory_space<hbm>> -> memref<84x128xi32, #tpu.memory_space<hbm>>
      %dma_wait3A_77 = arith.constant 0 : i32
      %dma_wait3A_78 = arith.constant 0 : i32
      %dma_wait3A_79 = tpu.memref_slice %arg4[%add3A, %dma_wait3A_77, %dma_wait3A_78] : memref<32x84x128xi32, #tpu.memory_space<hbm>> -> memref<1x84x128xi32, #tpu.memory_space<hbm>>
      %dma_wait3A_80 = tpu.memref_squeeze %dma_wait3A_79 : memref<1x84x128xi32, #tpu.memory_space<hbm>> -> memref<84x128xi32, #tpu.memory_space<hbm>>
      tpu.wait_dma2 semaphore(%run_scoped3A : memref<!tpu.dma_semaphore, #tpu.memory_space<semaphore_mem>>) src(%dma_wait3A_80 : memref<84x128xi32, #tpu.memory_space<hbm>>) dst(%arg7 : memref<84x128xi32, #tpu.memory_space<vmem>>)
      tpu.yield
    }) : () -> ()
    "tpu.region"() ({
      %run_scoped3A = tpu.sem_alloc : memref<!tpu.dma_semaphore, #tpu.memory_space<semaphore_mem>>
      %dma_start3A_65 = arith.constant 0 : i32
      %dma_start3A_66 = arith.constant 0 : i32
      %dma_start3A_67 = tpu.memref_slice %arg5[%add3A, %dma_start3A_65, %dma_start3A_66] : memref<32x84x128xi32, #tpu.memory_space<hbm>> -> memref<1x84x128xi32, #tpu.memory_space<hbm>>
      %dma_start3A_68 = tpu.memref_squeeze %dma_start3A_67 : memref<1x84x128xi32, #tpu.memory_space<hbm>> -> memref<84x128xi32, #tpu.memory_space<hbm>>
      %dma_start3A_69 = arith.constant 0 : i32
      %dma_start3A_70 = arith.constant 0 : i32
      %dma_start3A_71 = tpu.memref_slice %arg5[%add3A, %dma_start3A_69, %dma_start3A_70] : memref<32x84x128xi32, #tpu.memory_space<hbm>> -> memref<1x84x128xi32, #tpu.memory_space<hbm>>
      %dma_start3A_72 = tpu.memref_squeeze %dma_start3A_71 : memref<1x84x128xi32, #tpu.memory_space<hbm>> -> memref<84x128xi32, #tpu.memory_space<hbm>>
      tpu.enqueue_dma source(%dma_start3A_72 : memref<84x128xi32, #tpu.memory_space<hbm>>) target(%arg8 : memref<84x128xi32, #tpu.memory_space<vmem>>) target_semaphore(%run_scoped3A : memref<!tpu.dma_semaphore, #tpu.memory_space<semaphore_mem>>)
      %dma_wait3A_73 = arith.constant 0 : i32
      %dma_wait3A_74 = arith.constant 0 : i32
      %dma_wait3A_75 = tpu.memref_slice %arg5[%add3A, %dma_wait3A_73, %dma_wait3A_74] : memref<32x84x128xi32, #tpu.memory_space<hbm>> -> memref<1x84x128xi32, #tpu.memory_space<hbm>>
      %dma_wait3A_76 = tpu.memref_squeeze %dma_wait3A_75 : memref<1x84x128xi32, #tpu.memory_space<hbm>> -> memref<84x128xi32, #tpu.memory_space<hbm>>
      %dma_wait3A_77 = arith.constant 0 : i32
      %dma_wait3A_78 = arith.constant 0 : i32
      %dma_wait3A_79 = tpu.memref_slice %arg5[%add3A, %dma_wait3A_77, %dma_wait3A_78] : memref<32x84x128xi32, #tpu.memory_space<hbm>> -> memref<1x84x128xi32, #tpu.memory_space<hbm>>
      %dma_wait3A_80 = tpu.memref_squeeze %dma_wait3A_79 : memref<1x84x128xi32, #tpu.memory_space<hbm>> -> memref<84x128xi32, #tpu.memory_space<hbm>>
      tpu.wait_dma2 semaphore(%run_scoped3A : memref<!tpu.dma_semaphore, #tpu.memory_space<semaphore_mem>>) src(%dma_wait3A_80 : memref<84x128xi32, #tpu.memory_space<hbm>>) dst(%arg8 : memref<84x128xi32, #tpu.memory_space<vmem>>)
      tpu.yield
    }) : () -> ()
    %dma_start3A = arith.constant 0 : i32
    %dma_start3A_3 = arith.constant 0 : i32
    %dma_start3A_4 = tpu.memref_slice %arg7[%dma_start3A, %dma_start3A_3] : memref<84x128xi32, #tpu.memory_space<vmem>> -> memref<1x128xi32, #tpu.memory_space<vmem>>
    %dma_start3A_5 = tpu.memref_squeeze %dma_start3A_4 : memref<1x128xi32, #tpu.memory_space<vmem>> -> memref<128xi32, #tpu.memory_space<vmem>>
    %dma_start3A_6 = arith.constant 0 : i32
    %dma_start3A_7 = arith.constant 0 : i32
    %dma_start3A_8 = tpu.memref_slice %arg2[%dma_start3A_6, %dma_start3A_7] : memref<10240x16xf32, #tpu.memory_space<hbm>> -> memref<10240x16xf32, #tpu.memory_space<hbm>>
    tpu.enqueue_indirect_dma source(%dma_start3A_8 : memref<10240x16xf32, #tpu.memory_space<hbm>>) target(%arg9 : memref<128x16xf32, #tpu.memory_space<vmem>>) offsets(%dma_start3A_5 : memref<128xi32, #tpu.memory_space<vmem>>) semaphore(%arg13 : memref<!tpu.dma_semaphore, #tpu.memory_space<semaphore_mem>>)
    %dma_start3A_9 = arith.constant 1 : i32
    %dma_start3A_10 = arith.constant 0 : i32
    %dma_start3A_11 = tpu.memref_slice %arg7[%dma_start3A_9, %dma_start3A_10] : memref<84x128xi32, #tpu.memory_space<vmem>> -> memref<1x128xi32, #tpu.memory_space<vmem>>
    %dma_start3A_12 = tpu.memref_squeeze %dma_start3A_11 : memref<1x128xi32, #tpu.memory_space<vmem>> -> memref<128xi32, #tpu.memory_space<vmem>>
    %dma_start3A_13 = arith.constant 0 : i32
    %dma_start3A_14 = arith.constant 0 : i32
    %dma_start3A_15 = tpu.memref_slice %arg2[%dma_start3A_13, %dma_start3A_14] : memref<10240x16xf32, #tpu.memory_space<hbm>> -> memref<10240x16xf32, #tpu.memory_space<hbm>>
    tpu.enqueue_indirect_dma source(%dma_start3A_15 : memref<10240x16xf32, #tpu.memory_space<hbm>>) target(%arg10 : memref<128x16xf32, #tpu.memory_space<vmem>>) offsets(%dma_start3A_12 : memref<128xi32, #tpu.memory_space<vmem>>) semaphore(%arg14 : memref<!tpu.dma_semaphore, #tpu.memory_space<semaphore_mem>>)
    %dma_start3A_16 = arith.constant 2 : i32
    %dma_start3A_17 = arith.constant 0 : i32
    %dma_start3A_18 = tpu.memref_slice %arg7[%dma_start3A_16, %dma_start3A_17] : memref<84x128xi32, #tpu.memory_space<vmem>> -> memref<1x128xi32, #tpu.memory_space<vmem>>
    %dma_start3A_19 = tpu.memref_squeeze %dma_start3A_18 : memref<1x128xi32, #tpu.memory_space<vmem>> -> memref<128xi32, #tpu.memory_space<vmem>>
    %dma_start3A_20 = arith.constant 0 : i32
    %dma_start3A_21 = arith.constant 0 : i32
    %dma_start3A_22 = tpu.memref_slice %arg2[%dma_start3A_20, %dma_start3A_21] : memref<10240x16xf32, #tpu.memory_space<hbm>> -> memref<10240x16xf32, #tpu.memory_space<hbm>>
    tpu.enqueue_indirect_dma source(%dma_start3A_22 : memref<10240x16xf32, #tpu.memory_space<hbm>>) target(%arg11 : memref<128x16xf32, #tpu.memory_space<vmem>>) offsets(%dma_start3A_19 : memref<128xi32, #tpu.memory_space<vmem>>) semaphore(%arg15 : memref<!tpu.dma_semaphore, #tpu.memory_space<semaphore_mem>>)
    %dma_wait3A = arith.constant 0 : i32
    %dma_wait3A_23 = arith.constant 0 : i32
    %dma_wait3A_24 = tpu.memref_slice %arg7[%dma_wait3A, %dma_wait3A_23] : memref<84x128xi32, #tpu.memory_space<vmem>> -> memref<1x128xi32, #tpu.memory_space<vmem>>
    %dma_wait3A_25 = tpu.memref_squeeze %dma_wait3A_24 : memref<1x128xi32, #tpu.memory_space<vmem>> -> memref<128xi32, #tpu.memory_space<vmem>>
    %dma_wait3A_26 = arith.constant 0 : i32
    %dma_wait3A_27 = arith.constant 0 : i32
    %dma_wait3A_28 = tpu.memref_slice %arg2[%dma_wait3A_26, %dma_wait3A_27] : memref<10240x16xf32, #tpu.memory_space<hbm>> -> memref<10240x16xf32, #tpu.memory_space<hbm>>
    tpu.wait_indirect_dma semaphore(%arg13 : memref<!tpu.dma_semaphore, #tpu.memory_space<semaphore_mem>>) src(%dma_wait3A_28 : memref<10240x16xf32, #tpu.memory_space<hbm>>) dst(%arg9 : memref<128x16xf32, #tpu.memory_space<vmem>>)
    %dma_start3A_29 = arith.constant 0 : i32
    %dma_start3A_30 = arith.constant 0 : i32
    %dma_start3A_31 = tpu.memref_slice %arg8[%dma_start3A_29, %dma_start3A_30] : memref<84x128xi32, #tpu.memory_space<vmem>> -> memref<1x128xi32, #tpu.memory_space<vmem>>
    %dma_start3A_32 = tpu.memref_squeeze %dma_start3A_31 : memref<1x128xi32, #tpu.memory_space<vmem>> -> memref<128xi32, #tpu.memory_space<vmem>>
    %dma_start3A_33 = arith.constant 0 : i32
    %dma_start3A_34 = arith.constant 0 : i32
    %dma_start3A_35 = tpu.memref_slice %arg3[%dma_start3A_33, %dma_start3A_34] : memref<10240x16xf32, #tpu.memory_space<hbm>> -> memref<10240x16xf32, #tpu.memory_space<hbm>>
    tpu.enqueue_indirect_dma source(%dma_start3A_35 : memref<10240x16xf32, #tpu.memory_space<hbm>>) target(%arg9 : memref<128x16xf32, #tpu.memory_space<vmem>>) offsets(%dma_start3A_32 : memref<128xi32, #tpu.memory_space<vmem>>) semaphore(%arg17 : memref<!tpu.dma_semaphore, #tpu.memory_space<semaphore_mem>>) {add = true}
    %scan3A = arith.constant 0 : i32
    %scan3A_36 = arith.constant 0 : i32
    %scan3A_37 = arith.constant 21 : i32
    %scan3A_38 = arith.addi %scan3A_36, %scan3A_37 : i32
    %scan3A_39 = arith.constant 1 : i32
    scf.for %scan3A_65 = %scan3A_36 to %scan3A_38 step %scan3A_39  : i32 {
      %mul3A_66 = arith.constant 4 : i32
      %mul3A_67 = arith.muli %scan3A_65, %mul3A_66 : i32
      %add3A_68 = arith.constant 0 : i32
      %add3A_69 = arith.addi %mul3A_67, %add3A_68 : i32
      %dma_wait3A_70 = arith.constant 0 : i32
      %dma_wait3A_71 = arith.constant 0 : i32
      %dma_wait3A_72 = tpu.memref_slice %arg8[%dma_wait3A_70, %dma_wait3A_71] : memref<84x128xi32, #tpu.memory_space<vmem>> -> memref<1x128xi32, #tpu.memory_space<vmem>>
      %dma_wait3A_73 = tpu.memref_squeeze %dma_wait3A_72 : memref<1x128xi32, #tpu.memory_space<vmem>> -> memref<128xi32, #tpu.memory_space<vmem>>
      %dma_wait3A_74 = arith.constant 0 : i32
      %dma_wait3A_75 = arith.constant 0 : i32
      %dma_wait3A_76 = tpu.memref_slice %arg3[%dma_wait3A_74, %dma_wait3A_75] : memref<10240x16xf32, #tpu.memory_space<hbm>> -> memref<10240x16xf32, #tpu.memory_space<hbm>>
      tpu.wait_indirect_dma semaphore(%arg17 : memref<!tpu.dma_semaphore, #tpu.memory_space<semaphore_mem>>) src(%dma_wait3A_76 : memref<10240x16xf32, #tpu.memory_space<hbm>>) dst(%arg9 : memref<128x16xf32, #tpu.memory_space<vmem>>)
      %mul3A_77 = arith.constant 128 : i32
      %mul3A_78 = arith.muli %add3A_69, %mul3A_77 : i32
      %add3A_79 = arith.addi %mul3A_2, %mul3A_78 : i32
      %dma_start3A_80 = arith.constant 0 : i32
      %dma_start3A_81 = tpu.memref_slice %arg6[%add3A_79, %dma_start3A_80] : memref<344064x16xf32, #tpu.memory_space<hbm>> -> memref<128x16xf32, #tpu.memory_space<hbm>>
      %dma_start3A_82 = arith.constant 0 : i32
      %dma_start3A_83 = tpu.memref_slice %arg6[%add3A_79, %dma_start3A_82] : memref<344064x16xf32, #tpu.memory_space<hbm>> -> memref<128x16xf32, #tpu.memory_space<hbm>>
      tpu.enqueue_dma source(%arg9 : memref<128x16xf32, #tpu.memory_space<vmem>>) target(%dma_start3A_83 : memref<128x16xf32, #tpu.memory_space<hbm>>) target_semaphore(%arg21 : memref<!tpu.dma_semaphore, #tpu.memory_space<semaphore_mem>>)
      %add3A_84 = arith.constant 1 : i32
      %add3A_85 = arith.addi %add3A_69, %add3A_84 : i32
      %lt3A = arith.constant 84 : i32
      %lt3A_86 = arith.cmpi slt, %add3A_85, %lt3A : i32
      %convert_element_type3A = arith.extui %lt3A_86 : i1 to i32
      %cond3A = arith.constant 0 : i32
      %cond3A_87 = arith.cmpi ne, %convert_element_type3A, %cond3A : i32
      scf.if %cond3A_87 {
        %dma_wait3A_192 = arith.constant 1 : i32
        %dma_wait3A_193 = arith.constant 0 : i32
        %dma_wait3A_194 = tpu.memref_slice %arg7[%dma_wait3A_192, %dma_wait3A_193] : memref<84x128xi32, #tpu.memory_space<vmem>> -> memref<1x128xi32, #tpu.memory_space<vmem>>
        %dma_wait3A_195 = tpu.memref_squeeze %dma_wait3A_194 : memref<1x128xi32, #tpu.memory_space<vmem>> -> memref<128xi32, #tpu.memory_space<vmem>>
        %dma_wait3A_196 = arith.constant 0 : i32
        %dma_wait3A_197 = arith.constant 0 : i32
        %dma_wait3A_198 = tpu.memref_slice %arg2[%dma_wait3A_196, %dma_wait3A_197] : memref<10240x16xf32, #tpu.memory_space<hbm>> -> memref<10240x16xf32, #tpu.memory_space<hbm>>
        tpu.wait_indirect_dma semaphore(%arg14 : memref<!tpu.dma_semaphore, #tpu.memory_space<semaphore_mem>>) src(%dma_wait3A_198 : memref<10240x16xf32, #tpu.memory_space<hbm>>) dst(%arg10 : memref<128x16xf32, #tpu.memory_space<vmem>>)
        %add3A_199 = arith.constant 1 : i32
        %add3A_200 = arith.addi %add3A_69, %add3A_199 : i32
        %dma_start3A_201 = arith.constant 0 : i32
        %dma_start3A_202 = tpu.memref_slice %arg8[%add3A_200, %dma_start3A_201] : memref<84x128xi32, #tpu.memory_space<vmem>> -> memref<1x128xi32, #tpu.memory_space<vmem>>
        %dma_start3A_203 = tpu.memref_squeeze %dma_start3A_202 : memref<1x128xi32, #tpu.memory_space<vmem>> -> memref<128xi32, #tpu.memory_space<vmem>>
        %dma_start3A_204 = arith.constant 0 : i32
        %dma_start3A_205 = arith.constant 0 : i32
        %dma_start3A_206 = tpu.memref_slice %arg3[%dma_start3A_204, %dma_start3A_205] : memref<10240x16xf32, #tpu.memory_space<hbm>> -> memref<10240x16xf32, #tpu.memory_space<hbm>>
        tpu.enqueue_indirect_dma source(%dma_start3A_206 : memref<10240x16xf32, #tpu.memory_space<hbm>>) target(%arg10 : memref<128x16xf32, #tpu.memory_space<vmem>>) offsets(%dma_start3A_203 : memref<128xi32, #tpu.memory_space<vmem>>) semaphore(%arg18 : memref<!tpu.dma_semaphore, #tpu.memory_space<semaphore_mem>>) {add = true}
      } else {
      }
      %add3A_88 = arith.constant 4 : i32
      %add3A_89 = arith.addi %add3A_69, %add3A_88 : i32
      %sub3A = arith.constant 1 : i32
      %sub3A_90 = arith.subi %add3A_89, %sub3A : i32
      %lt3A_91 = arith.constant 84 : i32
      %lt3A_92 = arith.cmpi slt, %sub3A_90, %lt3A_91 : i32
      %convert_element_type3A_93 = arith.extui %lt3A_92 : i1 to i32
      %cond3A_94 = arith.constant 0 : i32
      %cond3A_95 = arith.cmpi ne, %convert_element_type3A_93, %cond3A_94 : i32
      scf.if %cond3A_95 {
        %ge3A = arith.constant 1 : i32
        %ge3A_192 = arith.cmpi sge, %add3A_69, %ge3A : i32
        %convert_element_type3A_193 = arith.extui %ge3A_192 : i1 to i32
        %cond3A_194 = arith.constant 0 : i32
        %cond3A_195 = arith.cmpi ne, %convert_element_type3A_193, %cond3A_194 : i32
        scf.if %cond3A_195 {
          %dma_wait3A_202 = arith.constant 0 : i32
          %dma_wait3A_203 = arith.constant 0 : i32
          %dma_wait3A_204 = tpu.memref_slice %arg6[%dma_wait3A_202, %dma_wait3A_203] : memref<344064x16xf32, #tpu.memory_space<hbm>> -> memref<128x16xf32, #tpu.memory_space<hbm>>
          %dma_wait3A_205 = arith.constant 0 : i32
          %dma_wait3A_206 = arith.constant 0 : i32
          %dma_wait3A_207 = tpu.memref_slice %arg6[%dma_wait3A_205, %dma_wait3A_206] : memref<344064x16xf32, #tpu.memory_space<hbm>> -> memref<128x16xf32, #tpu.memory_space<hbm>>
          tpu.wait_dma2 semaphore(%arg24 : memref<!tpu.dma_semaphore, #tpu.memory_space<semaphore_mem>>) src(%arg12 : memref<128x16xf32, #tpu.memory_space<vmem>>) dst(%dma_wait3A_207 : memref<128x16xf32, #tpu.memory_space<hbm>>)
        } else {
        }
        %dma_start3A_196 = arith.constant 0 : i32
        %dma_start3A_197 = tpu.memref_slice %arg7[%sub3A_90, %dma_start3A_196] : memref<84x128xi32, #tpu.memory_space<vmem>> -> memref<1x128xi32, #tpu.memory_space<vmem>>
        %dma_start3A_198 = tpu.memref_squeeze %dma_start3A_197 : memref<1x128xi32, #tpu.memory_space<vmem>> -> memref<128xi32, #tpu.memory_space<vmem>>
        %dma_start3A_199 = arith.constant 0 : i32
        %dma_start3A_200 = arith.constant 0 : i32
        %dma_start3A_201 = tpu.memref_slice %arg2[%dma_start3A_199, %dma_start3A_200] : memref<10240x16xf32, #tpu.memory_space<hbm>> -> memref<10240x16xf32, #tpu.memory_space<hbm>>
        tpu.enqueue_indirect_dma source(%dma_start3A_201 : memref<10240x16xf32, #tpu.memory_space<hbm>>) target(%arg12 : memref<128x16xf32, #tpu.memory_space<vmem>>) offsets(%dma_start3A_198 : memref<128xi32, #tpu.memory_space<vmem>>) semaphore(%arg16 : memref<!tpu.dma_semaphore, #tpu.memory_space<semaphore_mem>>)
      } else {
      }
      %add3A_96 = arith.constant 1 : i32
      %add3A_97 = arith.addi %mul3A_67, %add3A_96 : i32
      %dma_wait3A_98 = arith.constant 1 : i32
      %dma_wait3A_99 = arith.constant 0 : i32
      %dma_wait3A_100 = tpu.memref_slice %arg8[%dma_wait3A_98, %dma_wait3A_99] : memref<84x128xi32, #tpu.memory_space<vmem>> -> memref<1x128xi32, #tpu.memory_space<vmem>>
      %dma_wait3A_101 = tpu.memref_squeeze %dma_wait3A_100 : memref<1x128xi32, #tpu.memory_space<vmem>> -> memref<128xi32, #tpu.memory_space<vmem>>
      %dma_wait3A_102 = arith.constant 0 : i32
      %dma_wait3A_103 = arith.constant 0 : i32
      %dma_wait3A_104 = tpu.memref_slice %arg3[%dma_wait3A_102, %dma_wait3A_103] : memref<10240x16xf32, #tpu.memory_space<hbm>> -> memref<10240x16xf32, #tpu.memory_space<hbm>>
      tpu.wait_indirect_dma semaphore(%arg18 : memref<!tpu.dma_semaphore, #tpu.memory_space<semaphore_mem>>) src(%dma_wait3A_104 : memref<10240x16xf32, #tpu.memory_space<hbm>>) dst(%arg10 : memref<128x16xf32, #tpu.memory_space<vmem>>)
      %mul3A_105 = arith.constant 128 : i32
      %mul3A_106 = arith.muli %add3A_97, %mul3A_105 : i32
      %add3A_107 = arith.addi %mul3A_2, %mul3A_106 : i32
      %dma_start3A_108 = arith.constant 0 : i32
      %dma_start3A_109 = tpu.memref_slice %arg6[%add3A_107, %dma_start3A_108] : memref<344064x16xf32, #tpu.memory_space<hbm>> -> memref<128x16xf32, #tpu.memory_space<hbm>>
      %dma_start3A_110 = arith.constant 0 : i32
      %dma_start3A_111 = tpu.memref_slice %arg6[%add3A_107, %dma_start3A_110] : memref<344064x16xf32, #tpu.memory_space<hbm>> -> memref<128x16xf32, #tpu.memory_space<hbm>>
      tpu.enqueue_dma source(%arg10 : memref<128x16xf32, #tpu.memory_space<vmem>>) target(%dma_start3A_111 : memref<128x16xf32, #tpu.memory_space<hbm>>) target_semaphore(%arg22 : memref<!tpu.dma_semaphore, #tpu.memory_space<semaphore_mem>>)
      %add3A_112 = arith.constant 1 : i32
      %add3A_113 = arith.addi %add3A_97, %add3A_112 : i32
      %lt3A_114 = arith.constant 84 : i32
      %lt3A_115 = arith.cmpi slt, %add3A_113, %lt3A_114 : i32
      %convert_element_type3A_116 = arith.extui %lt3A_115 : i1 to i32
      %cond3A_117 = arith.constant 0 : i32
      %cond3A_118 = arith.cmpi ne, %convert_element_type3A_116, %cond3A_117 : i32
      scf.if %cond3A_118 {
        %dma_wait3A_192 = arith.constant 2 : i32
        %dma_wait3A_193 = arith.constant 0 : i32
        %dma_wait3A_194 = tpu.memref_slice %arg7[%dma_wait3A_192, %dma_wait3A_193] : memref<84x128xi32, #tpu.memory_space<vmem>> -> memref<1x128xi32, #tpu.memory_space<vmem>>
        %dma_wait3A_195 = tpu.memref_squeeze %dma_wait3A_194 : memref<1x128xi32, #tpu.memory_space<vmem>> -> memref<128xi32, #tpu.memory_space<vmem>>
        %dma_wait3A_196 = arith.constant 0 : i32
        %dma_wait3A_197 = arith.constant 0 : i32
        %dma_wait3A_198 = tpu.memref_slice %arg2[%dma_wait3A_196, %dma_wait3A_197] : memref<10240x16xf32, #tpu.memory_space<hbm>> -> memref<10240x16xf32, #tpu.memory_space<hbm>>
        tpu.wait_indirect_dma semaphore(%arg15 : memref<!tpu.dma_semaphore, #tpu.memory_space<semaphore_mem>>) src(%dma_wait3A_198 : memref<10240x16xf32, #tpu.memory_space<hbm>>) dst(%arg11 : memref<128x16xf32, #tpu.memory_space<vmem>>)
        %add3A_199 = arith.constant 1 : i32
        %add3A_200 = arith.addi %add3A_97, %add3A_199 : i32
        %dma_start3A_201 = arith.constant 0 : i32
        %dma_start3A_202 = tpu.memref_slice %arg8[%add3A_200, %dma_start3A_201] : memref<84x128xi32, #tpu.memory_space<vmem>> -> memref<1x128xi32, #tpu.memory_space<vmem>>
        %dma_start3A_203 = tpu.memref_squeeze %dma_start3A_202 : memref<1x128xi32, #tpu.memory_space<vmem>> -> memref<128xi32, #tpu.memory_space<vmem>>
        %dma_start3A_204 = arith.constant 0 : i32
        %dma_start3A_205 = arith.constant 0 : i32
        %dma_start3A_206 = tpu.memref_slice %arg3[%dma_start3A_204, %dma_start3A_205] : memref<10240x16xf32, #tpu.memory_space<hbm>> -> memref<10240x16xf32, #tpu.memory_space<hbm>>
        tpu.enqueue_indirect_dma source(%dma_start3A_206 : memref<10240x16xf32, #tpu.memory_space<hbm>>) target(%arg11 : memref<128x16xf32, #tpu.memory_space<vmem>>) offsets(%dma_start3A_203 : memref<128xi32, #tpu.memory_space<vmem>>) semaphore(%arg19 : memref<!tpu.dma_semaphore, #tpu.memory_space<semaphore_mem>>) {add = true}
      } else {
      }
      %add3A_119 = arith.constant 4 : i32
      %add3A_120 = arith.addi %add3A_97, %add3A_119 : i32
      %sub3A_121 = arith.constant 1 : i32
      %sub3A_122 = arith.subi %add3A_120, %sub3A_121 : i32
      %lt3A_123 = arith.constant 84 : i32
      %lt3A_124 = arith.cmpi slt, %sub3A_122, %lt3A_123 : i32
      %convert_element_type3A_125 = arith.extui %lt3A_124 : i1 to i32
      %cond3A_126 = arith.constant 0 : i32
      %cond3A_127 = arith.cmpi ne, %convert_element_type3A_125, %cond3A_126 : i32
      scf.if %cond3A_127 {
        %ge3A = arith.constant 1 : i32
        %ge3A_192 = arith.cmpi sge, %add3A_97, %ge3A : i32
        %convert_element_type3A_193 = arith.extui %ge3A_192 : i1 to i32
        %cond3A_194 = arith.constant 0 : i32
        %cond3A_195 = arith.cmpi ne, %convert_element_type3A_193, %cond3A_194 : i32
        scf.if %cond3A_195 {
          %dma_wait3A_202 = arith.constant 0 : i32
          %dma_wait3A_203 = arith.constant 0 : i32
          %dma_wait3A_204 = tpu.memref_slice %arg6[%dma_wait3A_202, %dma_wait3A_203] : memref<344064x16xf32, #tpu.memory_space<hbm>> -> memref<128x16xf32, #tpu.memory_space<hbm>>
          %dma_wait3A_205 = arith.constant 0 : i32
          %dma_wait3A_206 = arith.constant 0 : i32
          %dma_wait3A_207 = tpu.memref_slice %arg6[%dma_wait3A_205, %dma_wait3A_206] : memref<344064x16xf32, #tpu.memory_space<hbm>> -> memref<128x16xf32, #tpu.memory_space<hbm>>
          tpu.wait_dma2 semaphore(%arg21 : memref<!tpu.dma_semaphore, #tpu.memory_space<semaphore_mem>>) src(%arg9 : memref<128x16xf32, #tpu.memory_space<vmem>>) dst(%dma_wait3A_207 : memref<128x16xf32, #tpu.memory_space<hbm>>)
        } else {
        }
        %dma_start3A_196 = arith.constant 0 : i32
        %dma_start3A_197 = tpu.memref_slice %arg7[%sub3A_122, %dma_start3A_196] : memref<84x128xi32, #tpu.memory_space<vmem>> -> memref<1x128xi32, #tpu.memory_space<vmem>>
        %dma_start3A_198 = tpu.memref_squeeze %dma_start3A_197 : memref<1x128xi32, #tpu.memory_space<vmem>> -> memref<128xi32, #tpu.memory_space<vmem>>
        %dma_start3A_199 = arith.constant 0 : i32
        %dma_start3A_200 = arith.constant 0 : i32
        %dma_start3A_201 = tpu.memref_slice %arg2[%dma_start3A_199, %dma_start3A_200] : memref<10240x16xf32, #tpu.memory_space<hbm>> -> memref<10240x16xf32, #tpu.memory_space<hbm>>
        tpu.enqueue_indirect_dma source(%dma_start3A_201 : memref<10240x16xf32, #tpu.memory_space<hbm>>) target(%arg9 : memref<128x16xf32, #tpu.memory_space<vmem>>) offsets(%dma_start3A_198 : memref<128xi32, #tpu.memory_space<vmem>>) semaphore(%arg13 : memref<!tpu.dma_semaphore, #tpu.memory_space<semaphore_mem>>)
      } else {
      }
      %add3A_128 = arith.constant 2 : i32
      %add3A_129 = arith.addi %mul3A_67, %add3A_128 : i32
      %dma_wait3A_130 = arith.constant 2 : i32
      %dma_wait3A_131 = arith.constant 0 : i32
      %dma_wait3A_132 = tpu.memref_slice %arg8[%dma_wait3A_130, %dma_wait3A_131] : memref<84x128xi32, #tpu.memory_space<vmem>> -> memref<1x128xi32, #tpu.memory_space<vmem>>
      %dma_wait3A_133 = tpu.memref_squeeze %dma_wait3A_132 : memref<1x128xi32, #tpu.memory_space<vmem>> -> memref<128xi32, #tpu.memory_space<vmem>>
      %dma_wait3A_134 = arith.constant 0 : i32
      %dma_wait3A_135 = arith.constant 0 : i32
      %dma_wait3A_136 = tpu.memref_slice %arg3[%dma_wait3A_134, %dma_wait3A_135] : memref<10240x16xf32, #tpu.memory_space<hbm>> -> memref<10240x16xf32, #tpu.memory_space<hbm>>
      tpu.wait_indirect_dma semaphore(%arg19 : memref<!tpu.dma_semaphore, #tpu.memory_space<semaphore_mem>>) src(%dma_wait3A_136 : memref<10240x16xf32, #tpu.memory_space<hbm>>) dst(%arg11 : memref<128x16xf32, #tpu.memory_space<vmem>>)
      %mul3A_137 = arith.constant 128 : i32
      %mul3A_138 = arith.muli %add3A_129, %mul3A_137 : i32
      %add3A_139 = arith.addi %mul3A_2, %mul3A_138 : i32
      %dma_start3A_140 = arith.constant 0 : i32
      %dma_start3A_141 = tpu.memref_slice %arg6[%add3A_139, %dma_start3A_140] : memref<344064x16xf32, #tpu.memory_space<hbm>> -> memref<128x16xf32, #tpu.memory_space<hbm>>
      %dma_start3A_142 = arith.constant 0 : i32
      %dma_start3A_143 = tpu.memref_slice %arg6[%add3A_139, %dma_start3A_142] : memref<344064x16xf32, #tpu.memory_space<hbm>> -> memref<128x16xf32, #tpu.memory_space<hbm>>
      tpu.enqueue_dma source(%arg11 : memref<128x16xf32, #tpu.memory_space<vmem>>) target(%dma_start3A_143 : memref<128x16xf32, #tpu.memory_space<hbm>>) target_semaphore(%arg23 : memref<!tpu.dma_semaphore, #tpu.memory_space<semaphore_mem>>)
      %add3A_144 = arith.constant 1 : i32
      %add3A_145 = arith.addi %add3A_129, %add3A_144 : i32
      %lt3A_146 = arith.constant 84 : i32
      %lt3A_147 = arith.cmpi slt, %add3A_145, %lt3A_146 : i32
      %convert_element_type3A_148 = arith.extui %lt3A_147 : i1 to i32
      %cond3A_149 = arith.constant 0 : i32
      %cond3A_150 = arith.cmpi ne, %convert_element_type3A_148, %cond3A_149 : i32
      scf.if %cond3A_150 {
        %dma_wait3A_192 = arith.constant 3 : i32
        %dma_wait3A_193 = arith.constant 0 : i32
        %dma_wait3A_194 = tpu.memref_slice %arg7[%dma_wait3A_192, %dma_wait3A_193] : memref<84x128xi32, #tpu.memory_space<vmem>> -> memref<1x128xi32, #tpu.memory_space<vmem>>
        %dma_wait3A_195 = tpu.memref_squeeze %dma_wait3A_194 : memref<1x128xi32, #tpu.memory_space<vmem>> -> memref<128xi32, #tpu.memory_space<vmem>>
        %dma_wait3A_196 = arith.constant 0 : i32
        %dma_wait3A_197 = arith.constant 0 : i32
        %dma_wait3A_198 = tpu.memref_slice %arg2[%dma_wait3A_196, %dma_wait3A_197] : memref<10240x16xf32, #tpu.memory_space<hbm>> -> memref<10240x16xf32, #tpu.memory_space<hbm>>
        tpu.wait_indirect_dma semaphore(%arg16 : memref<!tpu.dma_semaphore, #tpu.memory_space<semaphore_mem>>) src(%dma_wait3A_198 : memref<10240x16xf32, #tpu.memory_space<hbm>>) dst(%arg12 : memref<128x16xf32, #tpu.memory_space<vmem>>)
        %add3A_199 = arith.constant 1 : i32
        %add3A_200 = arith.addi %add3A_129, %add3A_199 : i32
        %dma_start3A_201 = arith.constant 0 : i32
        %dma_start3A_202 = tpu.memref_slice %arg8[%add3A_200, %dma_start3A_201] : memref<84x128xi32, #tpu.memory_space<vmem>> -> memref<1x128xi32, #tpu.memory_space<vmem>>
        %dma_start3A_203 = tpu.memref_squeeze %dma_start3A_202 : memref<1x128xi32, #tpu.memory_space<vmem>> -> memref<128xi32, #tpu.memory_space<vmem>>
        %dma_start3A_204 = arith.constant 0 : i32
        %dma_start3A_205 = arith.constant 0 : i32
        %dma_start3A_206 = tpu.memref_slice %arg3[%dma_start3A_204, %dma_start3A_205] : memref<10240x16xf32, #tpu.memory_space<hbm>> -> memref<10240x16xf32, #tpu.memory_space<hbm>>
        tpu.enqueue_indirect_dma source(%dma_start3A_206 : memref<10240x16xf32, #tpu.memory_space<hbm>>) target(%arg12 : memref<128x16xf32, #tpu.memory_space<vmem>>) offsets(%dma_start3A_203 : memref<128xi32, #tpu.memory_space<vmem>>) semaphore(%arg20 : memref<!tpu.dma_semaphore, #tpu.memory_space<semaphore_mem>>) {add = true}
      } else {
      }
      %add3A_151 = arith.constant 4 : i32
      %add3A_152 = arith.addi %add3A_129, %add3A_151 : i32
      %sub3A_153 = arith.constant 1 : i32
      %sub3A_154 = arith.subi %add3A_152, %sub3A_153 : i32
      %lt3A_155 = arith.constant 84 : i32
      %lt3A_156 = arith.cmpi slt, %sub3A_154, %lt3A_155 : i32
      %convert_element_type3A_157 = arith.extui %lt3A_156 : i1 to i32
      %cond3A_158 = arith.constant 0 : i32
      %cond3A_159 = arith.cmpi ne, %convert_element_type3A_157, %cond3A_158 : i32
      scf.if %cond3A_159 {
        %ge3A = arith.constant 1 : i32
        %ge3A_192 = arith.cmpi sge, %add3A_129, %ge3A : i32
        %convert_element_type3A_193 = arith.extui %ge3A_192 : i1 to i32
        %cond3A_194 = arith.constant 0 : i32
        %cond3A_195 = arith.cmpi ne, %convert_element_type3A_193, %cond3A_194 : i32
        scf.if %cond3A_195 {
          %dma_wait3A_202 = arith.constant 0 : i32
          %dma_wait3A_203 = arith.constant 0 : i32
          %dma_wait3A_204 = tpu.memref_slice %arg6[%dma_wait3A_202, %dma_wait3A_203] : memref<344064x16xf32, #tpu.memory_space<hbm>> -> memref<128x16xf32, #tpu.memory_space<hbm>>
          %dma_wait3A_205 = arith.constant 0 : i32
          %dma_wait3A_206 = arith.constant 0 : i32
          %dma_wait3A_207 = tpu.memref_slice %arg6[%dma_wait3A_205, %dma_wait3A_206] : memref<344064x16xf32, #tpu.memory_space<hbm>> -> memref<128x16xf32, #tpu.memory_space<hbm>>
          tpu.wait_dma2 semaphore(%arg22 : memref<!tpu.dma_semaphore, #tpu.memory_space<semaphore_mem>>) src(%arg10 : memref<128x16xf32, #tpu.memory_space<vmem>>) dst(%dma_wait3A_207 : memref<128x16xf32, #tpu.memory_space<hbm>>)
        } else {
        }
        %dma_start3A_196 = arith.constant 0 : i32
        %dma_start3A_197 = tpu.memref_slice %arg7[%sub3A_154, %dma_start3A_196] : memref<84x128xi32, #tpu.memory_space<vmem>> -> memref<1x128xi32, #tpu.memory_space<vmem>>
        %dma_start3A_198 = tpu.memref_squeeze %dma_start3A_197 : memref<1x128xi32, #tpu.memory_space<vmem>> -> memref<128xi32, #tpu.memory_space<vmem>>
        %dma_start3A_199 = arith.constant 0 : i32
        %dma_start3A_200 = arith.constant 0 : i32
        %dma_start3A_201 = tpu.memref_slice %arg2[%dma_start3A_199, %dma_start3A_200] : memref<10240x16xf32, #tpu.memory_space<hbm>> -> memref<10240x16xf32, #tpu.memory_space<hbm>>
        tpu.enqueue_indirect_dma source(%dma_start3A_201 : memref<10240x16xf32, #tpu.memory_space<hbm>>) target(%arg10 : memref<128x16xf32, #tpu.memory_space<vmem>>) offsets(%dma_start3A_198 : memref<128xi32, #tpu.memory_space<vmem>>) semaphore(%arg14 : memref<!tpu.dma_semaphore, #tpu.memory_space<semaphore_mem>>)
      } else {
      }
      %add3A_160 = arith.constant 3 : i32
      %add3A_161 = arith.addi %mul3A_67, %add3A_160 : i32
      %dma_wait3A_162 = arith.constant 3 : i32
      %dma_wait3A_163 = arith.constant 0 : i32
      %dma_wait3A_164 = tpu.memref_slice %arg8[%dma_wait3A_162, %dma_wait3A_163] : memref<84x128xi32, #tpu.memory_space<vmem>> -> memref<1x128xi32, #tpu.memory_space<vmem>>
      %dma_wait3A_165 = tpu.memref_squeeze %dma_wait3A_164 : memref<1x128xi32, #tpu.memory_space<vmem>> -> memref<128xi32, #tpu.memory_space<vmem>>
      %dma_wait3A_166 = arith.constant 0 : i32
      %dma_wait3A_167 = arith.constant 0 : i32
      %dma_wait3A_168 = tpu.memref_slice %arg3[%dma_wait3A_166, %dma_wait3A_167] : memref<10240x16xf32, #tpu.memory_space<hbm>> -> memref<10240x16xf32, #tpu.memory_space<hbm>>
      tpu.wait_indirect_dma semaphore(%arg20 : memref<!tpu.dma_semaphore, #tpu.memory_space<semaphore_mem>>) src(%dma_wait3A_168 : memref<10240x16xf32, #tpu.memory_space<hbm>>) dst(%arg12 : memref<128x16xf32, #tpu.memory_space<vmem>>)
      %mul3A_169 = arith.constant 128 : i32
      %mul3A_170 = arith.muli %add3A_161, %mul3A_169 : i32
      %add3A_171 = arith.addi %mul3A_2, %mul3A_170 : i32
      %dma_start3A_172 = arith.constant 0 : i32
      %dma_start3A_173 = tpu.memref_slice %arg6[%add3A_171, %dma_start3A_172] : memref<344064x16xf32, #tpu.memory_space<hbm>> -> memref<128x16xf32, #tpu.memory_space<hbm>>
      %dma_start3A_174 = arith.constant 0 : i32
      %dma_start3A_175 = tpu.memref_slice %arg6[%add3A_171, %dma_start3A_174] : memref<344064x16xf32, #tpu.memory_space<hbm>> -> memref<128x16xf32, #tpu.memory_space<hbm>>
      tpu.enqueue_dma source(%arg12 : memref<128x16xf32, #tpu.memory_space<vmem>>) target(%dma_start3A_175 : memref<128x16xf32, #tpu.memory_space<hbm>>) target_semaphore(%arg24 : memref<!tpu.dma_semaphore, #tpu.memory_space<semaphore_mem>>)
      %add3A_176 = arith.constant 1 : i32
      %add3A_177 = arith.addi %add3A_161, %add3A_176 : i32
      %lt3A_178 = arith.constant 84 : i32
      %lt3A_179 = arith.cmpi slt, %add3A_177, %lt3A_178 : i32
      %convert_element_type3A_180 = arith.extui %lt3A_179 : i1 to i32
      %cond3A_181 = arith.constant 0 : i32
      %cond3A_182 = arith.cmpi ne, %convert_element_type3A_180, %cond3A_181 : i32
      scf.if %cond3A_182 {
        %dma_wait3A_192 = arith.constant 0 : i32
        %dma_wait3A_193 = arith.constant 0 : i32
        %dma_wait3A_194 = tpu.memref_slice %arg7[%dma_wait3A_192, %dma_wait3A_193] : memref<84x128xi32, #tpu.memory_space<vmem>> -> memref<1x128xi32, #tpu.memory_space<vmem>>
        %dma_wait3A_195 = tpu.memref_squeeze %dma_wait3A_194 : memref<1x128xi32, #tpu.memory_space<vmem>> -> memref<128xi32, #tpu.memory_space<vmem>>
        %dma_wait3A_196 = arith.constant 0 : i32
        %dma_wait3A_197 = arith.constant 0 : i32
        %dma_wait3A_198 = tpu.memref_slice %arg2[%dma_wait3A_196, %dma_wait3A_197] : memref<10240x16xf32, #tpu.memory_space<hbm>> -> memref<10240x16xf32, #tpu.memory_space<hbm>>
        tpu.wait_indirect_dma semaphore(%arg13 : memref<!tpu.dma_semaphore, #tpu.memory_space<semaphore_mem>>) src(%dma_wait3A_198 : memref<10240x16xf32, #tpu.memory_space<hbm>>) dst(%arg9 : memref<128x16xf32, #tpu.memory_space<vmem>>)
        %add3A_199 = arith.constant 1 : i32
        %add3A_200 = arith.addi %add3A_161, %add3A_199 : i32
        %dma_start3A_201 = arith.constant 0 : i32
        %dma_start3A_202 = tpu.memref_slice %arg8[%add3A_200, %dma_start3A_201] : memref<84x128xi32, #tpu.memory_space<vmem>> -> memref<1x128xi32, #tpu.memory_space<vmem>>
        %dma_start3A_203 = tpu.memref_squeeze %dma_start3A_202 : memref<1x128xi32, #tpu.memory_space<vmem>> -> memref<128xi32, #tpu.memory_space<vmem>>
        %dma_start3A_204 = arith.constant 0 : i32
        %dma_start3A_205 = arith.constant 0 : i32
        %dma_start3A_206 = tpu.memref_slice %arg3[%dma_start3A_204, %dma_start3A_205] : memref<10240x16xf32, #tpu.memory_space<hbm>> -> memref<10240x16xf32, #tpu.memory_space<hbm>>
        tpu.enqueue_indirect_dma source(%dma_start3A_206 : memref<10240x16xf32, #tpu.memory_space<hbm>>) target(%arg9 : memref<128x16xf32, #tpu.memory_space<vmem>>) offsets(%dma_start3A_203 : memref<128xi32, #tpu.memory_space<vmem>>) semaphore(%arg17 : memref<!tpu.dma_semaphore, #tpu.memory_space<semaphore_mem>>) {add = true}
      } else {
      }
      %add3A_183 = arith.constant 4 : i32
      %add3A_184 = arith.addi %add3A_161, %add3A_183 : i32
      %sub3A_185 = arith.constant 1 : i32
      %sub3A_186 = arith.subi %add3A_184, %sub3A_185 : i32
      %lt3A_187 = arith.constant 84 : i32
      %lt3A_188 = arith.cmpi slt, %sub3A_186, %lt3A_187 : i32
      %convert_element_type3A_189 = arith.extui %lt3A_188 : i1 to i32
      %cond3A_190 = arith.constant 0 : i32
      %cond3A_191 = arith.cmpi ne, %convert_element_type3A_189, %cond3A_190 : i32
      scf.if %cond3A_191 {
        %ge3A = arith.constant 1 : i32
        %ge3A_192 = arith.cmpi sge, %add3A_161, %ge3A : i32
        %convert_element_type3A_193 = arith.extui %ge3A_192 : i1 to i32
        %cond3A_194 = arith.constant 0 : i32
        %cond3A_195 = arith.cmpi ne, %convert_element_type3A_193, %cond3A_194 : i32
        scf.if %cond3A_195 {
          %dma_wait3A_202 = arith.constant 0 : i32
          %dma_wait3A_203 = arith.constant 0 : i32
          %dma_wait3A_204 = tpu.memref_slice %arg6[%dma_wait3A_202, %dma_wait3A_203] : memref<344064x16xf32, #tpu.memory_space<hbm>> -> memref<128x16xf32, #tpu.memory_space<hbm>>
          %dma_wait3A_205 = arith.constant 0 : i32
          %dma_wait3A_206 = arith.constant 0 : i32
          %dma_wait3A_207 = tpu.memref_slice %arg6[%dma_wait3A_205, %dma_wait3A_206] : memref<344064x16xf32, #tpu.memory_space<hbm>> -> memref<128x16xf32, #tpu.memory_space<hbm>>
          tpu.wait_dma2 semaphore(%arg23 : memref<!tpu.dma_semaphore, #tpu.memory_space<semaphore_mem>>) src(%arg11 : memref<128x16xf32, #tpu.memory_space<vmem>>) dst(%dma_wait3A_207 : memref<128x16xf32, #tpu.memory_space<hbm>>)
        } else {
        }
        %dma_start3A_196 = arith.constant 0 : i32
        %dma_start3A_197 = tpu.memref_slice %arg7[%sub3A_186, %dma_start3A_196] : memref<84x128xi32, #tpu.memory_space<vmem>> -> memref<1x128xi32, #tpu.memory_space<vmem>>
        %dma_start3A_198 = tpu.memref_squeeze %dma_start3A_197 : memref<1x128xi32, #tpu.memory_space<vmem>> -> memref<128xi32, #tpu.memory_space<vmem>>
        %dma_start3A_199 = arith.constant 0 : i32
        %dma_start3A_200 = arith.constant 0 : i32
        %dma_start3A_201 = tpu.memref_slice %arg2[%dma_start3A_199, %dma_start3A_200] : memref<10240x16xf32, #tpu.memory_space<hbm>> -> memref<10240x16xf32, #tpu.memory_space<hbm>>
        tpu.enqueue_indirect_dma source(%dma_start3A_201 : memref<10240x16xf32, #tpu.memory_space<hbm>>) target(%arg11 : memref<128x16xf32, #tpu.memory_space<vmem>>) offsets(%dma_start3A_198 : memref<128xi32, #tpu.memory_space<vmem>>) semaphore(%arg15 : memref<!tpu.dma_semaphore, #tpu.memory_space<semaphore_mem>>)
      } else {
      }
    }
    %scan3A_40 = arith.constant 21 : i32
    %dma_wait3A_41 = arith.constant 0 : i32
    %dma_wait3A_42 = arith.constant 0 : i32
    %dma_wait3A_43 = tpu.memref_slice %arg6[%dma_wait3A_41, %dma_wait3A_42] : memref<344064x16xf32, #tpu.memory_space<hbm>> -> memref<128x16xf32, #tpu.memory_space<hbm>>
    %dma_wait3A_44 = arith.constant 0 : i32
    %dma_wait3A_45 = arith.constant 0 : i32
    %dma_wait3A_46 = tpu.memref_slice %arg6[%dma_wait3A_44, %dma_wait3A_45] : memref<344064x16xf32, #tpu.memory_space<hbm>> -> memref<128x16xf32, #tpu.memory_space<hbm>>
    tpu.wait_dma2 semaphore(%arg21 : memref<!tpu.dma_semaphore, #tpu.memory_space<semaphore_mem>>) src(%arg9 : memref<128x16xf32, #tpu.memory_space<vmem>>) dst(%dma_wait3A_46 : memref<128x16xf32, #tpu.memory_space<hbm>>)
    %dma_wait3A_47 = arith.constant 0 : i32
    %dma_wait3A_48 = arith.constant 0 : i32
    %dma_wait3A_49 = tpu.memref_slice %arg6[%dma_wait3A_47, %dma_wait3A_48] : memref<344064x16xf32, #tpu.memory_space<hbm>> -> memref<128x16xf32, #tpu.memory_space<hbm>>
    %dma_wait3A_50 = arith.constant 0 : i32
    %dma_wait3A_51 = arith.constant 0 : i32
    %dma_wait3A_52 = tpu.memref_slice %arg6[%dma_wait3A_50, %dma_wait3A_51] : memref<344064x16xf32, #tpu.memory_space<hbm>> -> memref<128x16xf32, #tpu.memory_space<hbm>>
    tpu.wait_dma2 semaphore(%arg22 : memref<!tpu.dma_semaphore, #tpu.memory_space<semaphore_mem>>) src(%arg10 : memref<128x16xf32, #tpu.memory_space<vmem>>) dst(%dma_wait3A_52 : memref<128x16xf32, #tpu.memory_space<hbm>>)
    %dma_wait3A_53 = arith.constant 0 : i32
    %dma_wait3A_54 = arith.constant 0 : i32
    %dma_wait3A_55 = tpu.memref_slice %arg6[%dma_wait3A_53, %dma_wait3A_54] : memref<344064x16xf32, #tpu.memory_space<hbm>> -> memref<128x16xf32, #tpu.memory_space<hbm>>
    %dma_wait3A_56 = arith.constant 0 : i32
    %dma_wait3A_57 = arith.constant 0 : i32
    %dma_wait3A_58 = tpu.memref_slice %arg6[%dma_wait3A_56, %dma_wait3A_57] : memref<344064x16xf32, #tpu.memory_space<hbm>> -> memref<128x16xf32, #tpu.memory_space<hbm>>
    tpu.wait_dma2 semaphore(%arg23 : memref<!tpu.dma_semaphore, #tpu.memory_space<semaphore_mem>>) src(%arg11 : memref<128x16xf32, #tpu.memory_space<vmem>>) dst(%dma_wait3A_58 : memref<128x16xf32, #tpu.memory_space<hbm>>)
    %dma_wait3A_59 = arith.constant 0 : i32
    %dma_wait3A_60 = arith.constant 0 : i32
    %dma_wait3A_61 = tpu.memref_slice %arg6[%dma_wait3A_59, %dma_wait3A_60] : memref<344064x16xf32, #tpu.memory_space<hbm>> -> memref<128x16xf32, #tpu.memory_space<hbm>>
    %dma_wait3A_62 = arith.constant 0 : i32
    %dma_wait3A_63 = arith.constant 0 : i32
    %dma_wait3A_64 = tpu.memref_slice %arg6[%dma_wait3A_62, %dma_wait3A_63] : memref<344064x16xf32, #tpu.memory_space<hbm>> -> memref<128x16xf32, #tpu.memory_space<hbm>>
    tpu.wait_dma2 semaphore(%arg24 : memref<!tpu.dma_semaphore, #tpu.memory_space<semaphore_mem>>) src(%arg12 : memref<128x16xf32, #tpu.memory_space<vmem>>) dst(%dma_wait3A_64 : memref<128x16xf32, #tpu.memory_space<hbm>>)
    return
  }
}

#map = affine_map<(d0, d1) -> (0, 0)>
#map1 = affine_map<(d0, d1) -> (0, 0, 0)>
module attributes {stable_mosaic.version = 14 : i64} {
  func.func @body(%arg0: i32, %arg1: i32, %arg2: memref<344064x128xf32, #tpu.memory_space<hbm>>, %arg3: memref<32x168x64xi32, #tpu.memory_space<hbm>>, %arg4: memref<640x128xf32, #tpu.memory_space<hbm>>, %arg5: memref<2x10240x128xf32, #tpu.memory_space<hbm>>, %arg6: memref<168x64xi32, #tpu.memory_space<vmem>>, %arg7: memref<64x128xf32, #tpu.memory_space<vmem>>, %arg8: memref<64x128xf32, #tpu.memory_space<vmem>>, %arg9: memref<64x128xf32, #tpu.memory_space<vmem>>, %arg10: memref<!tpu.dma_semaphore, #tpu.memory_space<semaphore_mem>>, %arg11: memref<!tpu.dma_semaphore, #tpu.memory_space<semaphore_mem>>, %arg12: memref<!tpu.dma_semaphore, #tpu.memory_space<semaphore_mem>>, %arg13: memref<!tpu.dma_semaphore, #tpu.memory_space<semaphore_mem>>, %arg14: memref<!tpu.dma_semaphore, #tpu.memory_space<semaphore_mem>>, %arg15: memref<!tpu.dma_semaphore, #tpu.memory_space<semaphore_mem>>, %arg16: memref<10240x128xf32, #tpu.memory_space<vmem_shared>>) attributes {dimension_semantics = [#tpu.dimension_semantics<core_parallel>, #tpu.dimension_semantics<subcore_parallel>], iteration_bounds = array<i64: 2, 16>, scalar_prefetch = 0 : i64, scratch_operands = 11 : i64, tpu.core_type = #tpu.core_type<sc_vector_subcore>, window_params = [{transform_indices = #map}, {transform_indices = #map1}, {transform_indices = #map}, {transform_indices = #map1}]} {
    %mul3A = arith.constant 16 : i32
    %mul3A_0 = arith.muli %arg0, %mul3A : i32
    %add3A = arith.addi %mul3A_0, %arg1 : i32
    %mul3A_1 = arith.constant 10752 : i32
    %mul3A_2 = arith.muli %add3A, %mul3A_1 : i32
    %mul3A_3 = arith.constant 640 : i32
    %mul3A_4 = arith.muli %arg1, %mul3A_3 : i32
    "tpu.region"() ({
      %run_scoped3A = tpu.sem_alloc : memref<!tpu.dma_semaphore, #tpu.memory_space<semaphore_mem>>
      %dma_start3A_46 = arith.constant 0 : i32
      %dma_start3A_47 = tpu.memref_slice %arg16[%mul3A_4, %dma_start3A_46] : memref<10240x128xf32, #tpu.memory_space<vmem_shared>> -> memref<640x128xf32, #tpu.memory_space<vmem_shared>>
      tpu.enqueue_dma source(%arg4 : memref<640x128xf32, #tpu.memory_space<hbm>>) target(%dma_start3A_47 : memref<640x128xf32, #tpu.memory_space<vmem_shared>>) target_semaphore(%run_scoped3A : memref<!tpu.dma_semaphore, #tpu.memory_space<semaphore_mem>>)
      %dma_wait3A_48 = arith.constant 0 : i32
      %dma_wait3A_49 = tpu.memref_slice %arg16[%mul3A_4, %dma_wait3A_48] : memref<10240x128xf32, #tpu.memory_space<vmem_shared>> -> memref<640x128xf32, #tpu.memory_space<vmem_shared>>
      tpu.wait_dma2 semaphore(%run_scoped3A : memref<!tpu.dma_semaphore, #tpu.memory_space<semaphore_mem>>) src(%arg4 : memref<640x128xf32, #tpu.memory_space<hbm>>) dst(%dma_wait3A_49 : memref<640x128xf32, #tpu.memory_space<vmem_shared>>)
      tpu.yield
    }) : () -> ()
    %barrier3A = arith.constant 0 : index
    tpu.barrier barrier_id(%barrier3A)
    "tpu.region"() ({
      %run_scoped3A = tpu.sem_alloc : memref<!tpu.dma_semaphore, #tpu.memory_space<semaphore_mem>>
      %dma_start3A_46 = arith.constant 0 : i32
      %dma_start3A_47 = arith.constant 0 : i32
      %dma_start3A_48 = tpu.memref_slice %arg3[%add3A, %dma_start3A_46, %dma_start3A_47] : memref<32x168x64xi32, #tpu.memory_space<hbm>> -> memref<1x168x64xi32, #tpu.memory_space<hbm>>
      %dma_start3A_49 = tpu.memref_squeeze %dma_start3A_48 : memref<1x168x64xi32, #tpu.memory_space<hbm>> -> memref<168x64xi32, #tpu.memory_space<hbm>>
      %dma_start3A_50 = arith.constant 0 : i32
      %dma_start3A_51 = arith.constant 0 : i32
      %dma_start3A_52 = tpu.memref_slice %arg3[%add3A, %dma_start3A_50, %dma_start3A_51] : memref<32x168x64xi32, #tpu.memory_space<hbm>> -> memref<1x168x64xi32, #tpu.memory_space<hbm>>
      %dma_start3A_53 = tpu.memref_squeeze %dma_start3A_52 : memref<1x168x64xi32, #tpu.memory_space<hbm>> -> memref<168x64xi32, #tpu.memory_space<hbm>>
      tpu.enqueue_dma source(%dma_start3A_53 : memref<168x64xi32, #tpu.memory_space<hbm>>) target(%arg6 : memref<168x64xi32, #tpu.memory_space<vmem>>) target_semaphore(%run_scoped3A : memref<!tpu.dma_semaphore, #tpu.memory_space<semaphore_mem>>)
      %dma_wait3A_54 = arith.constant 0 : i32
      %dma_wait3A_55 = arith.constant 0 : i32
      %dma_wait3A_56 = tpu.memref_slice %arg3[%add3A, %dma_wait3A_54, %dma_wait3A_55] : memref<32x168x64xi32, #tpu.memory_space<hbm>> -> memref<1x168x64xi32, #tpu.memory_space<hbm>>
      %dma_wait3A_57 = tpu.memref_squeeze %dma_wait3A_56 : memref<1x168x64xi32, #tpu.memory_space<hbm>> -> memref<168x64xi32, #tpu.memory_space<hbm>>
      %dma_wait3A_58 = arith.constant 0 : i32
      %dma_wait3A_59 = arith.constant 0 : i32
      %dma_wait3A_60 = tpu.memref_slice %arg3[%add3A, %dma_wait3A_58, %dma_wait3A_59] : memref<32x168x64xi32, #tpu.memory_space<hbm>> -> memref<1x168x64xi32, #tpu.memory_space<hbm>>
      %dma_wait3A_61 = tpu.memref_squeeze %dma_wait3A_60 : memref<1x168x64xi32, #tpu.memory_space<hbm>> -> memref<168x64xi32, #tpu.memory_space<hbm>>
      tpu.wait_dma2 semaphore(%run_scoped3A : memref<!tpu.dma_semaphore, #tpu.memory_space<semaphore_mem>>) src(%dma_wait3A_61 : memref<168x64xi32, #tpu.memory_space<hbm>>) dst(%arg6 : memref<168x64xi32, #tpu.memory_space<vmem>>)
      tpu.yield
    }) : () -> ()
    %add3A_5 = arith.constant 0 : i32
    %add3A_6 = arith.addi %mul3A_2, %add3A_5 : i32
    %dma_start3A = arith.constant 0 : i32
    %dma_start3A_7 = tpu.memref_slice %arg2[%add3A_6, %dma_start3A] : memref<344064x128xf32, #tpu.memory_space<hbm>> -> memref<64x128xf32, #tpu.memory_space<hbm>>
    %dma_start3A_8 = arith.constant 0 : i32
    %dma_start3A_9 = tpu.memref_slice %arg2[%add3A_6, %dma_start3A_8] : memref<344064x128xf32, #tpu.memory_space<hbm>> -> memref<64x128xf32, #tpu.memory_space<hbm>>
    tpu.enqueue_dma source(%dma_start3A_9 : memref<64x128xf32, #tpu.memory_space<hbm>>) target(%arg7 : memref<64x128xf32, #tpu.memory_space<vmem>>) target_semaphore(%arg10 : memref<!tpu.dma_semaphore, #tpu.memory_space<semaphore_mem>>)
    %add3A_10 = arith.constant 64 : i32
    %add3A_11 = arith.addi %mul3A_2, %add3A_10 : i32
    %dma_start3A_12 = arith.constant 0 : i32
    %dma_start3A_13 = tpu.memref_slice %arg2[%add3A_11, %dma_start3A_12] : memref<344064x128xf32, #tpu.memory_space<hbm>> -> memref<64x128xf32, #tpu.memory_space<hbm>>
    %dma_start3A_14 = arith.constant 0 : i32
    %dma_start3A_15 = tpu.memref_slice %arg2[%add3A_11, %dma_start3A_14] : memref<344064x128xf32, #tpu.memory_space<hbm>> -> memref<64x128xf32, #tpu.memory_space<hbm>>
    tpu.enqueue_dma source(%dma_start3A_15 : memref<64x128xf32, #tpu.memory_space<hbm>>) target(%arg8 : memref<64x128xf32, #tpu.memory_space<vmem>>) target_semaphore(%arg11 : memref<!tpu.dma_semaphore, #tpu.memory_space<semaphore_mem>>)
    %scan3A = arith.constant 0 : i32
    %scan3A_16 = arith.constant 0 : i32
    %scan3A_17 = arith.constant 56 : i32
    %scan3A_18 = arith.addi %scan3A_16, %scan3A_17 : i32
    %scan3A_19 = arith.constant 1 : i32
    scf.for %scan3A_46 = %scan3A_16 to %scan3A_18 step %scan3A_19  : i32 {
      %mul3A_47 = arith.constant 3 : i32
      %mul3A_48 = arith.muli %scan3A_46, %mul3A_47 : i32
      %add3A_49 = arith.constant 0 : i32
      %add3A_50 = arith.addi %mul3A_48, %add3A_49 : i32
      %dma_wait3A_51 = arith.constant 0 : i32
      %dma_wait3A_52 = tpu.memref_slice %arg2[%mul3A_2, %dma_wait3A_51] : memref<344064x128xf32, #tpu.memory_space<hbm>> -> memref<64x128xf32, #tpu.memory_space<hbm>>
      %dma_wait3A_53 = arith.constant 0 : i32
      %dma_wait3A_54 = tpu.memref_slice %arg2[%mul3A_2, %dma_wait3A_53] : memref<344064x128xf32, #tpu.memory_space<hbm>> -> memref<64x128xf32, #tpu.memory_space<hbm>>
      tpu.wait_dma2 semaphore(%arg10 : memref<!tpu.dma_semaphore, #tpu.memory_space<semaphore_mem>>) src(%dma_wait3A_54 : memref<64x128xf32, #tpu.memory_space<hbm>>) dst(%arg7 : memref<64x128xf32, #tpu.memory_space<vmem>>)
      %dma_start3A_55 = arith.constant 0 : i32
      %dma_start3A_56 = tpu.memref_slice %arg6[%add3A_50, %dma_start3A_55] : memref<168x64xi32, #tpu.memory_space<vmem>> -> memref<1x64xi32, #tpu.memory_space<vmem>>
      %dma_start3A_57 = tpu.memref_squeeze %dma_start3A_56 : memref<1x64xi32, #tpu.memory_space<vmem>> -> memref<64xi32, #tpu.memory_space<vmem>>
      %dma_start3A_58 = arith.constant 0 : i32
      %dma_start3A_59 = arith.constant 0 : i32
      %dma_start3A_60 = tpu.memref_slice %arg16[%dma_start3A_58, %dma_start3A_59] : memref<10240x128xf32, #tpu.memory_space<vmem_shared>> -> memref<10240x128xf32, #tpu.memory_space<vmem_shared>>
      tpu.enqueue_indirect_dma source(%arg7 : memref<64x128xf32, #tpu.memory_space<vmem>>) target(%dma_start3A_60 : memref<10240x128xf32, #tpu.memory_space<vmem_shared>>) offsets(%dma_start3A_57 : memref<64xi32, #tpu.memory_space<vmem>>) semaphore(%arg13 : memref<!tpu.dma_semaphore, #tpu.memory_space<semaphore_mem>>) {add = true}
      %add3A_61 = arith.constant 3 : i32
      %add3A_62 = arith.addi %add3A_50, %add3A_61 : i32
      %sub3A = arith.constant 1 : i32
      %sub3A_63 = arith.subi %add3A_62, %sub3A : i32
      %lt3A = arith.constant 168 : i32
      %lt3A_64 = arith.cmpi slt, %sub3A_63, %lt3A : i32
      %convert_element_type3A = arith.extui %lt3A_64 : i1 to i32
      %cond3A = arith.constant 0 : i32
      %cond3A_65 = arith.cmpi ne, %convert_element_type3A, %cond3A : i32
      scf.if %cond3A_65 {
        %ge3A = arith.constant 1 : i32
        %ge3A_108 = arith.cmpi sge, %add3A_50, %ge3A : i32
        %convert_element_type3A_109 = arith.extui %ge3A_108 : i1 to i32
        %cond3A_110 = arith.constant 0 : i32
        %cond3A_111 = arith.cmpi ne, %convert_element_type3A_109, %cond3A_110 : i32
        scf.if %cond3A_111 {
          %dma_wait3A_119 = arith.constant 0 : i32
          %dma_wait3A_120 = arith.constant 0 : i32
          %dma_wait3A_121 = tpu.memref_slice %arg6[%dma_wait3A_119, %dma_wait3A_120] : memref<168x64xi32, #tpu.memory_space<vmem>> -> memref<1x64xi32, #tpu.memory_space<vmem>>
          %dma_wait3A_122 = tpu.memref_squeeze %dma_wait3A_121 : memref<1x64xi32, #tpu.memory_space<vmem>> -> memref<64xi32, #tpu.memory_space<vmem>>
          %dma_wait3A_123 = arith.constant 0 : i32
          %dma_wait3A_124 = arith.constant 0 : i32
          %dma_wait3A_125 = tpu.memref_slice %arg16[%dma_wait3A_123, %dma_wait3A_124] : memref<10240x128xf32, #tpu.memory_space<vmem_shared>> -> memref<10240x128xf32, #tpu.memory_space<vmem_shared>>
          tpu.wait_indirect_dma semaphore(%arg15 : memref<!tpu.dma_semaphore, #tpu.memory_space<semaphore_mem>>) src(%arg9 : memref<64x128xf32, #tpu.memory_space<vmem>>) dst(%dma_wait3A_125 : memref<10240x128xf32, #tpu.memory_space<vmem_shared>>)
        } else {
        }
        %mul3A_112 = arith.constant 64 : i32
        %mul3A_113 = arith.muli %sub3A_63, %mul3A_112 : i32
        %add3A_114 = arith.addi %mul3A_2, %mul3A_113 : i32
        %dma_start3A_115 = arith.constant 0 : i32
        %dma_start3A_116 = tpu.memref_slice %arg2[%add3A_114, %dma_start3A_115] : memref<344064x128xf32, #tpu.memory_space<hbm>> -> memref<64x128xf32, #tpu.memory_space<hbm>>
        %dma_start3A_117 = arith.constant 0 : i32
        %dma_start3A_118 = tpu.memref_slice %arg2[%add3A_114, %dma_start3A_117] : memref<344064x128xf32, #tpu.memory_space<hbm>> -> memref<64x128xf32, #tpu.memory_space<hbm>>
        tpu.enqueue_dma source(%dma_start3A_118 : memref<64x128xf32, #tpu.memory_space<hbm>>) target(%arg9 : memref<64x128xf32, #tpu.memory_space<vmem>>) target_semaphore(%arg12 : memref<!tpu.dma_semaphore, #tpu.memory_space<semaphore_mem>>)
      } else {
      }
      %add3A_66 = arith.constant 1 : i32
      %add3A_67 = arith.addi %mul3A_48, %add3A_66 : i32
      %dma_wait3A_68 = arith.constant 0 : i32
      %dma_wait3A_69 = tpu.memref_slice %arg2[%mul3A_2, %dma_wait3A_68] : memref<344064x128xf32, #tpu.memory_space<hbm>> -> memref<64x128xf32, #tpu.memory_space<hbm>>
      %dma_wait3A_70 = arith.constant 0 : i32
      %dma_wait3A_71 = tpu.memref_slice %arg2[%mul3A_2, %dma_wait3A_70] : memref<344064x128xf32, #tpu.memory_space<hbm>> -> memref<64x128xf32, #tpu.memory_space<hbm>>
      tpu.wait_dma2 semaphore(%arg11 : memref<!tpu.dma_semaphore, #tpu.memory_space<semaphore_mem>>) src(%dma_wait3A_71 : memref<64x128xf32, #tpu.memory_space<hbm>>) dst(%arg8 : memref<64x128xf32, #tpu.memory_space<vmem>>)
      %dma_start3A_72 = arith.constant 0 : i32
      %dma_start3A_73 = tpu.memref_slice %arg6[%add3A_67, %dma_start3A_72] : memref<168x64xi32, #tpu.memory_space<vmem>> -> memref<1x64xi32, #tpu.memory_space<vmem>>
      %dma_start3A_74 = tpu.memref_squeeze %dma_start3A_73 : memref<1x64xi32, #tpu.memory_space<vmem>> -> memref<64xi32, #tpu.memory_space<vmem>>
      %dma_start3A_75 = arith.constant 0 : i32
      %dma_start3A_76 = arith.constant 0 : i32
      %dma_start3A_77 = tpu.memref_slice %arg16[%dma_start3A_75, %dma_start3A_76] : memref<10240x128xf32, #tpu.memory_space<vmem_shared>> -> memref<10240x128xf32, #tpu.memory_space<vmem_shared>>
      tpu.enqueue_indirect_dma source(%arg8 : memref<64x128xf32, #tpu.memory_space<vmem>>) target(%dma_start3A_77 : memref<10240x128xf32, #tpu.memory_space<vmem_shared>>) offsets(%dma_start3A_74 : memref<64xi32, #tpu.memory_space<vmem>>) semaphore(%arg14 : memref<!tpu.dma_semaphore, #tpu.memory_space<semaphore_mem>>) {add = true}
      %add3A_78 = arith.constant 3 : i32
      %add3A_79 = arith.addi %add3A_67, %add3A_78 : i32
      %sub3A_80 = arith.constant 1 : i32
      %sub3A_81 = arith.subi %add3A_79, %sub3A_80 : i32
      %lt3A_82 = arith.constant 168 : i32
      %lt3A_83 = arith.cmpi slt, %sub3A_81, %lt3A_82 : i32
      %convert_element_type3A_84 = arith.extui %lt3A_83 : i1 to i32
      %cond3A_85 = arith.constant 0 : i32
      %cond3A_86 = arith.cmpi ne, %convert_element_type3A_84, %cond3A_85 : i32
      scf.if %cond3A_86 {
        %ge3A = arith.constant 1 : i32
        %ge3A_108 = arith.cmpi sge, %add3A_67, %ge3A : i32
        %convert_element_type3A_109 = arith.extui %ge3A_108 : i1 to i32
        %cond3A_110 = arith.constant 0 : i32
        %cond3A_111 = arith.cmpi ne, %convert_element_type3A_109, %cond3A_110 : i32
        scf.if %cond3A_111 {
          %dma_wait3A_119 = arith.constant 0 : i32
          %dma_wait3A_120 = arith.constant 0 : i32
          %dma_wait3A_121 = tpu.memref_slice %arg6[%dma_wait3A_119, %dma_wait3A_120] : memref<168x64xi32, #tpu.memory_space<vmem>> -> memref<1x64xi32, #tpu.memory_space<vmem>>
          %dma_wait3A_122 = tpu.memref_squeeze %dma_wait3A_121 : memref<1x64xi32, #tpu.memory_space<vmem>> -> memref<64xi32, #tpu.memory_space<vmem>>
          %dma_wait3A_123 = arith.constant 0 : i32
          %dma_wait3A_124 = arith.constant 0 : i32
          %dma_wait3A_125 = tpu.memref_slice %arg16[%dma_wait3A_123, %dma_wait3A_124] : memref<10240x128xf32, #tpu.memory_space<vmem_shared>> -> memref<10240x128xf32, #tpu.memory_space<vmem_shared>>
          tpu.wait_indirect_dma semaphore(%arg13 : memref<!tpu.dma_semaphore, #tpu.memory_space<semaphore_mem>>) src(%arg7 : memref<64x128xf32, #tpu.memory_space<vmem>>) dst(%dma_wait3A_125 : memref<10240x128xf32, #tpu.memory_space<vmem_shared>>)
        } else {
        }
        %mul3A_112 = arith.constant 64 : i32
        %mul3A_113 = arith.muli %sub3A_81, %mul3A_112 : i32
        %add3A_114 = arith.addi %mul3A_2, %mul3A_113 : i32
        %dma_start3A_115 = arith.constant 0 : i32
        %dma_start3A_116 = tpu.memref_slice %arg2[%add3A_114, %dma_start3A_115] : memref<344064x128xf32, #tpu.memory_space<hbm>> -> memref<64x128xf32, #tpu.memory_space<hbm>>
        %dma_start3A_117 = arith.constant 0 : i32
        %dma_start3A_118 = tpu.memref_slice %arg2[%add3A_114, %dma_start3A_117] : memref<344064x128xf32, #tpu.memory_space<hbm>> -> memref<64x128xf32, #tpu.memory_space<hbm>>
        tpu.enqueue_dma source(%dma_start3A_118 : memref<64x128xf32, #tpu.memory_space<hbm>>) target(%arg7 : memref<64x128xf32, #tpu.memory_space<vmem>>) target_semaphore(%arg10 : memref<!tpu.dma_semaphore, #tpu.memory_space<semaphore_mem>>)
      } else {
      }
      %add3A_87 = arith.constant 2 : i32
      %add3A_88 = arith.addi %mul3A_48, %add3A_87 : i32
      %dma_wait3A_89 = arith.constant 0 : i32
      %dma_wait3A_90 = tpu.memref_slice %arg2[%mul3A_2, %dma_wait3A_89] : memref<344064x128xf32, #tpu.memory_space<hbm>> -> memref<64x128xf32, #tpu.memory_space<hbm>>
      %dma_wait3A_91 = arith.constant 0 : i32
      %dma_wait3A_92 = tpu.memref_slice %arg2[%mul3A_2, %dma_wait3A_91] : memref<344064x128xf32, #tpu.memory_space<hbm>> -> memref<64x128xf32, #tpu.memory_space<hbm>>
      tpu.wait_dma2 semaphore(%arg12 : memref<!tpu.dma_semaphore, #tpu.memory_space<semaphore_mem>>) src(%dma_wait3A_92 : memref<64x128xf32, #tpu.memory_space<hbm>>) dst(%arg9 : memref<64x128xf32, #tpu.memory_space<vmem>>)
      %dma_start3A_93 = arith.constant 0 : i32
      %dma_start3A_94 = tpu.memref_slice %arg6[%add3A_88, %dma_start3A_93] : memref<168x64xi32, #tpu.memory_space<vmem>> -> memref<1x64xi32, #tpu.memory_space<vmem>>
      %dma_start3A_95 = tpu.memref_squeeze %dma_start3A_94 : memref<1x64xi32, #tpu.memory_space<vmem>> -> memref<64xi32, #tpu.memory_space<vmem>>
      %dma_start3A_96 = arith.constant 0 : i32
      %dma_start3A_97 = arith.constant 0 : i32
      %dma_start3A_98 = tpu.memref_slice %arg16[%dma_start3A_96, %dma_start3A_97] : memref<10240x128xf32, #tpu.memory_space<vmem_shared>> -> memref<10240x128xf32, #tpu.memory_space<vmem_shared>>
      tpu.enqueue_indirect_dma source(%arg9 : memref<64x128xf32, #tpu.memory_space<vmem>>) target(%dma_start3A_98 : memref<10240x128xf32, #tpu.memory_space<vmem_shared>>) offsets(%dma_start3A_95 : memref<64xi32, #tpu.memory_space<vmem>>) semaphore(%arg15 : memref<!tpu.dma_semaphore, #tpu.memory_space<semaphore_mem>>) {add = true}
      %add3A_99 = arith.constant 3 : i32
      %add3A_100 = arith.addi %add3A_88, %add3A_99 : i32
      %sub3A_101 = arith.constant 1 : i32
      %sub3A_102 = arith.subi %add3A_100, %sub3A_101 : i32
      %lt3A_103 = arith.constant 168 : i32
      %lt3A_104 = arith.cmpi slt, %sub3A_102, %lt3A_103 : i32
      %convert_element_type3A_105 = arith.extui %lt3A_104 : i1 to i32
      %cond3A_106 = arith.constant 0 : i32
      %cond3A_107 = arith.cmpi ne, %convert_element_type3A_105, %cond3A_106 : i32
      scf.if %cond3A_107 {
        %ge3A = arith.constant 1 : i32
        %ge3A_108 = arith.cmpi sge, %add3A_88, %ge3A : i32
        %convert_element_type3A_109 = arith.extui %ge3A_108 : i1 to i32
        %cond3A_110 = arith.constant 0 : i32
        %cond3A_111 = arith.cmpi ne, %convert_element_type3A_109, %cond3A_110 : i32
        scf.if %cond3A_111 {
          %dma_wait3A_119 = arith.constant 0 : i32
          %dma_wait3A_120 = arith.constant 0 : i32
          %dma_wait3A_121 = tpu.memref_slice %arg6[%dma_wait3A_119, %dma_wait3A_120] : memref<168x64xi32, #tpu.memory_space<vmem>> -> memref<1x64xi32, #tpu.memory_space<vmem>>
          %dma_wait3A_122 = tpu.memref_squeeze %dma_wait3A_121 : memref<1x64xi32, #tpu.memory_space<vmem>> -> memref<64xi32, #tpu.memory_space<vmem>>
          %dma_wait3A_123 = arith.constant 0 : i32
          %dma_wait3A_124 = arith.constant 0 : i32
          %dma_wait3A_125 = tpu.memref_slice %arg16[%dma_wait3A_123, %dma_wait3A_124] : memref<10240x128xf32, #tpu.memory_space<vmem_shared>> -> memref<10240x128xf32, #tpu.memory_space<vmem_shared>>
          tpu.wait_indirect_dma semaphore(%arg14 : memref<!tpu.dma_semaphore, #tpu.memory_space<semaphore_mem>>) src(%arg8 : memref<64x128xf32, #tpu.memory_space<vmem>>) dst(%dma_wait3A_125 : memref<10240x128xf32, #tpu.memory_space<vmem_shared>>)
        } else {
        }
        %mul3A_112 = arith.constant 64 : i32
        %mul3A_113 = arith.muli %sub3A_102, %mul3A_112 : i32
        %add3A_114 = arith.addi %mul3A_2, %mul3A_113 : i32
        %dma_start3A_115 = arith.constant 0 : i32
        %dma_start3A_116 = tpu.memref_slice %arg2[%add3A_114, %dma_start3A_115] : memref<344064x128xf32, #tpu.memory_space<hbm>> -> memref<64x128xf32, #tpu.memory_space<hbm>>
        %dma_start3A_117 = arith.constant 0 : i32
        %dma_start3A_118 = tpu.memref_slice %arg2[%add3A_114, %dma_start3A_117] : memref<344064x128xf32, #tpu.memory_space<hbm>> -> memref<64x128xf32, #tpu.memory_space<hbm>>
        tpu.enqueue_dma source(%dma_start3A_118 : memref<64x128xf32, #tpu.memory_space<hbm>>) target(%arg8 : memref<64x128xf32, #tpu.memory_space<vmem>>) target_semaphore(%arg11 : memref<!tpu.dma_semaphore, #tpu.memory_space<semaphore_mem>>)
      } else {
      }
    }
    %scan3A_20 = arith.constant 56 : i32
    %dma_wait3A = arith.constant 0 : i32
    %dma_wait3A_21 = arith.constant 0 : i32
    %dma_wait3A_22 = tpu.memref_slice %arg6[%dma_wait3A, %dma_wait3A_21] : memref<168x64xi32, #tpu.memory_space<vmem>> -> memref<1x64xi32, #tpu.memory_space<vmem>>
    %dma_wait3A_23 = tpu.memref_squeeze %dma_wait3A_22 : memref<1x64xi32, #tpu.memory_space<vmem>> -> memref<64xi32, #tpu.memory_space<vmem>>
    %dma_wait3A_24 = arith.constant 0 : i32
    %dma_wait3A_25 = arith.constant 0 : i32
    %dma_wait3A_26 = tpu.memref_slice %arg16[%dma_wait3A_24, %dma_wait3A_25] : memref<10240x128xf32, #tpu.memory_space<vmem_shared>> -> memref<10240x128xf32, #tpu.memory_space<vmem_shared>>
    tpu.wait_indirect_dma semaphore(%arg13 : memref<!tpu.dma_semaphore, #tpu.memory_space<semaphore_mem>>) src(%arg7 : memref<64x128xf32, #tpu.memory_space<vmem>>) dst(%dma_wait3A_26 : memref<10240x128xf32, #tpu.memory_space<vmem_shared>>)
    %dma_wait3A_27 = arith.constant 0 : i32
    %dma_wait3A_28 = arith.constant 0 : i32
    %dma_wait3A_29 = tpu.memref_slice %arg6[%dma_wait3A_27, %dma_wait3A_28] : memref<168x64xi32, #tpu.memory_space<vmem>> -> memref<1x64xi32, #tpu.memory_space<vmem>>
    %dma_wait3A_30 = tpu.memref_squeeze %dma_wait3A_29 : memref<1x64xi32, #tpu.memory_space<vmem>> -> memref<64xi32, #tpu.memory_space<vmem>>
    %dma_wait3A_31 = arith.constant 0 : i32
    %dma_wait3A_32 = arith.constant 0 : i32
    %dma_wait3A_33 = tpu.memref_slice %arg16[%dma_wait3A_31, %dma_wait3A_32] : memref<10240x128xf32, #tpu.memory_space<vmem_shared>> -> memref<10240x128xf32, #tpu.memory_space<vmem_shared>>
    tpu.wait_indirect_dma semaphore(%arg14 : memref<!tpu.dma_semaphore, #tpu.memory_space<semaphore_mem>>) src(%arg8 : memref<64x128xf32, #tpu.memory_space<vmem>>) dst(%dma_wait3A_33 : memref<10240x128xf32, #tpu.memory_space<vmem_shared>>)
    %dma_wait3A_34 = arith.constant 0 : i32
    %dma_wait3A_35 = arith.constant 0 : i32
    %dma_wait3A_36 = tpu.memref_slice %arg6[%dma_wait3A_34, %dma_wait3A_35] : memref<168x64xi32, #tpu.memory_space<vmem>> -> memref<1x64xi32, #tpu.memory_space<vmem>>
    %dma_wait3A_37 = tpu.memref_squeeze %dma_wait3A_36 : memref<1x64xi32, #tpu.memory_space<vmem>> -> memref<64xi32, #tpu.memory_space<vmem>>
    %dma_wait3A_38 = arith.constant 0 : i32
    %dma_wait3A_39 = arith.constant 0 : i32
    %dma_wait3A_40 = tpu.memref_slice %arg16[%dma_wait3A_38, %dma_wait3A_39] : memref<10240x128xf32, #tpu.memory_space<vmem_shared>> -> memref<10240x128xf32, #tpu.memory_space<vmem_shared>>
    tpu.wait_indirect_dma semaphore(%arg15 : memref<!tpu.dma_semaphore, #tpu.memory_space<semaphore_mem>>) src(%arg9 : memref<64x128xf32, #tpu.memory_space<vmem>>) dst(%dma_wait3A_40 : memref<10240x128xf32, #tpu.memory_space<vmem_shared>>)
    %barrier3A_41 = arith.constant 0 : index
    tpu.barrier barrier_id(%barrier3A_41)
    %mul3A_42 = arith.constant 640 : i32
    %mul3A_43 = arith.muli %arg1, %mul3A_42 : i32
    %mul3A_44 = arith.constant 640 : i32
    %mul3A_45 = arith.muli %arg1, %mul3A_44 : i32
    "tpu.region"() ({
      %run_scoped3A = tpu.sem_alloc : memref<!tpu.dma_semaphore, #tpu.memory_space<semaphore_mem>>
      %dma_start3A_46 = arith.constant 0 : i32
      %dma_start3A_47 = tpu.memref_slice %arg5[%arg0, %mul3A_45, %dma_start3A_46] : memref<2x10240x128xf32, #tpu.memory_space<hbm>> -> memref<1x640x128xf32, #tpu.memory_space<hbm>>
      %dma_start3A_48 = tpu.memref_squeeze %dma_start3A_47 : memref<1x640x128xf32, #tpu.memory_space<hbm>> -> memref<640x128xf32, #tpu.memory_space<hbm>>
      %dma_start3A_49 = arith.constant 0 : i32
      %dma_start3A_50 = tpu.memref_slice %arg16[%mul3A_43, %dma_start3A_49] : memref<10240x128xf32, #tpu.memory_space<vmem_shared>> -> memref<640x128xf32, #tpu.memory_space<vmem_shared>>
      tpu.enqueue_dma source(%dma_start3A_50 : memref<640x128xf32, #tpu.memory_space<vmem_shared>>) target(%dma_start3A_48 : memref<640x128xf32, #tpu.memory_space<hbm>>) target_semaphore(%run_scoped3A : memref<!tpu.dma_semaphore, #tpu.memory_space<semaphore_mem>>)
      %dma_wait3A_51 = arith.constant 0 : i32
      %dma_wait3A_52 = tpu.memref_slice %arg5[%arg0, %mul3A_45, %dma_wait3A_51] : memref<2x10240x128xf32, #tpu.memory_space<hbm>> -> memref<1x640x128xf32, #tpu.memory_space<hbm>>
      %dma_wait3A_53 = tpu.memref_squeeze %dma_wait3A_52 : memref<1x640x128xf32, #tpu.memory_space<hbm>> -> memref<640x128xf32, #tpu.memory_space<hbm>>
      %dma_wait3A_54 = arith.constant 0 : i32
      %dma_wait3A_55 = tpu.memref_slice %arg16[%mul3A_43, %dma_wait3A_54] : memref<10240x128xf32, #tpu.memory_space<vmem_shared>> -> memref<640x128xf32, #tpu.memory_space<vmem_shared>>
      tpu.wait_dma2 semaphore(%run_scoped3A : memref<!tpu.dma_semaphore, #tpu.memory_space<semaphore_mem>>) src(%dma_wait3A_55 : memref<640x128xf32, #tpu.memory_space<vmem_shared>>) dst(%dma_wait3A_53 : memref<640x128xf32, #tpu.memory_space<hbm>>)
      tpu.yield
    }) : () -> ()
    return
  }
}

#map = affine_map<(d0, d1) -> (0, 0)>
#map1 = affine_map<(d0, d1) -> (0, 0, 0)>
module attributes {stable_mosaic.version = 14 : i64} {
  func.func @body(%arg0: i32, %arg1: i32, %arg2: memref<344064x16xf32, #tpu.memory_space<hbm>>, %arg3: memref<32x168x64xi32, #tpu.memory_space<hbm>>, %arg4: memref<640x16xf32, #tpu.memory_space<hbm>>, %arg5: memref<2x10240x16xf32, #tpu.memory_space<hbm>>, %arg6: memref<168x64xi32, #tpu.memory_space<vmem>>, %arg7: memref<64x16xf32, #tpu.memory_space<vmem>>, %arg8: memref<64x16xf32, #tpu.memory_space<vmem>>, %arg9: memref<64x16xf32, #tpu.memory_space<vmem>>, %arg10: memref<!tpu.dma_semaphore, #tpu.memory_space<semaphore_mem>>, %arg11: memref<!tpu.dma_semaphore, #tpu.memory_space<semaphore_mem>>, %arg12: memref<!tpu.dma_semaphore, #tpu.memory_space<semaphore_mem>>, %arg13: memref<!tpu.dma_semaphore, #tpu.memory_space<semaphore_mem>>, %arg14: memref<!tpu.dma_semaphore, #tpu.memory_space<semaphore_mem>>, %arg15: memref<!tpu.dma_semaphore, #tpu.memory_space<semaphore_mem>>, %arg16: memref<10240x16xf32, #tpu.memory_space<vmem_shared>>) attributes {dimension_semantics = [#tpu.dimension_semantics<core_parallel>, #tpu.dimension_semantics<subcore_parallel>], iteration_bounds = array<i64: 2, 16>, scalar_prefetch = 0 : i64, scratch_operands = 11 : i64, tpu.core_type = #tpu.core_type<sc_vector_subcore>, window_params = [{transform_indices = #map}, {transform_indices = #map1}, {transform_indices = #map}, {transform_indices = #map1}]} {
    %mul3A = arith.constant 16 : i32
    %mul3A_0 = arith.muli %arg0, %mul3A : i32
    %add3A = arith.addi %mul3A_0, %arg1 : i32
    %mul3A_1 = arith.constant 10752 : i32
    %mul3A_2 = arith.muli %add3A, %mul3A_1 : i32
    %mul3A_3 = arith.constant 640 : i32
    %mul3A_4 = arith.muli %arg1, %mul3A_3 : i32
    "tpu.region"() ({
      %run_scoped3A = tpu.sem_alloc : memref<!tpu.dma_semaphore, #tpu.memory_space<semaphore_mem>>
      %dma_start3A_46 = arith.constant 0 : i32
      %dma_start3A_47 = tpu.memref_slice %arg16[%mul3A_4, %dma_start3A_46] : memref<10240x16xf32, #tpu.memory_space<vmem_shared>> -> memref<640x16xf32, #tpu.memory_space<vmem_shared>>
      tpu.enqueue_dma source(%arg4 : memref<640x16xf32, #tpu.memory_space<hbm>>) target(%dma_start3A_47 : memref<640x16xf32, #tpu.memory_space<vmem_shared>>) target_semaphore(%run_scoped3A : memref<!tpu.dma_semaphore, #tpu.memory_space<semaphore_mem>>)
      %dma_wait3A_48 = arith.constant 0 : i32
      %dma_wait3A_49 = tpu.memref_slice %arg16[%mul3A_4, %dma_wait3A_48] : memref<10240x16xf32, #tpu.memory_space<vmem_shared>> -> memref<640x16xf32, #tpu.memory_space<vmem_shared>>
      tpu.wait_dma2 semaphore(%run_scoped3A : memref<!tpu.dma_semaphore, #tpu.memory_space<semaphore_mem>>) src(%arg4 : memref<640x16xf32, #tpu.memory_space<hbm>>) dst(%dma_wait3A_49 : memref<640x16xf32, #tpu.memory_space<vmem_shared>>)
      tpu.yield
    }) : () -> ()
    %barrier3A = arith.constant 0 : index
    tpu.barrier barrier_id(%barrier3A)
    "tpu.region"() ({
      %run_scoped3A = tpu.sem_alloc : memref<!tpu.dma_semaphore, #tpu.memory_space<semaphore_mem>>
      %dma_start3A_46 = arith.constant 0 : i32
      %dma_start3A_47 = arith.constant 0 : i32
      %dma_start3A_48 = tpu.memref_slice %arg3[%add3A, %dma_start3A_46, %dma_start3A_47] : memref<32x168x64xi32, #tpu.memory_space<hbm>> -> memref<1x168x64xi32, #tpu.memory_space<hbm>>
      %dma_start3A_49 = tpu.memref_squeeze %dma_start3A_48 : memref<1x168x64xi32, #tpu.memory_space<hbm>> -> memref<168x64xi32, #tpu.memory_space<hbm>>
      %dma_start3A_50 = arith.constant 0 : i32
      %dma_start3A_51 = arith.constant 0 : i32
      %dma_start3A_52 = tpu.memref_slice %arg3[%add3A, %dma_start3A_50, %dma_start3A_51] : memref<32x168x64xi32, #tpu.memory_space<hbm>> -> memref<1x168x64xi32, #tpu.memory_space<hbm>>
      %dma_start3A_53 = tpu.memref_squeeze %dma_start3A_52 : memref<1x168x64xi32, #tpu.memory_space<hbm>> -> memref<168x64xi32, #tpu.memory_space<hbm>>
      tpu.enqueue_dma source(%dma_start3A_53 : memref<168x64xi32, #tpu.memory_space<hbm>>) target(%arg6 : memref<168x64xi32, #tpu.memory_space<vmem>>) target_semaphore(%run_scoped3A : memref<!tpu.dma_semaphore, #tpu.memory_space<semaphore_mem>>)
      %dma_wait3A_54 = arith.constant 0 : i32
      %dma_wait3A_55 = arith.constant 0 : i32
      %dma_wait3A_56 = tpu.memref_slice %arg3[%add3A, %dma_wait3A_54, %dma_wait3A_55] : memref<32x168x64xi32, #tpu.memory_space<hbm>> -> memref<1x168x64xi32, #tpu.memory_space<hbm>>
      %dma_wait3A_57 = tpu.memref_squeeze %dma_wait3A_56 : memref<1x168x64xi32, #tpu.memory_space<hbm>> -> memref<168x64xi32, #tpu.memory_space<hbm>>
      %dma_wait3A_58 = arith.constant 0 : i32
      %dma_wait3A_59 = arith.constant 0 : i32
      %dma_wait3A_60 = tpu.memref_slice %arg3[%add3A, %dma_wait3A_58, %dma_wait3A_59] : memref<32x168x64xi32, #tpu.memory_space<hbm>> -> memref<1x168x64xi32, #tpu.memory_space<hbm>>
      %dma_wait3A_61 = tpu.memref_squeeze %dma_wait3A_60 : memref<1x168x64xi32, #tpu.memory_space<hbm>> -> memref<168x64xi32, #tpu.memory_space<hbm>>
      tpu.wait_dma2 semaphore(%run_scoped3A : memref<!tpu.dma_semaphore, #tpu.memory_space<semaphore_mem>>) src(%dma_wait3A_61 : memref<168x64xi32, #tpu.memory_space<hbm>>) dst(%arg6 : memref<168x64xi32, #tpu.memory_space<vmem>>)
      tpu.yield
    }) : () -> ()
    %add3A_5 = arith.constant 0 : i32
    %add3A_6 = arith.addi %mul3A_2, %add3A_5 : i32
    %dma_start3A = arith.constant 0 : i32
    %dma_start3A_7 = tpu.memref_slice %arg2[%add3A_6, %dma_start3A] : memref<344064x16xf32, #tpu.memory_space<hbm>> -> memref<64x16xf32, #tpu.memory_space<hbm>>
    %dma_start3A_8 = arith.constant 0 : i32
    %dma_start3A_9 = tpu.memref_slice %arg2[%add3A_6, %dma_start3A_8] : memref<344064x16xf32, #tpu.memory_space<hbm>> -> memref<64x16xf32, #tpu.memory_space<hbm>>
    tpu.enqueue_dma source(%dma_start3A_9 : memref<64x16xf32, #tpu.memory_space<hbm>>) target(%arg7 : memref<64x16xf32, #tpu.memory_space<vmem>>) target_semaphore(%arg10 : memref<!tpu.dma_semaphore, #tpu.memory_space<semaphore_mem>>)
    %add3A_10 = arith.constant 64 : i32
    %add3A_11 = arith.addi %mul3A_2, %add3A_10 : i32
    %dma_start3A_12 = arith.constant 0 : i32
    %dma_start3A_13 = tpu.memref_slice %arg2[%add3A_11, %dma_start3A_12] : memref<344064x16xf32, #tpu.memory_space<hbm>> -> memref<64x16xf32, #tpu.memory_space<hbm>>
    %dma_start3A_14 = arith.constant 0 : i32
    %dma_start3A_15 = tpu.memref_slice %arg2[%add3A_11, %dma_start3A_14] : memref<344064x16xf32, #tpu.memory_space<hbm>> -> memref<64x16xf32, #tpu.memory_space<hbm>>
    tpu.enqueue_dma source(%dma_start3A_15 : memref<64x16xf32, #tpu.memory_space<hbm>>) target(%arg8 : memref<64x16xf32, #tpu.memory_space<vmem>>) target_semaphore(%arg11 : memref<!tpu.dma_semaphore, #tpu.memory_space<semaphore_mem>>)
    %scan3A = arith.constant 0 : i32
    %scan3A_16 = arith.constant 0 : i32
    %scan3A_17 = arith.constant 56 : i32
    %scan3A_18 = arith.addi %scan3A_16, %scan3A_17 : i32
    %scan3A_19 = arith.constant 1 : i32
    scf.for %scan3A_46 = %scan3A_16 to %scan3A_18 step %scan3A_19  : i32 {
      %mul3A_47 = arith.constant 3 : i32
      %mul3A_48 = arith.muli %scan3A_46, %mul3A_47 : i32
      %add3A_49 = arith.constant 0 : i32
      %add3A_50 = arith.addi %mul3A_48, %add3A_49 : i32
      %dma_wait3A_51 = arith.constant 0 : i32
      %dma_wait3A_52 = tpu.memref_slice %arg2[%mul3A_2, %dma_wait3A_51] : memref<344064x16xf32, #tpu.memory_space<hbm>> -> memref<64x16xf32, #tpu.memory_space<hbm>>
      %dma_wait3A_53 = arith.constant 0 : i32
      %dma_wait3A_54 = tpu.memref_slice %arg2[%mul3A_2, %dma_wait3A_53] : memref<344064x16xf32, #tpu.memory_space<hbm>> -> memref<64x16xf32, #tpu.memory_space<hbm>>
      tpu.wait_dma2 semaphore(%arg10 : memref<!tpu.dma_semaphore, #tpu.memory_space<semaphore_mem>>) src(%dma_wait3A_54 : memref<64x16xf32, #tpu.memory_space<hbm>>) dst(%arg7 : memref<64x16xf32, #tpu.memory_space<vmem>>)
      %dma_start3A_55 = arith.constant 0 : i32
      %dma_start3A_56 = tpu.memref_slice %arg6[%add3A_50, %dma_start3A_55] : memref<168x64xi32, #tpu.memory_space<vmem>> -> memref<1x64xi32, #tpu.memory_space<vmem>>
      %dma_start3A_57 = tpu.memref_squeeze %dma_start3A_56 : memref<1x64xi32, #tpu.memory_space<vmem>> -> memref<64xi32, #tpu.memory_space<vmem>>
      %dma_start3A_58 = arith.constant 0 : i32
      %dma_start3A_59 = arith.constant 0 : i32
      %dma_start3A_60 = tpu.memref_slice %arg16[%dma_start3A_58, %dma_start3A_59] : memref<10240x16xf32, #tpu.memory_space<vmem_shared>> -> memref<10240x16xf32, #tpu.memory_space<vmem_shared>>
      tpu.enqueue_indirect_dma source(%arg7 : memref<64x16xf32, #tpu.memory_space<vmem>>) target(%dma_start3A_60 : memref<10240x16xf32, #tpu.memory_space<vmem_shared>>) offsets(%dma_start3A_57 : memref<64xi32, #tpu.memory_space<vmem>>) semaphore(%arg13 : memref<!tpu.dma_semaphore, #tpu.memory_space<semaphore_mem>>) {add = true}
      %add3A_61 = arith.constant 3 : i32
      %add3A_62 = arith.addi %add3A_50, %add3A_61 : i32
      %sub3A = arith.constant 1 : i32
      %sub3A_63 = arith.subi %add3A_62, %sub3A : i32
      %lt3A = arith.constant 168 : i32
      %lt3A_64 = arith.cmpi slt, %sub3A_63, %lt3A : i32
      %convert_element_type3A = arith.extui %lt3A_64 : i1 to i32
      %cond3A = arith.constant 0 : i32
      %cond3A_65 = arith.cmpi ne, %convert_element_type3A, %cond3A : i32
      scf.if %cond3A_65 {
        %ge3A = arith.constant 1 : i32
        %ge3A_108 = arith.cmpi sge, %add3A_50, %ge3A : i32
        %convert_element_type3A_109 = arith.extui %ge3A_108 : i1 to i32
        %cond3A_110 = arith.constant 0 : i32
        %cond3A_111 = arith.cmpi ne, %convert_element_type3A_109, %cond3A_110 : i32
        scf.if %cond3A_111 {
          %dma_wait3A_119 = arith.constant 0 : i32
          %dma_wait3A_120 = arith.constant 0 : i32
          %dma_wait3A_121 = tpu.memref_slice %arg6[%dma_wait3A_119, %dma_wait3A_120] : memref<168x64xi32, #tpu.memory_space<vmem>> -> memref<1x64xi32, #tpu.memory_space<vmem>>
          %dma_wait3A_122 = tpu.memref_squeeze %dma_wait3A_121 : memref<1x64xi32, #tpu.memory_space<vmem>> -> memref<64xi32, #tpu.memory_space<vmem>>
          %dma_wait3A_123 = arith.constant 0 : i32
          %dma_wait3A_124 = arith.constant 0 : i32
          %dma_wait3A_125 = tpu.memref_slice %arg16[%dma_wait3A_123, %dma_wait3A_124] : memref<10240x16xf32, #tpu.memory_space<vmem_shared>> -> memref<10240x16xf32, #tpu.memory_space<vmem_shared>>
          tpu.wait_indirect_dma semaphore(%arg15 : memref<!tpu.dma_semaphore, #tpu.memory_space<semaphore_mem>>) src(%arg9 : memref<64x16xf32, #tpu.memory_space<vmem>>) dst(%dma_wait3A_125 : memref<10240x16xf32, #tpu.memory_space<vmem_shared>>)
        } else {
        }
        %mul3A_112 = arith.constant 64 : i32
        %mul3A_113 = arith.muli %sub3A_63, %mul3A_112 : i32
        %add3A_114 = arith.addi %mul3A_2, %mul3A_113 : i32
        %dma_start3A_115 = arith.constant 0 : i32
        %dma_start3A_116 = tpu.memref_slice %arg2[%add3A_114, %dma_start3A_115] : memref<344064x16xf32, #tpu.memory_space<hbm>> -> memref<64x16xf32, #tpu.memory_space<hbm>>
        %dma_start3A_117 = arith.constant 0 : i32
        %dma_start3A_118 = tpu.memref_slice %arg2[%add3A_114, %dma_start3A_117] : memref<344064x16xf32, #tpu.memory_space<hbm>> -> memref<64x16xf32, #tpu.memory_space<hbm>>
        tpu.enqueue_dma source(%dma_start3A_118 : memref<64x16xf32, #tpu.memory_space<hbm>>) target(%arg9 : memref<64x16xf32, #tpu.memory_space<vmem>>) target_semaphore(%arg12 : memref<!tpu.dma_semaphore, #tpu.memory_space<semaphore_mem>>)
      } else {
      }
      %add3A_66 = arith.constant 1 : i32
      %add3A_67 = arith.addi %mul3A_48, %add3A_66 : i32
      %dma_wait3A_68 = arith.constant 0 : i32
      %dma_wait3A_69 = tpu.memref_slice %arg2[%mul3A_2, %dma_wait3A_68] : memref<344064x16xf32, #tpu.memory_space<hbm>> -> memref<64x16xf32, #tpu.memory_space<hbm>>
      %dma_wait3A_70 = arith.constant 0 : i32
      %dma_wait3A_71 = tpu.memref_slice %arg2[%mul3A_2, %dma_wait3A_70] : memref<344064x16xf32, #tpu.memory_space<hbm>> -> memref<64x16xf32, #tpu.memory_space<hbm>>
      tpu.wait_dma2 semaphore(%arg11 : memref<!tpu.dma_semaphore, #tpu.memory_space<semaphore_mem>>) src(%dma_wait3A_71 : memref<64x16xf32, #tpu.memory_space<hbm>>) dst(%arg8 : memref<64x16xf32, #tpu.memory_space<vmem>>)
      %dma_start3A_72 = arith.constant 0 : i32
      %dma_start3A_73 = tpu.memref_slice %arg6[%add3A_67, %dma_start3A_72] : memref<168x64xi32, #tpu.memory_space<vmem>> -> memref<1x64xi32, #tpu.memory_space<vmem>>
      %dma_start3A_74 = tpu.memref_squeeze %dma_start3A_73 : memref<1x64xi32, #tpu.memory_space<vmem>> -> memref<64xi32, #tpu.memory_space<vmem>>
      %dma_start3A_75 = arith.constant 0 : i32
      %dma_start3A_76 = arith.constant 0 : i32
      %dma_start3A_77 = tpu.memref_slice %arg16[%dma_start3A_75, %dma_start3A_76] : memref<10240x16xf32, #tpu.memory_space<vmem_shared>> -> memref<10240x16xf32, #tpu.memory_space<vmem_shared>>
      tpu.enqueue_indirect_dma source(%arg8 : memref<64x16xf32, #tpu.memory_space<vmem>>) target(%dma_start3A_77 : memref<10240x16xf32, #tpu.memory_space<vmem_shared>>) offsets(%dma_start3A_74 : memref<64xi32, #tpu.memory_space<vmem>>) semaphore(%arg14 : memref<!tpu.dma_semaphore, #tpu.memory_space<semaphore_mem>>) {add = true}
      %add3A_78 = arith.constant 3 : i32
      %add3A_79 = arith.addi %add3A_67, %add3A_78 : i32
      %sub3A_80 = arith.constant 1 : i32
      %sub3A_81 = arith.subi %add3A_79, %sub3A_80 : i32
      %lt3A_82 = arith.constant 168 : i32
      %lt3A_83 = arith.cmpi slt, %sub3A_81, %lt3A_82 : i32
      %convert_element_type3A_84 = arith.extui %lt3A_83 : i1 to i32
      %cond3A_85 = arith.constant 0 : i32
      %cond3A_86 = arith.cmpi ne, %convert_element_type3A_84, %cond3A_85 : i32
      scf.if %cond3A_86 {
        %ge3A = arith.constant 1 : i32
        %ge3A_108 = arith.cmpi sge, %add3A_67, %ge3A : i32
        %convert_element_type3A_109 = arith.extui %ge3A_108 : i1 to i32
        %cond3A_110 = arith.constant 0 : i32
        %cond3A_111 = arith.cmpi ne, %convert_element_type3A_109, %cond3A_110 : i32
        scf.if %cond3A_111 {
          %dma_wait3A_119 = arith.constant 0 : i32
          %dma_wait3A_120 = arith.constant 0 : i32
          %dma_wait3A_121 = tpu.memref_slice %arg6[%dma_wait3A_119, %dma_wait3A_120] : memref<168x64xi32, #tpu.memory_space<vmem>> -> memref<1x64xi32, #tpu.memory_space<vmem>>
          %dma_wait3A_122 = tpu.memref_squeeze %dma_wait3A_121 : memref<1x64xi32, #tpu.memory_space<vmem>> -> memref<64xi32, #tpu.memory_space<vmem>>
          %dma_wait3A_123 = arith.constant 0 : i32
          %dma_wait3A_124 = arith.constant 0 : i32
          %dma_wait3A_125 = tpu.memref_slice %arg16[%dma_wait3A_123, %dma_wait3A_124] : memref<10240x16xf32, #tpu.memory_space<vmem_shared>> -> memref<10240x16xf32, #tpu.memory_space<vmem_shared>>
          tpu.wait_indirect_dma semaphore(%arg13 : memref<!tpu.dma_semaphore, #tpu.memory_space<semaphore_mem>>) src(%arg7 : memref<64x16xf32, #tpu.memory_space<vmem>>) dst(%dma_wait3A_125 : memref<10240x16xf32, #tpu.memory_space<vmem_shared>>)
        } else {
        }
        %mul3A_112 = arith.constant 64 : i32
        %mul3A_113 = arith.muli %sub3A_81, %mul3A_112 : i32
        %add3A_114 = arith.addi %mul3A_2, %mul3A_113 : i32
        %dma_start3A_115 = arith.constant 0 : i32
        %dma_start3A_116 = tpu.memref_slice %arg2[%add3A_114, %dma_start3A_115] : memref<344064x16xf32, #tpu.memory_space<hbm>> -> memref<64x16xf32, #tpu.memory_space<hbm>>
        %dma_start3A_117 = arith.constant 0 : i32
        %dma_start3A_118 = tpu.memref_slice %arg2[%add3A_114, %dma_start3A_117] : memref<344064x16xf32, #tpu.memory_space<hbm>> -> memref<64x16xf32, #tpu.memory_space<hbm>>
        tpu.enqueue_dma source(%dma_start3A_118 : memref<64x16xf32, #tpu.memory_space<hbm>>) target(%arg7 : memref<64x16xf32, #tpu.memory_space<vmem>>) target_semaphore(%arg10 : memref<!tpu.dma_semaphore, #tpu.memory_space<semaphore_mem>>)
      } else {
      }
      %add3A_87 = arith.constant 2 : i32
      %add3A_88 = arith.addi %mul3A_48, %add3A_87 : i32
      %dma_wait3A_89 = arith.constant 0 : i32
      %dma_wait3A_90 = tpu.memref_slice %arg2[%mul3A_2, %dma_wait3A_89] : memref<344064x16xf32, #tpu.memory_space<hbm>> -> memref<64x16xf32, #tpu.memory_space<hbm>>
      %dma_wait3A_91 = arith.constant 0 : i32
      %dma_wait3A_92 = tpu.memref_slice %arg2[%mul3A_2, %dma_wait3A_91] : memref<344064x16xf32, #tpu.memory_space<hbm>> -> memref<64x16xf32, #tpu.memory_space<hbm>>
      tpu.wait_dma2 semaphore(%arg12 : memref<!tpu.dma_semaphore, #tpu.memory_space<semaphore_mem>>) src(%dma_wait3A_92 : memref<64x16xf32, #tpu.memory_space<hbm>>) dst(%arg9 : memref<64x16xf32, #tpu.memory_space<vmem>>)
      %dma_start3A_93 = arith.constant 0 : i32
      %dma_start3A_94 = tpu.memref_slice %arg6[%add3A_88, %dma_start3A_93] : memref<168x64xi32, #tpu.memory_space<vmem>> -> memref<1x64xi32, #tpu.memory_space<vmem>>
      %dma_start3A_95 = tpu.memref_squeeze %dma_start3A_94 : memref<1x64xi32, #tpu.memory_space<vmem>> -> memref<64xi32, #tpu.memory_space<vmem>>
      %dma_start3A_96 = arith.constant 0 : i32
      %dma_start3A_97 = arith.constant 0 : i32
      %dma_start3A_98 = tpu.memref_slice %arg16[%dma_start3A_96, %dma_start3A_97] : memref<10240x16xf32, #tpu.memory_space<vmem_shared>> -> memref<10240x16xf32, #tpu.memory_space<vmem_shared>>
      tpu.enqueue_indirect_dma source(%arg9 : memref<64x16xf32, #tpu.memory_space<vmem>>) target(%dma_start3A_98 : memref<10240x16xf32, #tpu.memory_space<vmem_shared>>) offsets(%dma_start3A_95 : memref<64xi32, #tpu.memory_space<vmem>>) semaphore(%arg15 : memref<!tpu.dma_semaphore, #tpu.memory_space<semaphore_mem>>) {add = true}
      %add3A_99 = arith.constant 3 : i32
      %add3A_100 = arith.addi %add3A_88, %add3A_99 : i32
      %sub3A_101 = arith.constant 1 : i32
      %sub3A_102 = arith.subi %add3A_100, %sub3A_101 : i32
      %lt3A_103 = arith.constant 168 : i32
      %lt3A_104 = arith.cmpi slt, %sub3A_102, %lt3A_103 : i32
      %convert_element_type3A_105 = arith.extui %lt3A_104 : i1 to i32
      %cond3A_106 = arith.constant 0 : i32
      %cond3A_107 = arith.cmpi ne, %convert_element_type3A_105, %cond3A_106 : i32
      scf.if %cond3A_107 {
        %ge3A = arith.constant 1 : i32
        %ge3A_108 = arith.cmpi sge, %add3A_88, %ge3A : i32
        %convert_element_type3A_109 = arith.extui %ge3A_108 : i1 to i32
        %cond3A_110 = arith.constant 0 : i32
        %cond3A_111 = arith.cmpi ne, %convert_element_type3A_109, %cond3A_110 : i32
        scf.if %cond3A_111 {
          %dma_wait3A_119 = arith.constant 0 : i32
          %dma_wait3A_120 = arith.constant 0 : i32
          %dma_wait3A_121 = tpu.memref_slice %arg6[%dma_wait3A_119, %dma_wait3A_120] : memref<168x64xi32, #tpu.memory_space<vmem>> -> memref<1x64xi32, #tpu.memory_space<vmem>>
          %dma_wait3A_122 = tpu.memref_squeeze %dma_wait3A_121 : memref<1x64xi32, #tpu.memory_space<vmem>> -> memref<64xi32, #tpu.memory_space<vmem>>
          %dma_wait3A_123 = arith.constant 0 : i32
          %dma_wait3A_124 = arith.constant 0 : i32
          %dma_wait3A_125 = tpu.memref_slice %arg16[%dma_wait3A_123, %dma_wait3A_124] : memref<10240x16xf32, #tpu.memory_space<vmem_shared>> -> memref<10240x16xf32, #tpu.memory_space<vmem_shared>>
          tpu.wait_indirect_dma semaphore(%arg14 : memref<!tpu.dma_semaphore, #tpu.memory_space<semaphore_mem>>) src(%arg8 : memref<64x16xf32, #tpu.memory_space<vmem>>) dst(%dma_wait3A_125 : memref<10240x16xf32, #tpu.memory_space<vmem_shared>>)
        } else {
        }
        %mul3A_112 = arith.constant 64 : i32
        %mul3A_113 = arith.muli %sub3A_102, %mul3A_112 : i32
        %add3A_114 = arith.addi %mul3A_2, %mul3A_113 : i32
        %dma_start3A_115 = arith.constant 0 : i32
        %dma_start3A_116 = tpu.memref_slice %arg2[%add3A_114, %dma_start3A_115] : memref<344064x16xf32, #tpu.memory_space<hbm>> -> memref<64x16xf32, #tpu.memory_space<hbm>>
        %dma_start3A_117 = arith.constant 0 : i32
        %dma_start3A_118 = tpu.memref_slice %arg2[%add3A_114, %dma_start3A_117] : memref<344064x16xf32, #tpu.memory_space<hbm>> -> memref<64x16xf32, #tpu.memory_space<hbm>>
        tpu.enqueue_dma source(%dma_start3A_118 : memref<64x16xf32, #tpu.memory_space<hbm>>) target(%arg8 : memref<64x16xf32, #tpu.memory_space<vmem>>) target_semaphore(%arg11 : memref<!tpu.dma_semaphore, #tpu.memory_space<semaphore_mem>>)
      } else {
      }
    }
    %scan3A_20 = arith.constant 56 : i32
    %dma_wait3A = arith.constant 0 : i32
    %dma_wait3A_21 = arith.constant 0 : i32
    %dma_wait3A_22 = tpu.memref_slice %arg6[%dma_wait3A, %dma_wait3A_21] : memref<168x64xi32, #tpu.memory_space<vmem>> -> memref<1x64xi32, #tpu.memory_space<vmem>>
    %dma_wait3A_23 = tpu.memref_squeeze %dma_wait3A_22 : memref<1x64xi32, #tpu.memory_space<vmem>> -> memref<64xi32, #tpu.memory_space<vmem>>
    %dma_wait3A_24 = arith.constant 0 : i32
    %dma_wait3A_25 = arith.constant 0 : i32
    %dma_wait3A_26 = tpu.memref_slice %arg16[%dma_wait3A_24, %dma_wait3A_25] : memref<10240x16xf32, #tpu.memory_space<vmem_shared>> -> memref<10240x16xf32, #tpu.memory_space<vmem_shared>>
    tpu.wait_indirect_dma semaphore(%arg13 : memref<!tpu.dma_semaphore, #tpu.memory_space<semaphore_mem>>) src(%arg7 : memref<64x16xf32, #tpu.memory_space<vmem>>) dst(%dma_wait3A_26 : memref<10240x16xf32, #tpu.memory_space<vmem_shared>>)
    %dma_wait3A_27 = arith.constant 0 : i32
    %dma_wait3A_28 = arith.constant 0 : i32
    %dma_wait3A_29 = tpu.memref_slice %arg6[%dma_wait3A_27, %dma_wait3A_28] : memref<168x64xi32, #tpu.memory_space<vmem>> -> memref<1x64xi32, #tpu.memory_space<vmem>>
    %dma_wait3A_30 = tpu.memref_squeeze %dma_wait3A_29 : memref<1x64xi32, #tpu.memory_space<vmem>> -> memref<64xi32, #tpu.memory_space<vmem>>
    %dma_wait3A_31 = arith.constant 0 : i32
    %dma_wait3A_32 = arith.constant 0 : i32
    %dma_wait3A_33 = tpu.memref_slice %arg16[%dma_wait3A_31, %dma_wait3A_32] : memref<10240x16xf32, #tpu.memory_space<vmem_shared>> -> memref<10240x16xf32, #tpu.memory_space<vmem_shared>>
    tpu.wait_indirect_dma semaphore(%arg14 : memref<!tpu.dma_semaphore, #tpu.memory_space<semaphore_mem>>) src(%arg8 : memref<64x16xf32, #tpu.memory_space<vmem>>) dst(%dma_wait3A_33 : memref<10240x16xf32, #tpu.memory_space<vmem_shared>>)
    %dma_wait3A_34 = arith.constant 0 : i32
    %dma_wait3A_35 = arith.constant 0 : i32
    %dma_wait3A_36 = tpu.memref_slice %arg6[%dma_wait3A_34, %dma_wait3A_35] : memref<168x64xi32, #tpu.memory_space<vmem>> -> memref<1x64xi32, #tpu.memory_space<vmem>>
    %dma_wait3A_37 = tpu.memref_squeeze %dma_wait3A_36 : memref<1x64xi32, #tpu.memory_space<vmem>> -> memref<64xi32, #tpu.memory_space<vmem>>
    %dma_wait3A_38 = arith.constant 0 : i32
    %dma_wait3A_39 = arith.constant 0 : i32
    %dma_wait3A_40 = tpu.memref_slice %arg16[%dma_wait3A_38, %dma_wait3A_39] : memref<10240x16xf32, #tpu.memory_space<vmem_shared>> -> memref<10240x16xf32, #tpu.memory_space<vmem_shared>>
    tpu.wait_indirect_dma semaphore(%arg15 : memref<!tpu.dma_semaphore, #tpu.memory_space<semaphore_mem>>) src(%arg9 : memref<64x16xf32, #tpu.memory_space<vmem>>) dst(%dma_wait3A_40 : memref<10240x16xf32, #tpu.memory_space<vmem_shared>>)
    %barrier3A_41 = arith.constant 0 : index
    tpu.barrier barrier_id(%barrier3A_41)
    %mul3A_42 = arith.constant 640 : i32
    %mul3A_43 = arith.muli %arg1, %mul3A_42 : i32
    %mul3A_44 = arith.constant 640 : i32
    %mul3A_45 = arith.muli %arg1, %mul3A_44 : i32
    "tpu.region"() ({
      %run_scoped3A = tpu.sem_alloc : memref<!tpu.dma_semaphore, #tpu.memory_space<semaphore_mem>>
      %dma_start3A_46 = arith.constant 0 : i32
      %dma_start3A_47 = tpu.memref_slice %arg5[%arg0, %mul3A_45, %dma_start3A_46] : memref<2x10240x16xf32, #tpu.memory_space<hbm>> -> memref<1x640x16xf32, #tpu.memory_space<hbm>>
      %dma_start3A_48 = tpu.memref_squeeze %dma_start3A_47 : memref<1x640x16xf32, #tpu.memory_space<hbm>> -> memref<640x16xf32, #tpu.memory_space<hbm>>
      %dma_start3A_49 = arith.constant 0 : i32
      %dma_start3A_50 = tpu.memref_slice %arg16[%mul3A_43, %dma_start3A_49] : memref<10240x16xf32, #tpu.memory_space<vmem_shared>> -> memref<640x16xf32, #tpu.memory_space<vmem_shared>>
      tpu.enqueue_dma source(%dma_start3A_50 : memref<640x16xf32, #tpu.memory_space<vmem_shared>>) target(%dma_start3A_48 : memref<640x16xf32, #tpu.memory_space<hbm>>) target_semaphore(%run_scoped3A : memref<!tpu.dma_semaphore, #tpu.memory_space<semaphore_mem>>)
      %dma_wait3A_51 = arith.constant 0 : i32
      %dma_wait3A_52 = tpu.memref_slice %arg5[%arg0, %mul3A_45, %dma_wait3A_51] : memref<2x10240x16xf32, #tpu.memory_space<hbm>> -> memref<1x640x16xf32, #tpu.memory_space<hbm>>
      %dma_wait3A_53 = tpu.memref_squeeze %dma_wait3A_52 : memref<1x640x16xf32, #tpu.memory_space<hbm>> -> memref<640x16xf32, #tpu.memory_space<hbm>>
      %dma_wait3A_54 = arith.constant 0 : i32
      %dma_wait3A_55 = tpu.memref_slice %arg16[%mul3A_43, %dma_wait3A_54] : memref<10240x16xf32, #tpu.memory_space<vmem_shared>> -> memref<640x16xf32, #tpu.memory_space<vmem_shared>>
      tpu.wait_dma2 semaphore(%run_scoped3A : memref<!tpu.dma_semaphore, #tpu.memory_space<semaphore_mem>>) src(%dma_wait3A_55 : memref<640x16xf32, #tpu.memory_space<vmem_shared>>) dst(%dma_wait3A_53 : memref<640x16xf32, #tpu.memory_space<hbm>>)
      tpu.yield
    }) : () -> ()
    return
  }
}

#map = affine_map<(d0, d1) -> (0, 0)>
#map1 = affine_map<(d0, d1) -> (0, 0, 0)>
module attributes {stable_mosaic.version = 14 : i64} {
  func.func @body(%arg0: i32, %arg1: i32, %arg2: memref<344064x16xf32, #tpu.memory_space<hbm>>, %arg3: memref<32x168x64xi32, #tpu.memory_space<hbm>>, %arg4: memref<640x16xf32, #tpu.memory_space<hbm>>, %arg5: memref<2x10240x16xf32, #tpu.memory_space<hbm>>, %arg6: memref<168x64xi32, #tpu.memory_space<vmem>>, %arg7: memref<64x16xf32, #tpu.memory_space<vmem>>, %arg8: memref<64x16xf32, #tpu.memory_space<vmem>>, %arg9: memref<64x16xf32, #tpu.memory_space<vmem>>, %arg10: memref<!tpu.dma_semaphore, #tpu.memory_space<semaphore_mem>>, %arg11: memref<!tpu.dma_semaphore, #tpu.memory_space<semaphore_mem>>, %arg12: memref<!tpu.dma_semaphore, #tpu.memory_space<semaphore_mem>>, %arg13: memref<!tpu.dma_semaphore, #tpu.memory_space<semaphore_mem>>, %arg14: memref<!tpu.dma_semaphore, #tpu.memory_space<semaphore_mem>>, %arg15: memref<!tpu.dma_semaphore, #tpu.memory_space<semaphore_mem>>, %arg16: memref<10240x16xf32, #tpu.memory_space<vmem_shared>>) attributes {dimension_semantics = [#tpu.dimension_semantics<core_parallel>, #tpu.dimension_semantics<subcore_parallel>], iteration_bounds = array<i64: 2, 16>, scalar_prefetch = 0 : i64, scratch_operands = 11 : i64, tpu.core_type = #tpu.core_type<sc_vector_subcore>, window_params = [{transform_indices = #map}, {transform_indices = #map1}, {transform_indices = #map}, {transform_indices = #map1}]} {
    %mul3A = arith.constant 16 : i32
    %mul3A_0 = arith.muli %arg0, %mul3A : i32
    %add3A = arith.addi %mul3A_0, %arg1 : i32
    %mul3A_1 = arith.constant 10752 : i32
    %mul3A_2 = arith.muli %add3A, %mul3A_1 : i32
    %mul3A_3 = arith.constant 640 : i32
    %mul3A_4 = arith.muli %arg1, %mul3A_3 : i32
    "tpu.region"() ({
      %run_scoped3A = tpu.sem_alloc : memref<!tpu.dma_semaphore, #tpu.memory_space<semaphore_mem>>
      %dma_start3A_46 = arith.constant 0 : i32
      %dma_start3A_47 = tpu.memref_slice %arg16[%mul3A_4, %dma_start3A_46] : memref<10240x16xf32, #tpu.memory_space<vmem_shared>> -> memref<640x16xf32, #tpu.memory_space<vmem_shared>>
      tpu.enqueue_dma source(%arg4 : memref<640x16xf32, #tpu.memory_space<hbm>>) target(%dma_start3A_47 : memref<640x16xf32, #tpu.memory_space<vmem_shared>>) target_semaphore(%run_scoped3A : memref<!tpu.dma_semaphore, #tpu.memory_space<semaphore_mem>>)
      %dma_wait3A_48 = arith.constant 0 : i32
      %dma_wait3A_49 = tpu.memref_slice %arg16[%mul3A_4, %dma_wait3A_48] : memref<10240x16xf32, #tpu.memory_space<vmem_shared>> -> memref<640x16xf32, #tpu.memory_space<vmem_shared>>
      tpu.wait_dma2 semaphore(%run_scoped3A : memref<!tpu.dma_semaphore, #tpu.memory_space<semaphore_mem>>) src(%arg4 : memref<640x16xf32, #tpu.memory_space<hbm>>) dst(%dma_wait3A_49 : memref<640x16xf32, #tpu.memory_space<vmem_shared>>)
      tpu.yield
    }) : () -> ()
    %barrier3A = arith.constant 0 : index
    tpu.barrier barrier_id(%barrier3A)
    "tpu.region"() ({
      %run_scoped3A = tpu.sem_alloc : memref<!tpu.dma_semaphore, #tpu.memory_space<semaphore_mem>>
      %dma_start3A_46 = arith.constant 0 : i32
      %dma_start3A_47 = arith.constant 0 : i32
      %dma_start3A_48 = tpu.memref_slice %arg3[%add3A, %dma_start3A_46, %dma_start3A_47] : memref<32x168x64xi32, #tpu.memory_space<hbm>> -> memref<1x168x64xi32, #tpu.memory_space<hbm>>
      %dma_start3A_49 = tpu.memref_squeeze %dma_start3A_48 : memref<1x168x64xi32, #tpu.memory_space<hbm>> -> memref<168x64xi32, #tpu.memory_space<hbm>>
      %dma_start3A_50 = arith.constant 0 : i32
      %dma_start3A_51 = arith.constant 0 : i32
      %dma_start3A_52 = tpu.memref_slice %arg3[%add3A, %dma_start3A_50, %dma_start3A_51] : memref<32x168x64xi32, #tpu.memory_space<hbm>> -> memref<1x168x64xi32, #tpu.memory_space<hbm>>
      %dma_start3A_53 = tpu.memref_squeeze %dma_start3A_52 : memref<1x168x64xi32, #tpu.memory_space<hbm>> -> memref<168x64xi32, #tpu.memory_space<hbm>>
      tpu.enqueue_dma source(%dma_start3A_53 : memref<168x64xi32, #tpu.memory_space<hbm>>) target(%arg6 : memref<168x64xi32, #tpu.memory_space<vmem>>) target_semaphore(%run_scoped3A : memref<!tpu.dma_semaphore, #tpu.memory_space<semaphore_mem>>)
      %dma_wait3A_54 = arith.constant 0 : i32
      %dma_wait3A_55 = arith.constant 0 : i32
      %dma_wait3A_56 = tpu.memref_slice %arg3[%add3A, %dma_wait3A_54, %dma_wait3A_55] : memref<32x168x64xi32, #tpu.memory_space<hbm>> -> memref<1x168x64xi32, #tpu.memory_space<hbm>>
      %dma_wait3A_57 = tpu.memref_squeeze %dma_wait3A_56 : memref<1x168x64xi32, #tpu.memory_space<hbm>> -> memref<168x64xi32, #tpu.memory_space<hbm>>
      %dma_wait3A_58 = arith.constant 0 : i32
      %dma_wait3A_59 = arith.constant 0 : i32
      %dma_wait3A_60 = tpu.memref_slice %arg3[%add3A, %dma_wait3A_58, %dma_wait3A_59] : memref<32x168x64xi32, #tpu.memory_space<hbm>> -> memref<1x168x64xi32, #tpu.memory_space<hbm>>
      %dma_wait3A_61 = tpu.memref_squeeze %dma_wait3A_60 : memref<1x168x64xi32, #tpu.memory_space<hbm>> -> memref<168x64xi32, #tpu.memory_space<hbm>>
      tpu.wait_dma2 semaphore(%run_scoped3A : memref<!tpu.dma_semaphore, #tpu.memory_space<semaphore_mem>>) src(%dma_wait3A_61 : memref<168x64xi32, #tpu.memory_space<hbm>>) dst(%arg6 : memref<168x64xi32, #tpu.memory_space<vmem>>)
      tpu.yield
    }) : () -> ()
    %add3A_5 = arith.constant 0 : i32
    %add3A_6 = arith.addi %mul3A_2, %add3A_5 : i32
    %dma_start3A = arith.constant 0 : i32
    %dma_start3A_7 = tpu.memref_slice %arg2[%add3A_6, %dma_start3A] : memref<344064x16xf32, #tpu.memory_space<hbm>> -> memref<64x16xf32, #tpu.memory_space<hbm>>
    %dma_start3A_8 = arith.constant 0 : i32
    %dma_start3A_9 = tpu.memref_slice %arg2[%add3A_6, %dma_start3A_8] : memref<344064x16xf32, #tpu.memory_space<hbm>> -> memref<64x16xf32, #tpu.memory_space<hbm>>
    tpu.enqueue_dma source(%dma_start3A_9 : memref<64x16xf32, #tpu.memory_space<hbm>>) target(%arg7 : memref<64x16xf32, #tpu.memory_space<vmem>>) target_semaphore(%arg10 : memref<!tpu.dma_semaphore, #tpu.memory_space<semaphore_mem>>)
    %add3A_10 = arith.constant 64 : i32
    %add3A_11 = arith.addi %mul3A_2, %add3A_10 : i32
    %dma_start3A_12 = arith.constant 0 : i32
    %dma_start3A_13 = tpu.memref_slice %arg2[%add3A_11, %dma_start3A_12] : memref<344064x16xf32, #tpu.memory_space<hbm>> -> memref<64x16xf32, #tpu.memory_space<hbm>>
    %dma_start3A_14 = arith.constant 0 : i32
    %dma_start3A_15 = tpu.memref_slice %arg2[%add3A_11, %dma_start3A_14] : memref<344064x16xf32, #tpu.memory_space<hbm>> -> memref<64x16xf32, #tpu.memory_space<hbm>>
    tpu.enqueue_dma source(%dma_start3A_15 : memref<64x16xf32, #tpu.memory_space<hbm>>) target(%arg8 : memref<64x16xf32, #tpu.memory_space<vmem>>) target_semaphore(%arg11 : memref<!tpu.dma_semaphore, #tpu.memory_space<semaphore_mem>>)
    %scan3A = arith.constant 0 : i32
    %scan3A_16 = arith.constant 0 : i32
    %scan3A_17 = arith.constant 56 : i32
    %scan3A_18 = arith.addi %scan3A_16, %scan3A_17 : i32
    %scan3A_19 = arith.constant 1 : i32
    scf.for %scan3A_46 = %scan3A_16 to %scan3A_18 step %scan3A_19  : i32 {
      %mul3A_47 = arith.constant 3 : i32
      %mul3A_48 = arith.muli %scan3A_46, %mul3A_47 : i32
      %add3A_49 = arith.constant 0 : i32
      %add3A_50 = arith.addi %mul3A_48, %add3A_49 : i32
      %dma_wait3A_51 = arith.constant 0 : i32
      %dma_wait3A_52 = tpu.memref_slice %arg2[%mul3A_2, %dma_wait3A_51] : memref<344064x16xf32, #tpu.memory_space<hbm>> -> memref<64x16xf32, #tpu.memory_space<hbm>>
      %dma_wait3A_53 = arith.constant 0 : i32
      %dma_wait3A_54 = tpu.memref_slice %arg2[%mul3A_2, %dma_wait3A_53] : memref<344064x16xf32, #tpu.memory_space<hbm>> -> memref<64x16xf32, #tpu.memory_space<hbm>>
      tpu.wait_dma2 semaphore(%arg10 : memref<!tpu.dma_semaphore, #tpu.memory_space<semaphore_mem>>) src(%dma_wait3A_54 : memref<64x16xf32, #tpu.memory_space<hbm>>) dst(%arg7 : memref<64x16xf32, #tpu.memory_space<vmem>>)
      %dma_start3A_55 = arith.constant 0 : i32
      %dma_start3A_56 = tpu.memref_slice %arg6[%add3A_50, %dma_start3A_55] : memref<168x64xi32, #tpu.memory_space<vmem>> -> memref<1x64xi32, #tpu.memory_space<vmem>>
      %dma_start3A_57 = tpu.memref_squeeze %dma_start3A_56 : memref<1x64xi32, #tpu.memory_space<vmem>> -> memref<64xi32, #tpu.memory_space<vmem>>
      %dma_start3A_58 = arith.constant 0 : i32
      %dma_start3A_59 = arith.constant 0 : i32
      %dma_start3A_60 = tpu.memref_slice %arg16[%dma_start3A_58, %dma_start3A_59] : memref<10240x16xf32, #tpu.memory_space<vmem_shared>> -> memref<10240x16xf32, #tpu.memory_space<vmem_shared>>
      tpu.enqueue_indirect_dma source(%arg7 : memref<64x16xf32, #tpu.memory_space<vmem>>) target(%dma_start3A_60 : memref<10240x16xf32, #tpu.memory_space<vmem_shared>>) offsets(%dma_start3A_57 : memref<64xi32, #tpu.memory_space<vmem>>) semaphore(%arg13 : memref<!tpu.dma_semaphore, #tpu.memory_space<semaphore_mem>>) {add = true}
      %add3A_61 = arith.constant 3 : i32
      %add3A_62 = arith.addi %add3A_50, %add3A_61 : i32
      %sub3A = arith.constant 1 : i32
      %sub3A_63 = arith.subi %add3A_62, %sub3A : i32
      %lt3A = arith.constant 168 : i32
      %lt3A_64 = arith.cmpi slt, %sub3A_63, %lt3A : i32
      %convert_element_type3A = arith.extui %lt3A_64 : i1 to i32
      %cond3A = arith.constant 0 : i32
      %cond3A_65 = arith.cmpi ne, %convert_element_type3A, %cond3A : i32
      scf.if %cond3A_65 {
        %ge3A = arith.constant 1 : i32
        %ge3A_108 = arith.cmpi sge, %add3A_50, %ge3A : i32
        %convert_element_type3A_109 = arith.extui %ge3A_108 : i1 to i32
        %cond3A_110 = arith.constant 0 : i32
        %cond3A_111 = arith.cmpi ne, %convert_element_type3A_109, %cond3A_110 : i32
        scf.if %cond3A_111 {
          %dma_wait3A_119 = arith.constant 0 : i32
          %dma_wait3A_120 = arith.constant 0 : i32
          %dma_wait3A_121 = tpu.memref_slice %arg6[%dma_wait3A_119, %dma_wait3A_120] : memref<168x64xi32, #tpu.memory_space<vmem>> -> memref<1x64xi32, #tpu.memory_space<vmem>>
          %dma_wait3A_122 = tpu.memref_squeeze %dma_wait3A_121 : memref<1x64xi32, #tpu.memory_space<vmem>> -> memref<64xi32, #tpu.memory_space<vmem>>
          %dma_wait3A_123 = arith.constant 0 : i32
          %dma_wait3A_124 = arith.constant 0 : i32
          %dma_wait3A_125 = tpu.memref_slice %arg16[%dma_wait3A_123, %dma_wait3A_124] : memref<10240x16xf32, #tpu.memory_space<vmem_shared>> -> memref<10240x16xf32, #tpu.memory_space<vmem_shared>>
          tpu.wait_indirect_dma semaphore(%arg15 : memref<!tpu.dma_semaphore, #tpu.memory_space<semaphore_mem>>) src(%arg9 : memref<64x16xf32, #tpu.memory_space<vmem>>) dst(%dma_wait3A_125 : memref<10240x16xf32, #tpu.memory_space<vmem_shared>>)
        } else {
        }
        %mul3A_112 = arith.constant 64 : i32
        %mul3A_113 = arith.muli %sub3A_63, %mul3A_112 : i32
        %add3A_114 = arith.addi %mul3A_2, %mul3A_113 : i32
        %dma_start3A_115 = arith.constant 0 : i32
        %dma_start3A_116 = tpu.memref_slice %arg2[%add3A_114, %dma_start3A_115] : memref<344064x16xf32, #tpu.memory_space<hbm>> -> memref<64x16xf32, #tpu.memory_space<hbm>>
        %dma_start3A_117 = arith.constant 0 : i32
        %dma_start3A_118 = tpu.memref_slice %arg2[%add3A_114, %dma_start3A_117] : memref<344064x16xf32, #tpu.memory_space<hbm>> -> memref<64x16xf32, #tpu.memory_space<hbm>>
        tpu.enqueue_dma source(%dma_start3A_118 : memref<64x16xf32, #tpu.memory_space<hbm>>) target(%arg9 : memref<64x16xf32, #tpu.memory_space<vmem>>) target_semaphore(%arg12 : memref<!tpu.dma_semaphore, #tpu.memory_space<semaphore_mem>>)
      } else {
      }
      %add3A_66 = arith.constant 1 : i32
      %add3A_67 = arith.addi %mul3A_48, %add3A_66 : i32
      %dma_wait3A_68 = arith.constant 0 : i32
      %dma_wait3A_69 = tpu.memref_slice %arg2[%mul3A_2, %dma_wait3A_68] : memref<344064x16xf32, #tpu.memory_space<hbm>> -> memref<64x16xf32, #tpu.memory_space<hbm>>
      %dma_wait3A_70 = arith.constant 0 : i32
      %dma_wait3A_71 = tpu.memref_slice %arg2[%mul3A_2, %dma_wait3A_70] : memref<344064x16xf32, #tpu.memory_space<hbm>> -> memref<64x16xf32, #tpu.memory_space<hbm>>
      tpu.wait_dma2 semaphore(%arg11 : memref<!tpu.dma_semaphore, #tpu.memory_space<semaphore_mem>>) src(%dma_wait3A_71 : memref<64x16xf32, #tpu.memory_space<hbm>>) dst(%arg8 : memref<64x16xf32, #tpu.memory_space<vmem>>)
      %dma_start3A_72 = arith.constant 0 : i32
      %dma_start3A_73 = tpu.memref_slice %arg6[%add3A_67, %dma_start3A_72] : memref<168x64xi32, #tpu.memory_space<vmem>> -> memref<1x64xi32, #tpu.memory_space<vmem>>
      %dma_start3A_74 = tpu.memref_squeeze %dma_start3A_73 : memref<1x64xi32, #tpu.memory_space<vmem>> -> memref<64xi32, #tpu.memory_space<vmem>>
      %dma_start3A_75 = arith.constant 0 : i32
      %dma_start3A_76 = arith.constant 0 : i32
      %dma_start3A_77 = tpu.memref_slice %arg16[%dma_start3A_75, %dma_start3A_76] : memref<10240x16xf32, #tpu.memory_space<vmem_shared>> -> memref<10240x16xf32, #tpu.memory_space<vmem_shared>>
      tpu.enqueue_indirect_dma source(%arg8 : memref<64x16xf32, #tpu.memory_space<vmem>>) target(%dma_start3A_77 : memref<10240x16xf32, #tpu.memory_space<vmem_shared>>) offsets(%dma_start3A_74 : memref<64xi32, #tpu.memory_space<vmem>>) semaphore(%arg14 : memref<!tpu.dma_semaphore, #tpu.memory_space<semaphore_mem>>) {add = true}
      %add3A_78 = arith.constant 3 : i32
      %add3A_79 = arith.addi %add3A_67, %add3A_78 : i32
      %sub3A_80 = arith.constant 1 : i32
      %sub3A_81 = arith.subi %add3A_79, %sub3A_80 : i32
      %lt3A_82 = arith.constant 168 : i32
      %lt3A_83 = arith.cmpi slt, %sub3A_81, %lt3A_82 : i32
      %convert_element_type3A_84 = arith.extui %lt3A_83 : i1 to i32
      %cond3A_85 = arith.constant 0 : i32
      %cond3A_86 = arith.cmpi ne, %convert_element_type3A_84, %cond3A_85 : i32
      scf.if %cond3A_86 {
        %ge3A = arith.constant 1 : i32
        %ge3A_108 = arith.cmpi sge, %add3A_67, %ge3A : i32
        %convert_element_type3A_109 = arith.extui %ge3A_108 : i1 to i32
        %cond3A_110 = arith.constant 0 : i32
        %cond3A_111 = arith.cmpi ne, %convert_element_type3A_109, %cond3A_110 : i32
        scf.if %cond3A_111 {
          %dma_wait3A_119 = arith.constant 0 : i32
          %dma_wait3A_120 = arith.constant 0 : i32
          %dma_wait3A_121 = tpu.memref_slice %arg6[%dma_wait3A_119, %dma_wait3A_120] : memref<168x64xi32, #tpu.memory_space<vmem>> -> memref<1x64xi32, #tpu.memory_space<vmem>>
          %dma_wait3A_122 = tpu.memref_squeeze %dma_wait3A_121 : memref<1x64xi32, #tpu.memory_space<vmem>> -> memref<64xi32, #tpu.memory_space<vmem>>
          %dma_wait3A_123 = arith.constant 0 : i32
          %dma_wait3A_124 = arith.constant 0 : i32
          %dma_wait3A_125 = tpu.memref_slice %arg16[%dma_wait3A_123, %dma_wait3A_124] : memref<10240x16xf32, #tpu.memory_space<vmem_shared>> -> memref<10240x16xf32, #tpu.memory_space<vmem_shared>>
          tpu.wait_indirect_dma semaphore(%arg13 : memref<!tpu.dma_semaphore, #tpu.memory_space<semaphore_mem>>) src(%arg7 : memref<64x16xf32, #tpu.memory_space<vmem>>) dst(%dma_wait3A_125 : memref<10240x16xf32, #tpu.memory_space<vmem_shared>>)
        } else {
        }
        %mul3A_112 = arith.constant 64 : i32
        %mul3A_113 = arith.muli %sub3A_81, %mul3A_112 : i32
        %add3A_114 = arith.addi %mul3A_2, %mul3A_113 : i32
        %dma_start3A_115 = arith.constant 0 : i32
        %dma_start3A_116 = tpu.memref_slice %arg2[%add3A_114, %dma_start3A_115] : memref<344064x16xf32, #tpu.memory_space<hbm>> -> memref<64x16xf32, #tpu.memory_space<hbm>>
        %dma_start3A_117 = arith.constant 0 : i32
        %dma_start3A_118 = tpu.memref_slice %arg2[%add3A_114, %dma_start3A_117] : memref<344064x16xf32, #tpu.memory_space<hbm>> -> memref<64x16xf32, #tpu.memory_space<hbm>>
        tpu.enqueue_dma source(%dma_start3A_118 : memref<64x16xf32, #tpu.memory_space<hbm>>) target(%arg7 : memref<64x16xf32, #tpu.memory_space<vmem>>) target_semaphore(%arg10 : memref<!tpu.dma_semaphore, #tpu.memory_space<semaphore_mem>>)
      } else {
      }
      %add3A_87 = arith.constant 2 : i32
      %add3A_88 = arith.addi %mul3A_48, %add3A_87 : i32
      %dma_wait3A_89 = arith.constant 0 : i32
      %dma_wait3A_90 = tpu.memref_slice %arg2[%mul3A_2, %dma_wait3A_89] : memref<344064x16xf32, #tpu.memory_space<hbm>> -> memref<64x16xf32, #tpu.memory_space<hbm>>
      %dma_wait3A_91 = arith.constant 0 : i32
      %dma_wait3A_92 = tpu.memref_slice %arg2[%mul3A_2, %dma_wait3A_91] : memref<344064x16xf32, #tpu.memory_space<hbm>> -> memref<64x16xf32, #tpu.memory_space<hbm>>
      tpu.wait_dma2 semaphore(%arg12 : memref<!tpu.dma_semaphore, #tpu.memory_space<semaphore_mem>>) src(%dma_wait3A_92 : memref<64x16xf32, #tpu.memory_space<hbm>>) dst(%arg9 : memref<64x16xf32, #tpu.memory_space<vmem>>)
      %dma_start3A_93 = arith.constant 0 : i32
      %dma_start3A_94 = tpu.memref_slice %arg6[%add3A_88, %dma_start3A_93] : memref<168x64xi32, #tpu.memory_space<vmem>> -> memref<1x64xi32, #tpu.memory_space<vmem>>
      %dma_start3A_95 = tpu.memref_squeeze %dma_start3A_94 : memref<1x64xi32, #tpu.memory_space<vmem>> -> memref<64xi32, #tpu.memory_space<vmem>>
      %dma_start3A_96 = arith.constant 0 : i32
      %dma_start3A_97 = arith.constant 0 : i32
      %dma_start3A_98 = tpu.memref_slice %arg16[%dma_start3A_96, %dma_start3A_97] : memref<10240x16xf32, #tpu.memory_space<vmem_shared>> -> memref<10240x16xf32, #tpu.memory_space<vmem_shared>>
      tpu.enqueue_indirect_dma source(%arg9 : memref<64x16xf32, #tpu.memory_space<vmem>>) target(%dma_start3A_98 : memref<10240x16xf32, #tpu.memory_space<vmem_shared>>) offsets(%dma_start3A_95 : memref<64xi32, #tpu.memory_space<vmem>>) semaphore(%arg15 : memref<!tpu.dma_semaphore, #tpu.memory_space<semaphore_mem>>) {add = true}
      %add3A_99 = arith.constant 3 : i32
      %add3A_100 = arith.addi %add3A_88, %add3A_99 : i32
      %sub3A_101 = arith.constant 1 : i32
      %sub3A_102 = arith.subi %add3A_100, %sub3A_101 : i32
      %lt3A_103 = arith.constant 168 : i32
      %lt3A_104 = arith.cmpi slt, %sub3A_102, %lt3A_103 : i32
      %convert_element_type3A_105 = arith.extui %lt3A_104 : i1 to i32
      %cond3A_106 = arith.constant 0 : i32
      %cond3A_107 = arith.cmpi ne, %convert_element_type3A_105, %cond3A_106 : i32
      scf.if %cond3A_107 {
        %ge3A = arith.constant 1 : i32
        %ge3A_108 = arith.cmpi sge, %add3A_88, %ge3A : i32
        %convert_element_type3A_109 = arith.extui %ge3A_108 : i1 to i32
        %cond3A_110 = arith.constant 0 : i32
        %cond3A_111 = arith.cmpi ne, %convert_element_type3A_109, %cond3A_110 : i32
        scf.if %cond3A_111 {
          %dma_wait3A_119 = arith.constant 0 : i32
          %dma_wait3A_120 = arith.constant 0 : i32
          %dma_wait3A_121 = tpu.memref_slice %arg6[%dma_wait3A_119, %dma_wait3A_120] : memref<168x64xi32, #tpu.memory_space<vmem>> -> memref<1x64xi32, #tpu.memory_space<vmem>>
          %dma_wait3A_122 = tpu.memref_squeeze %dma_wait3A_121 : memref<1x64xi32, #tpu.memory_space<vmem>> -> memref<64xi32, #tpu.memory_space<vmem>>
          %dma_wait3A_123 = arith.constant 0 : i32
          %dma_wait3A_124 = arith.constant 0 : i32
          %dma_wait3A_125 = tpu.memref_slice %arg16[%dma_wait3A_123, %dma_wait3A_124] : memref<10240x16xf32, #tpu.memory_space<vmem_shared>> -> memref<10240x16xf32, #tpu.memory_space<vmem_shared>>
          tpu.wait_indirect_dma semaphore(%arg14 : memref<!tpu.dma_semaphore, #tpu.memory_space<semaphore_mem>>) src(%arg8 : memref<64x16xf32, #tpu.memory_space<vmem>>) dst(%dma_wait3A_125 : memref<10240x16xf32, #tpu.memory_space<vmem_shared>>)
        } else {
        }
        %mul3A_112 = arith.constant 64 : i32
        %mul3A_113 = arith.muli %sub3A_102, %mul3A_112 : i32
        %add3A_114 = arith.addi %mul3A_2, %mul3A_113 : i32
        %dma_start3A_115 = arith.constant 0 : i32
        %dma_start3A_116 = tpu.memref_slice %arg2[%add3A_114, %dma_start3A_115] : memref<344064x16xf32, #tpu.memory_space<hbm>> -> memref<64x16xf32, #tpu.memory_space<hbm>>
        %dma_start3A_117 = arith.constant 0 : i32
        %dma_start3A_118 = tpu.memref_slice %arg2[%add3A_114, %dma_start3A_117] : memref<344064x16xf32, #tpu.memory_space<hbm>> -> memref<64x16xf32, #tpu.memory_space<hbm>>
        tpu.enqueue_dma source(%dma_start3A_118 : memref<64x16xf32, #tpu.memory_space<hbm>>) target(%arg8 : memref<64x16xf32, #tpu.memory_space<vmem>>) target_semaphore(%arg11 : memref<!tpu.dma_semaphore, #tpu.memory_space<semaphore_mem>>)
      } else {
      }
    }
    %scan3A_20 = arith.constant 56 : i32
    %dma_wait3A = arith.constant 0 : i32
    %dma_wait3A_21 = arith.constant 0 : i32
    %dma_wait3A_22 = tpu.memref_slice %arg6[%dma_wait3A, %dma_wait3A_21] : memref<168x64xi32, #tpu.memory_space<vmem>> -> memref<1x64xi32, #tpu.memory_space<vmem>>
    %dma_wait3A_23 = tpu.memref_squeeze %dma_wait3A_22 : memref<1x64xi32, #tpu.memory_space<vmem>> -> memref<64xi32, #tpu.memory_space<vmem>>
    %dma_wait3A_24 = arith.constant 0 : i32
    %dma_wait3A_25 = arith.constant 0 : i32
    %dma_wait3A_26 = tpu.memref_slice %arg16[%dma_wait3A_24, %dma_wait3A_25] : memref<10240x16xf32, #tpu.memory_space<vmem_shared>> -> memref<10240x16xf32, #tpu.memory_space<vmem_shared>>
    tpu.wait_indirect_dma semaphore(%arg13 : memref<!tpu.dma_semaphore, #tpu.memory_space<semaphore_mem>>) src(%arg7 : memref<64x16xf32, #tpu.memory_space<vmem>>) dst(%dma_wait3A_26 : memref<10240x16xf32, #tpu.memory_space<vmem_shared>>)
    %dma_wait3A_27 = arith.constant 0 : i32
    %dma_wait3A_28 = arith.constant 0 : i32
    %dma_wait3A_29 = tpu.memref_slice %arg6[%dma_wait3A_27, %dma_wait3A_28] : memref<168x64xi32, #tpu.memory_space<vmem>> -> memref<1x64xi32, #tpu.memory_space<vmem>>
    %dma_wait3A_30 = tpu.memref_squeeze %dma_wait3A_29 : memref<1x64xi32, #tpu.memory_space<vmem>> -> memref<64xi32, #tpu.memory_space<vmem>>
    %dma_wait3A_31 = arith.constant 0 : i32
    %dma_wait3A_32 = arith.constant 0 : i32
    %dma_wait3A_33 = tpu.memref_slice %arg16[%dma_wait3A_31, %dma_wait3A_32] : memref<10240x16xf32, #tpu.memory_space<vmem_shared>> -> memref<10240x16xf32, #tpu.memory_space<vmem_shared>>
    tpu.wait_indirect_dma semaphore(%arg14 : memref<!tpu.dma_semaphore, #tpu.memory_space<semaphore_mem>>) src(%arg8 : memref<64x16xf32, #tpu.memory_space<vmem>>) dst(%dma_wait3A_33 : memref<10240x16xf32, #tpu.memory_space<vmem_shared>>)
    %dma_wait3A_34 = arith.constant 0 : i32
    %dma_wait3A_35 = arith.constant 0 : i32
    %dma_wait3A_36 = tpu.memref_slice %arg6[%dma_wait3A_34, %dma_wait3A_35] : memref<168x64xi32, #tpu.memory_space<vmem>> -> memref<1x64xi32, #tpu.memory_space<vmem>>
    %dma_wait3A_37 = tpu.memref_squeeze %dma_wait3A_36 : memref<1x64xi32, #tpu.memory_space<vmem>> -> memref<64xi32, #tpu.memory_space<vmem>>
    %dma_wait3A_38 = arith.constant 0 : i32
    %dma_wait3A_39 = arith.constant 0 : i32
    %dma_wait3A_40 = tpu.memref_slice %arg16[%dma_wait3A_38, %dma_wait3A_39] : memref<10240x16xf32, #tpu.memory_space<vmem_shared>> -> memref<10240x16xf32, #tpu.memory_space<vmem_shared>>
    tpu.wait_indirect_dma semaphore(%arg15 : memref<!tpu.dma_semaphore, #tpu.memory_space<semaphore_mem>>) src(%arg9 : memref<64x16xf32, #tpu.memory_space<vmem>>) dst(%dma_wait3A_40 : memref<10240x16xf32, #tpu.memory_space<vmem_shared>>)
    %barrier3A_41 = arith.constant 0 : index
    tpu.barrier barrier_id(%barrier3A_41)
    %mul3A_42 = arith.constant 640 : i32
    %mul3A_43 = arith.muli %arg1, %mul3A_42 : i32
    %mul3A_44 = arith.constant 640 : i32
    %mul3A_45 = arith.muli %arg1, %mul3A_44 : i32
    "tpu.region"() ({
      %run_scoped3A = tpu.sem_alloc : memref<!tpu.dma_semaphore, #tpu.memory_space<semaphore_mem>>
      %dma_start3A_46 = arith.constant 0 : i32
      %dma_start3A_47 = tpu.memref_slice %arg5[%arg0, %mul3A_45, %dma_start3A_46] : memref<2x10240x16xf32, #tpu.memory_space<hbm>> -> memref<1x640x16xf32, #tpu.memory_space<hbm>>
      %dma_start3A_48 = tpu.memref_squeeze %dma_start3A_47 : memref<1x640x16xf32, #tpu.memory_space<hbm>> -> memref<640x16xf32, #tpu.memory_space<hbm>>
      %dma_start3A_49 = arith.constant 0 : i32
      %dma_start3A_50 = tpu.memref_slice %arg16[%mul3A_43, %dma_start3A_49] : memref<10240x16xf32, #tpu.memory_space<vmem_shared>> -> memref<640x16xf32, #tpu.memory_space<vmem_shared>>
      tpu.enqueue_dma source(%dma_start3A_50 : memref<640x16xf32, #tpu.memory_space<vmem_shared>>) target(%dma_start3A_48 : memref<640x16xf32, #tpu.memory_space<hbm>>) target_semaphore(%run_scoped3A : memref<!tpu.dma_semaphore, #tpu.memory_space<semaphore_mem>>)
      %dma_wait3A_51 = arith.constant 0 : i32
      %dma_wait3A_52 = tpu.memref_slice %arg5[%arg0, %mul3A_45, %dma_wait3A_51] : memref<2x10240x16xf32, #tpu.memory_space<hbm>> -> memref<1x640x16xf32, #tpu.memory_space<hbm>>
      %dma_wait3A_53 = tpu.memref_squeeze %dma_wait3A_52 : memref<1x640x16xf32, #tpu.memory_space<hbm>> -> memref<640x16xf32, #tpu.memory_space<hbm>>
      %dma_wait3A_54 = arith.constant 0 : i32
      %dma_wait3A_55 = tpu.memref_slice %arg16[%mul3A_43, %dma_wait3A_54] : memref<10240x16xf32, #tpu.memory_space<vmem_shared>> -> memref<640x16xf32, #tpu.memory_space<vmem_shared>>
      tpu.wait_dma2 semaphore(%run_scoped3A : memref<!tpu.dma_semaphore, #tpu.memory_space<semaphore_mem>>) src(%dma_wait3A_55 : memref<640x16xf32, #tpu.memory_space<vmem_shared>>) dst(%dma_wait3A_53 : memref<640x16xf32, #tpu.memory_space<hbm>>)
      tpu.yield
    }) : () -> ()
    return
  }
}

module attributes {stable_mosaic.version = 14 : i64} {
  func.func @_proj1_body(%arg0: i32, %arg1: memref<1024x128xf32, #tpu.memory_space<vmem>>, %arg2: memref<128x128xf32, #tpu.memory_space<vmem>>, %arg3: memref<128x128xf32, #tpu.memory_space<vmem>>, %arg4: memref<1024x128xf32, #tpu.memory_space<vmem>>, %arg5: memref<1024x128xf32, #tpu.memory_space<vmem>>) attributes {dimension_semantics = [#tpu.dimension_semantics<arbitrary>], iteration_bounds = array<i64: 10>, scalar_prefetch = 0 : i64, scratch_operands = 0 : i64, tpu.core_type = #tpu.core_type<tc>, window_params = [{transform_indices = @transform_0, window_bounds = array<i64: 1024, 128>}, {pipeline_mode = #tpu.pipeline_mode<synchronous>, transform_indices = @transform_1, window_bounds = array<i64: 128, 128>}, {pipeline_mode = #tpu.pipeline_mode<synchronous>, transform_indices = @transform_2, window_bounds = array<i64: 128, 128>}, {transform_indices = @transform_3, window_bounds = array<i64: 1024, 128>}, {transform_indices = @transform_4, window_bounds = array<i64: 1024, 128>}]} {
    %get3A = arith.constant 0 : index
    %get3A_0 = arith.constant 0 : index
    %get3A_1 = vector.load %arg1[%get3A, %get3A_0] : memref<1024x128xf32, #tpu.memory_space<vmem>>, vector<1024x128xf32>
    %get3A_2 = arith.constant 0 : index
    %get3A_3 = arith.constant 0 : index
    %get3A_4 = vector.load %arg2[%get3A_2, %get3A_3] : memref<128x128xf32, #tpu.memory_space<vmem>>, vector<128x128xf32>
    %dot_general3A = arith.constant dense<0.000000e+00> : vector<1024x128xf32>
    %dot_general3A_5 = tpu.matmul %get3A_1, %get3A_4, %dot_general3A {dimension_numbers = #tpu.dot_dimension_numbers<[1], [0], [0], [1], [0, 0, 1, 1], [], []>, precision = #tpu.contract_precision<fp32>, transpose_lhs_hint = false} : vector<1024x128xf32>, vector<128x128xf32>, vector<1024x128xf32> -> vector<1024x128xf32>
    %swap3A = arith.constant 0 : index
    %swap3A_6 = arith.constant 0 : index
    %swap3A_7 = vector.load %arg4[%swap3A, %swap3A_6] : memref<1024x128xf32, #tpu.memory_space<vmem>>, vector<1024x128xf32>
    tpu.vector_store %arg4[%swap3A, %swap3A_6], %dot_general3A_5 {strides = array<i32>} : memref<1024x128xf32, #tpu.memory_space<vmem>>, vector<1024x128xf32>,
    %get3A_8 = arith.constant 0 : index
    %get3A_9 = arith.constant 0 : index
    %get3A_10 = vector.load %arg3[%get3A_8, %get3A_9] : memref<128x128xf32, #tpu.memory_space<vmem>>, vector<128x128xf32>
    %dot_general3A_11 = arith.constant dense<0.000000e+00> : vector<1024x128xf32>
    %dot_general3A_12 = tpu.matmul %get3A_1, %get3A_10, %dot_general3A_11 {dimension_numbers = #tpu.dot_dimension_numbers<[1], [0], [0], [1], [0, 0, 1, 1], [], []>, precision = #tpu.contract_precision<fp32>, transpose_lhs_hint = false} : vector<1024x128xf32>, vector<128x128xf32>, vector<1024x128xf32> -> vector<1024x128xf32>
    %swap3A_13 = arith.constant 0 : index
    %swap3A_14 = arith.constant 0 : index
    %swap3A_15 = vector.load %arg5[%swap3A_13, %swap3A_14] : memref<1024x128xf32, #tpu.memory_space<vmem>>, vector<1024x128xf32>
    tpu.vector_store %arg5[%swap3A_13, %swap3A_14], %dot_general3A_12 {strides = array<i32>} : memref<1024x128xf32, #tpu.memory_space<vmem>>, vector<1024x128xf32>,
    return
  }
  func.func @transform_0(%arg0: i32) -> (i32, i32) {
    %c0_i32 = arith.constant 0 : i32
    %c0_i32_0 = arith.constant 0 : i32
    return %arg0, %c0_i32 : i32, i32
  }
  func.func @transform_1(%arg0: i32) -> (i32, i32) {
    %c0_i32 = arith.constant 0 : i32
    %c0_i32_0 = arith.constant 0 : i32
    %c0_i32_1 = arith.constant 0 : i32
    return %c0_i32, %c0_i32_0 : i32, i32
  }
  func.func @transform_2(%arg0: i32) -> (i32, i32) {
    %c0_i32 = arith.constant 0 : i32
    %c0_i32_0 = arith.constant 0 : i32
    %c0_i32_1 = arith.constant 0 : i32
    return %c0_i32, %c0_i32_0 : i32, i32
  }
  func.func @transform_3(%arg0: i32) -> (i32, i32) {
    %c0_i32 = arith.constant 0 : i32
    %c0_i32_0 = arith.constant 0 : i32
    return %arg0, %c0_i32 : i32, i32
  }
  func.func @transform_4(%arg0: i32) -> (i32, i32) {
    %c0_i32 = arith.constant 0 : i32
    %c0_i32_0 = arith.constant 0 : i32
    return %arg0, %c0_i32 : i32, i32
  }
}

module attributes {stable_mosaic.version = 14 : i64} {
  func.func @_edge1_body(%arg0: i32, %arg1: memref<1024x128xf32, #tpu.memory_space<vmem>>, %arg2: memref<128x4xf32, #tpu.memory_space<vmem>>, %arg3: memref<4x128xf32, #tpu.memory_space<vmem>>, %arg4: memref<4x16xf32, #tpu.memory_space<vmem>>, %arg5: memref<1024x128xf32, #tpu.memory_space<vmem>>, %arg6: memref<1024x16xf32, #tpu.memory_space<vmem>>) attributes {dimension_semantics = [#tpu.dimension_semantics<arbitrary>], iteration_bounds = array<i64: 336>, scalar_prefetch = 0 : i64, scratch_operands = 0 : i64, tpu.core_type = #tpu.core_type<tc>, window_params = [{transform_indices = @transform_0, window_bounds = array<i64: 1024, 128>}, {pipeline_mode = #tpu.pipeline_mode<synchronous>, transform_indices = @transform_1, window_bounds = array<i64: 128, 4>}, {pipeline_mode = #tpu.pipeline_mode<synchronous>, transform_indices = @transform_2, window_bounds = array<i64: 4, 128>}, {pipeline_mode = #tpu.pipeline_mode<synchronous>, transform_indices = @transform_3, window_bounds = array<i64: 4, 16>}, {transform_indices = @transform_4, window_bounds = array<i64: 1024, 128>}, {transform_indices = @transform_5, window_bounds = array<i64: 1024, 16>}]} {
    %get3A = arith.constant 0 : index
    %get3A_0 = arith.constant 0 : index
    %get3A_1 = vector.load %arg1[%get3A, %get3A_0] : memref<1024x128xf32, #tpu.memory_space<vmem>>, vector<1024x128xf32>
    %ge3A = arith.constant 0.000000e+00 : f32
    %ge3A_2 = vector.broadcast %ge3A : f32 to vector<1024x128xf32>
    %ge3A_3 = arith.cmpf oge, %get3A_1, %ge3A_2 : vector<1024x128xf32>
    %mul3A = arith.constant 2.000000e-01 : f32
    %mul3A_4 = vector.broadcast %mul3A : f32 to vector<1024x128xf32>
    %mul3A_5 = arith.mulf %mul3A_4, %get3A_1 : vector<1024x128xf32>
    %select_n3A = arith.select %ge3A_3, %get3A_1, %mul3A_5 : vector<1024x128xi1>, vector<1024x128xf32>
    %get3A_6 = arith.constant 0 : index
    %get3A_7 = arith.constant 0 : index
    %get3A_8 = vector.load %arg2[%get3A_6, %get3A_7] : memref<128x4xf32, #tpu.memory_space<vmem>>, vector<128x4xf32>
    %dot_general3A = arith.constant dense<0.000000e+00> : vector<1024x4xf32>
    %dot_general3A_9 = tpu.matmul %select_n3A, %get3A_8, %dot_general3A {dimension_numbers = #tpu.dot_dimension_numbers<[1], [0], [0], [1], [0, 0, 1, 1], [], []>, precision = #tpu.contract_precision<fp32>, transpose_lhs_hint = false} : vector<1024x128xf32>, vector<128x4xf32>, vector<1024x4xf32> -> vector<1024x4xf32>
    %iota3A = tpu.iota {dimensions = array<i32: 0>} : vector<1024x4xi32>
    %mul3A_10 = arith.constant 1024 : i32
    %mul3A_11 = arith.muli %arg0, %mul3A_10 : i32
    %add3A = vector.broadcast %mul3A_11 : i32 to vector<1024x4xi32>
    %add3A_12 = arith.addi %iota3A, %add3A : vector<1024x4xi32>
    %lt3A = arith.constant 330000 : i32
    %lt3A_13 = vector.broadcast %lt3A : i32 to vector<1024x4xi32>
    %lt3A_14 = arith.cmpi slt, %add3A_12, %lt3A_13 : vector<1024x4xi32>
    %exp3A = math.exp %dot_general3A_9 : vector<1024x4xf32>
    %jit3A = arith.constant 0.000000e+00 : f32
    %broadcast_in_dim3A = vector.broadcast %jit3A : f32 to vector<1024x4xf32>
    %select_n3A_15 = arith.select %lt3A_14, %exp3A, %broadcast_in_dim3A : vector<1024x4xi1>, vector<1024x4xf32>
    %get3A_16 = arith.constant 0 : index
    %get3A_17 = arith.constant 0 : index
    %get3A_18 = vector.load %arg3[%get3A_16, %get3A_17] : memref<4x128xf32, #tpu.memory_space<vmem>>, vector<4x128xf32>
    %dot_general3A_19 = arith.constant dense<0.000000e+00> : vector<1024x128xf32>
    %dot_general3A_20 = tpu.matmul %select_n3A_15, %get3A_18, %dot_general3A_19 {dimension_numbers = #tpu.dot_dimension_numbers<[1], [0], [0], [1], [0, 0, 1, 1], [], []>, precision = #tpu.contract_precision<fp32>, transpose_lhs_hint = false} : vector<1024x4xf32>, vector<4x128xf32>, vector<1024x128xf32> -> vector<1024x128xf32>
    %mul3A_21 = arith.mulf %get3A_1, %dot_general3A_20 : vector<1024x128xf32>
    %swap3A = arith.constant 0 : index
    %swap3A_22 = arith.constant 0 : index
    %swap3A_23 = vector.load %arg5[%swap3A, %swap3A_22] : memref<1024x128xf32, #tpu.memory_space<vmem>>, vector<1024x128xf32>
    tpu.vector_store %arg5[%swap3A, %swap3A_22], %mul3A_21 {strides = array<i32>} : memref<1024x128xf32, #tpu.memory_space<vmem>>, vector<1024x128xf32>,
    %get3A_24 = arith.constant 0 : index
    %get3A_25 = arith.constant 0 : index
    %get3A_26 = vector.load %arg4[%get3A_24, %get3A_25] : memref<4x16xf32, #tpu.memory_space<vmem>>, vector<4x16xf32>
    %dot_general3A_27 = arith.constant dense<0.000000e+00> : vector<1024x16xf32>
    %dot_general3A_28 = tpu.matmul %select_n3A_15, %get3A_26, %dot_general3A_27 {dimension_numbers = #tpu.dot_dimension_numbers<[1], [0], [0], [1], [0, 0, 1, 1], [], []>, precision = #tpu.contract_precision<fp32>, transpose_lhs_hint = false} : vector<1024x4xf32>, vector<4x16xf32>, vector<1024x16xf32> -> vector<1024x16xf32>
    %swap3A_29 = arith.constant 0 : index
    %swap3A_30 = arith.constant 0 : index
    %swap3A_31 = vector.load %arg6[%swap3A_29, %swap3A_30] : memref<1024x16xf32, #tpu.memory_space<vmem>>, vector<1024x16xf32>
    tpu.vector_store %arg6[%swap3A_29, %swap3A_30], %dot_general3A_28 {strides = array<i32>} : memref<1024x16xf32, #tpu.memory_space<vmem>>, vector<1024x16xf32>,
    return
  }
  func.func @transform_0(%arg0: i32) -> (i32, i32) {
    %c0_i32 = arith.constant 0 : i32
    %c0_i32_0 = arith.constant 0 : i32
    return %arg0, %c0_i32 : i32, i32
  }
  func.func @transform_1(%arg0: i32) -> (i32, i32) {
    %c0_i32 = arith.constant 0 : i32
    %c0_i32_0 = arith.constant 0 : i32
    %c0_i32_1 = arith.constant 0 : i32
    return %c0_i32, %c0_i32_0 : i32, i32
  }
  func.func @transform_2(%arg0: i32) -> (i32, i32) {
    %c0_i32 = arith.constant 0 : i32
    %c0_i32_0 = arith.constant 0 : i32
    %c0_i32_1 = arith.constant 0 : i32
    return %c0_i32, %c0_i32_0 : i32, i32
  }
  func.func @transform_3(%arg0: i32) -> (i32, i32) {
    %c0_i32 = arith.constant 0 : i32
    %c0_i32_0 = arith.constant 0 : i32
    %c0_i32_1 = arith.constant 0 : i32
    return %c0_i32, %c0_i32_0 : i32, i32
  }
  func.func @transform_4(%arg0: i32) -> (i32, i32) {
    %c0_i32 = arith.constant 0 : i32
    %c0_i32_0 = arith.constant 0 : i32
    return %arg0, %c0_i32 : i32, i32
  }
  func.func @transform_5(%arg0: i32) -> (i32, i32) {
    %c0_i32 = arith.constant 0 : i32
    %c0_i32_0 = arith.constant 0 : i32
    return %arg0, %c0_i32 : i32, i32
  }
}

module attributes {stable_mosaic.version = 14 : i64} {
  func.func @_mid_body(%arg0: i32, %arg1: memref<2x1024x128xf32, #tpu.memory_space<vmem>>, %arg2: memref<2x1024x16xf32, #tpu.memory_space<vmem>>, %arg3: memref<1024x128xf32, #tpu.memory_space<vmem>>, %arg4: memref<1x128xf32, #tpu.memory_space<vmem>>, %arg5: memref<4x128xf32, #tpu.memory_space<vmem>>, %arg6: memref<128x16xf32, #tpu.memory_space<vmem>>, %arg7: memref<128x16xf32, #tpu.memory_space<vmem>>, %arg8: memref<1x16xf32, #tpu.memory_space<vmem>>, %arg9: memref<1024x16xf32, #tpu.memory_space<vmem>>, %arg10: memref<1024x16xf32, #tpu.memory_space<vmem>>) attributes {dimension_semantics = [#tpu.dimension_semantics<arbitrary>], iteration_bounds = array<i64: 10>, scalar_prefetch = 0 : i64, scratch_operands = 0 : i64, tpu.core_type = #tpu.core_type<tc>, window_params = [{transform_indices = @transform_0, window_bounds = array<i64: 2, 1024, 128>}, {transform_indices = @transform_1, window_bounds = array<i64: 2, 1024, 16>}, {transform_indices = @transform_2, window_bounds = array<i64: 1024, 128>}, {pipeline_mode = #tpu.pipeline_mode<synchronous>, transform_indices = @transform_3, window_bounds = array<i64: 1, 128>}, {pipeline_mode = #tpu.pipeline_mode<synchronous>, transform_indices = @transform_4, window_bounds = array<i64: 4, 128>}, {pipeline_mode = #tpu.pipeline_mode<synchronous>, transform_indices = @transform_5, window_bounds = array<i64: 128, 16>}, {pipeline_mode = #tpu.pipeline_mode<synchronous>, transform_indices = @transform_6, window_bounds = array<i64: 128, 16>}, {pipeline_mode = #tpu.pipeline_mode<synchronous>, transform_indices = @transform_7, window_bounds = array<i64: 1, 16>}, {transform_indices = @transform_8, window_bounds = array<i64: 1024, 16>}, {transform_indices = @transform_9, window_bounds = array<i64: 1024, 16>}]} {
    %get3A = arith.constant 0 : index
    %get3A_0 = arith.constant 0 : index
    %get3A_1 = arith.constant 0 : index
    %get3A_2 = vector.load %arg1[%get3A, %get3A_0, %get3A_1] : memref<2x1024x128xf32, #tpu.memory_space<vmem>>, vector<1x1024x128xf32>
    %get3A_3 = vector.shape_cast %get3A_2 : vector<1x1024x128xf32> to vector<1024x128xf32>
    %get3A_4 = arith.constant 1 : index
    %get3A_5 = arith.constant 0 : index
    %get3A_6 = arith.constant 0 : index
    %get3A_7 = vector.load %arg1[%get3A_4, %get3A_5, %get3A_6] : memref<2x1024x128xf32, #tpu.memory_space<vmem>>, vector<1x1024x128xf32>
    %get3A_8 = vector.shape_cast %get3A_7 : vector<1x1024x128xf32> to vector<1024x128xf32>
    %add3A = arith.addf %get3A_3, %get3A_8 : vector<1024x128xf32>
    %get3A_9 = arith.constant 0 : index
    %get3A_10 = arith.constant 0 : index
    %get3A_11 = arith.constant 0 : index
    %get3A_12 = vector.load %arg2[%get3A_9, %get3A_10, %get3A_11] : memref<2x1024x16xf32, #tpu.memory_space<vmem>>, vector<1x1024x16xf32>
    %get3A_13 = vector.shape_cast %get3A_12 : vector<1x1024x16xf32> to vector<1024x16xf32>
    %get3A_14 = arith.constant 1 : index
    %get3A_15 = arith.constant 0 : index
    %get3A_16 = arith.constant 0 : index
    %get3A_17 = vector.load %arg2[%get3A_14, %get3A_15, %get3A_16] : memref<2x1024x16xf32, #tpu.memory_space<vmem>>, vector<1x1024x16xf32>
    %get3A_18 = vector.shape_cast %get3A_17 : vector<1x1024x16xf32> to vector<1024x16xf32>
    %add3A_19 = arith.addf %get3A_13, %get3A_18 : vector<1024x16xf32>
    %slice3A = vector.extract_strided_slice %add3A_19 {offsets = [0, 0], sizes = [1024, 4], strides = [1, 1]} : vector<1024x16xf32> to vector<1024x4xf32>
    %get3A_20 = arith.constant 0 : index
    %get3A_21 = arith.constant 0 : index
    %get3A_22 = vector.load %arg5[%get3A_20, %get3A_21] : memref<4x128xf32, #tpu.memory_space<vmem>>, vector<4x128xf32>
    %dot_general3A = arith.constant dense<0.000000e+00> : vector<1024x128xf32>
    %dot_general3A_23 = tpu.matmul %slice3A, %get3A_22, %dot_general3A {dimension_numbers = #tpu.dot_dimension_numbers<[1], [0], [0], [1], [0, 0, 1, 1], [], []>, precision = #tpu.contract_precision<fp32>, transpose_lhs_hint = false} : vector<1024x4xf32>, vector<4x128xf32>, vector<1024x128xf32> -> vector<1024x128xf32>
    %get3A_24 = arith.constant 0 : index
    %get3A_25 = arith.constant 0 : index
    %get3A_26 = vector.load %arg3[%get3A_24, %get3A_25] : memref<1024x128xf32, #tpu.memory_space<vmem>>, vector<1024x128xf32>
    %mul3A = arith.mulf %dot_general3A_23, %get3A_26 : vector<1024x128xf32>
    %sub3A = arith.subf %add3A, %mul3A : vector<1024x128xf32>
    %add3A_27 = arith.constant 1.000000e-16 : f32
    %add3A_28 = vector.broadcast %add3A_27 : f32 to vector<1024x128xf32>
    %add3A_29 = arith.addf %dot_general3A_23, %add3A_28 : vector<1024x128xf32>
    %div3A = arith.divf %sub3A, %add3A_29 : vector<1024x128xf32>
    %get3A_30 = arith.constant 0 : index
    %get3A_31 = arith.constant 0 : index
    %get3A_32 = vector.load %arg4[%get3A_30, %get3A_31] : memref<1x128xf32, #tpu.memory_space<vmem>>, vector<1x128xf32>
    %add3A_33 = vector.broadcast %get3A_32 : vector<1x128xf32> to vector<1024x128xf32>
    %add3A_34 = arith.addf %div3A, %add3A_33 : vector<1024x128xf32>
    %gt3A = arith.constant 0.000000e+00 : f32
    %gt3A_35 = vector.broadcast %gt3A : f32 to vector<1024x128xf32>
    %gt3A_36 = arith.cmpf ogt, %add3A_34, %gt3A_35 : vector<1024x128xf32>
    %min3A = arith.constant 0.000000e+00 : f32
    %min3A_37 = vector.broadcast %min3A : f32 to vector<1024x128xf32>
    %min3A_38 = arith.minimumf %add3A_34, %min3A_37 : vector<1024x128xf32>
    %exp3A = math.exp %min3A_38 : vector<1024x128xf32>
    %sub3A_39 = arith.constant 1.000000e+00 : f32
    %sub3A_40 = vector.broadcast %sub3A_39 : f32 to vector<1024x128xf32>
    %sub3A_41 = arith.subf %exp3A, %sub3A_40 : vector<1024x128xf32>
    %select_n3A = arith.select %gt3A_36, %add3A_34, %sub3A_41 : vector<1024x128xi1>, vector<1024x128xf32>
    %get3A_42 = arith.constant 0 : index
    %get3A_43 = arith.constant 0 : index
    %get3A_44 = vector.load %arg6[%get3A_42, %get3A_43] : memref<128x16xf32, #tpu.memory_space<vmem>>, vector<128x16xf32>
    %dot_general3A_45 = arith.constant dense<0.000000e+00> : vector<1024x16xf32>
    %dot_general3A_46 = tpu.matmul %select_n3A, %get3A_44, %dot_general3A_45 {dimension_numbers = #tpu.dot_dimension_numbers<[1], [0], [0], [1], [0, 0, 1, 1], [], []>, precision = #tpu.contract_precision<fp32>, transpose_lhs_hint = false} : vector<1024x128xf32>, vector<128x16xf32>, vector<1024x16xf32> -> vector<1024x16xf32>
    %get3A_47 = arith.constant 0 : index
    %get3A_48 = arith.constant 0 : index
    %get3A_49 = vector.load %arg8[%get3A_47, %get3A_48] : memref<1x16xf32, #tpu.memory_space<vmem>>, vector<1x16xf32>
    %add3A_50 = vector.broadcast %get3A_49 : vector<1x16xf32> to vector<1024x16xf32>
    %add3A_51 = arith.addf %dot_general3A_46, %add3A_50 : vector<1024x16xf32>
    %swap3A = arith.constant 0 : index
    %swap3A_52 = arith.constant 0 : index
    %swap3A_53 = vector.load %arg9[%swap3A, %swap3A_52] : memref<1024x16xf32, #tpu.memory_space<vmem>>, vector<1024x16xf32>
    tpu.vector_store %arg9[%swap3A, %swap3A_52], %add3A_51 {strides = array<i32>} : memref<1024x16xf32, #tpu.memory_space<vmem>>, vector<1024x16xf32>,
    %get3A_54 = arith.constant 0 : index
    %get3A_55 = arith.constant 0 : index
    %get3A_56 = vector.load %arg7[%get3A_54, %get3A_55] : memref<128x16xf32, #tpu.memory_space<vmem>>, vector<128x16xf32>
    %dot_general3A_57 = arith.constant dense<0.000000e+00> : vector<1024x16xf32>
    %dot_general3A_58 = tpu.matmul %select_n3A, %get3A_56, %dot_general3A_57 {dimension_numbers = #tpu.dot_dimension_numbers<[1], [0], [0], [1], [0, 0, 1, 1], [], []>, precision = #tpu.contract_precision<fp32>, transpose_lhs_hint = false} : vector<1024x128xf32>, vector<128x16xf32>, vector<1024x16xf32> -> vector<1024x16xf32>
    %swap3A_59 = arith.constant 0 : index
    %swap3A_60 = arith.constant 0 : index
    %swap3A_61 = vector.load %arg10[%swap3A_59, %swap3A_60] : memref<1024x16xf32, #tpu.memory_space<vmem>>, vector<1024x16xf32>
    tpu.vector_store %arg10[%swap3A_59, %swap3A_60], %dot_general3A_58 {strides = array<i32>} : memref<1024x16xf32, #tpu.memory_space<vmem>>, vector<1024x16xf32>,
    return
  }
  func.func @transform_0(%arg0: i32) -> (i32, i32, i32) {
    %c0_i32 = arith.constant 0 : i32
    %c0_i32_0 = arith.constant 0 : i32
    %c0_i32_1 = arith.constant 0 : i32
    return %c0_i32, %arg0, %c0_i32_0 : i32, i32, i32
  }
  func.func @transform_1(%arg0: i32) -> (i32, i32, i32) {
    %c0_i32 = arith.constant 0 : i32
    %c0_i32_0 = arith.constant 0 : i32
    %c0_i32_1 = arith.constant 0 : i32
    return %c0_i32, %arg0, %c0_i32_0 : i32, i32, i32
  }
  func.func @transform_2(%arg0: i32) -> (i32, i32) {
    %c0_i32 = arith.constant 0 : i32
    %c0_i32_0 = arith.constant 0 : i32
    return %arg0, %c0_i32 : i32, i32
  }
  func.func @transform_3(%arg0: i32) -> (i32, i32) {
    %c0_i32 = arith.constant 0 : i32
    %c0_i32_0 = arith.constant 0 : i32
    %c0_i32_1 = arith.constant 0 : i32
    return %c0_i32, %c0_i32_0 : i32, i32
  }
  func.func @transform_4(%arg0: i32) -> (i32, i32) {
    %c0_i32 = arith.constant 0 : i32
    %c0_i32_0 = arith.constant 0 : i32
    %c0_i32_1 = arith.constant 0 : i32
    return %c0_i32, %c0_i32_0 : i32, i32
  }
  func.func @transform_5(%arg0: i32) -> (i32, i32) {
    %c0_i32 = arith.constant 0 : i32
    %c0_i32_0 = arith.constant 0 : i32
    %c0_i32_1 = arith.constant 0 : i32
    return %c0_i32, %c0_i32_0 : i32, i32
  }
  func.func @transform_6(%arg0: i32) -> (i32, i32) {
    %c0_i32 = arith.constant 0 : i32
    %c0_i32_0 = arith.constant 0 : i32
    %c0_i32_1 = arith.constant 0 : i32
    return %c0_i32, %c0_i32_0 : i32, i32
  }
  func.func @transform_7(%arg0: i32) -> (i32, i32) {
    %c0_i32 = arith.constant 0 : i32
    %c0_i32_0 = arith.constant 0 : i32
    %c0_i32_1 = arith.constant 0 : i32
    return %c0_i32, %c0_i32_0 : i32, i32
  }
  func.func @transform_8(%arg0: i32) -> (i32, i32) {
    %c0_i32 = arith.constant 0 : i32
    %c0_i32_0 = arith.constant 0 : i32
    return %arg0, %c0_i32 : i32, i32
  }
  func.func @transform_9(%arg0: i32) -> (i32, i32) {
    %c0_i32 = arith.constant 0 : i32
    %c0_i32_0 = arith.constant 0 : i32
    return %arg0, %c0_i32 : i32, i32
  }
}

module attributes {stable_mosaic.version = 14 : i64} {
  func.func @_edge2_body(%arg0: i32, %arg1: memref<512x128xf32, #tpu.memory_space<vmem>>, %arg2: memref<1x128xf32, #tpu.memory_space<vmem>>, %arg3: memref<128x8xf32, #tpu.memory_space<vmem>>, %arg4: memref<8x128xf32, #tpu.memory_space<vmem>>, %arg5: memref<512x128xf32, #tpu.memory_space<vmem>>) attributes {dimension_semantics = [#tpu.dimension_semantics<arbitrary>], iteration_bounds = array<i64: 84>, scalar_prefetch = 0 : i64, scratch_operands = 0 : i64, tpu.core_type = #tpu.core_type<tc>, window_params = [{transform_indices = @transform_0, window_bounds = array<i64: 512, 128>}, {pipeline_mode = #tpu.pipeline_mode<synchronous>, transform_indices = @transform_1, window_bounds = array<i64: 1, 128>}, {pipeline_mode = #tpu.pipeline_mode<synchronous>, transform_indices = @transform_2, window_bounds = array<i64: 128, 8>}, {pipeline_mode = #tpu.pipeline_mode<synchronous>, transform_indices = @transform_3, window_bounds = array<i64: 8, 128>}, {transform_indices = @transform_4, window_bounds = array<i64: 512, 128>}]} {
    %get3A = arith.constant 0 : index
    %get3A_0 = arith.constant 0 : index
    %get3A_1 = vector.load %arg1[%get3A, %get3A_0] : memref<512x128xf32, #tpu.memory_space<vmem>>, vector<512x128xf32>
    %ge3A = arith.constant 0.000000e+00 : f32
    %ge3A_2 = vector.broadcast %ge3A : f32 to vector<512x128xf32>
    %ge3A_3 = arith.cmpf oge, %get3A_1, %ge3A_2 : vector<512x128xf32>
    %mul3A = arith.constant 2.000000e-01 : f32
    %mul3A_4 = vector.broadcast %mul3A : f32 to vector<512x128xf32>
    %mul3A_5 = arith.mulf %mul3A_4, %get3A_1 : vector<512x128xf32>
    %select_n3A = arith.select %ge3A_3, %get3A_1, %mul3A_5 : vector<512x128xi1>, vector<512x128xf32>
    %get3A_6 = arith.constant 0 : index
    %get3A_7 = arith.constant 0 : index
    %get3A_8 = vector.load %arg2[%get3A_6, %get3A_7] : memref<1x128xf32, #tpu.memory_space<vmem>>, vector<1x128xf32>
    %mul3A_9 = vector.broadcast %get3A_8 : vector<1x128xf32> to vector<512x128xf32>
    %mul3A_10 = arith.mulf %select_n3A, %mul3A_9 : vector<512x128xf32>
    %get3A_11 = arith.constant 0 : index
    %get3A_12 = arith.constant 0 : index
    %get3A_13 = vector.load %arg3[%get3A_11, %get3A_12] : memref<128x8xf32, #tpu.memory_space<vmem>>, vector<128x8xf32>
    %dot_general3A = arith.constant dense<0.000000e+00> : vector<512x8xf32>
    %dot_general3A_14 = tpu.matmul %mul3A_10, %get3A_13, %dot_general3A {dimension_numbers = #tpu.dot_dimension_numbers<[1], [0], [0], [1], [0, 0, 1, 1], [], []>, precision = #tpu.contract_precision<fp32>, transpose_lhs_hint = false} : vector<512x128xf32>, vector<128x8xf32>, vector<512x8xf32> -> vector<512x8xf32>
    %iota3A = tpu.iota {dimensions = array<i32: 0>} : vector<512x8xi32>
    %mul3A_15 = arith.constant 512 : i32
    %mul3A_16 = arith.muli %arg0, %mul3A_15 : i32
    %add3A = vector.broadcast %mul3A_16 : i32 to vector<512x8xi32>
    %add3A_17 = arith.addi %iota3A, %add3A : vector<512x8xi32>
    %iota3A_18 = tpu.iota {dimensions = array<i32: 1>} : vector<512x8xi32>
    %mul3A_19 = arith.constant 8 : i32
    %mul3A_20 = vector.broadcast %mul3A_19 : i32 to vector<512x8xi32>
    %mul3A_21 = arith.muli %add3A_17, %mul3A_20 : vector<512x8xi32>
    %add3A_22 = arith.addi %mul3A_21, %iota3A_18 : vector<512x8xi32>
    %lt3A = arith.constant 330000 : i32
    %lt3A_23 = vector.broadcast %lt3A : i32 to vector<512x8xi32>
    %lt3A_24 = arith.cmpi slt, %add3A_22, %lt3A_23 : vector<512x8xi32>
    %exp3A = math.exp %dot_general3A_14 : vector<512x8xf32>
    %jit3A = arith.constant 0.000000e+00 : f32
    %broadcast_in_dim3A = vector.broadcast %jit3A : f32 to vector<512x8xf32>
    %select_n3A_25 = arith.select %lt3A_24, %exp3A, %broadcast_in_dim3A : vector<512x8xi1>, vector<512x8xf32>
    %get3A_26 = arith.constant 0 : index
    %get3A_27 = arith.constant 0 : index
    %get3A_28 = vector.load %arg4[%get3A_26, %get3A_27] : memref<8x128xf32, #tpu.memory_space<vmem>>, vector<8x128xf32>
    %dot_general3A_29 = arith.constant dense<0.000000e+00> : vector<512x128xf32>
    %dot_general3A_30 = tpu.matmul %select_n3A_25, %get3A_28, %dot_general3A_29 {dimension_numbers = #tpu.dot_dimension_numbers<[1], [0], [0], [1], [0, 0, 1, 1], [], []>, precision = #tpu.contract_precision<fp32>, transpose_lhs_hint = false} : vector<512x8xf32>, vector<8x128xf32>, vector<512x128xf32> -> vector<512x128xf32>
    %mul3A_31 = arith.mulf %get3A_1, %dot_general3A_30 : vector<512x128xf32>
    %swap3A = arith.constant 0 : index
    %swap3A_32 = arith.constant 0 : index
    %swap3A_33 = vector.load %arg5[%swap3A, %swap3A_32] : memref<512x128xf32, #tpu.memory_space<vmem>>, vector<512x128xf32>
    tpu.vector_store %arg5[%swap3A, %swap3A_32], %mul3A_31 {strides = array<i32>} : memref<512x128xf32, #tpu.memory_space<vmem>>, vector<512x128xf32>,
    return
  }
  func.func @transform_0(%arg0: i32) -> (i32, i32) {
    %c0_i32 = arith.constant 0 : i32
    %c0_i32_0 = arith.constant 0 : i32
    return %arg0, %c0_i32 : i32, i32
  }
  func.func @transform_1(%arg0: i32) -> (i32, i32) {
    %c0_i32 = arith.constant 0 : i32
    %c0_i32_0 = arith.constant 0 : i32
    %c0_i32_1 = arith.constant 0 : i32
    return %c0_i32, %c0_i32_0 : i32, i32
  }
  func.func @transform_2(%arg0: i32) -> (i32, i32) {
    %c0_i32 = arith.constant 0 : i32
    %c0_i32_0 = arith.constant 0 : i32
    %c0_i32_1 = arith.constant 0 : i32
    return %c0_i32, %c0_i32_0 : i32, i32
  }
  func.func @transform_3(%arg0: i32) -> (i32, i32) {
    %c0_i32 = arith.constant 0 : i32
    %c0_i32_0 = arith.constant 0 : i32
    %c0_i32_1 = arith.constant 0 : i32
    return %c0_i32, %c0_i32_0 : i32, i32
  }
  func.func @transform_4(%arg0: i32) -> (i32, i32) {
    %c0_i32 = arith.constant 0 : i32
    %c0_i32_0 = arith.constant 0 : i32
    return %arg0, %c0_i32 : i32, i32
  }
}

module attributes {stable_mosaic.version = 14 : i64} {
  func.func @_final_body(%arg0: i32, %arg1: memref<2x1024x16xf32, #tpu.memory_space<vmem>>, %arg2: memref<1024x16xf32, #tpu.memory_space<vmem>>, %arg3: memref<1x16xf32, #tpu.memory_space<vmem>>, %arg4: memref<1024x16xf32, #tpu.memory_space<vmem>>) attributes {dimension_semantics = [#tpu.dimension_semantics<arbitrary>], iteration_bounds = array<i64: 10>, scalar_prefetch = 0 : i64, scratch_operands = 0 : i64, tpu.core_type = #tpu.core_type<tc>, window_params = [{transform_indices = @transform_0, window_bounds = array<i64: 2, 1024, 16>}, {transform_indices = @transform_1, window_bounds = array<i64: 1024, 16>}, {pipeline_mode = #tpu.pipeline_mode<synchronous>, transform_indices = @transform_2, window_bounds = array<i64: 1, 16>}, {transform_indices = @transform_3, window_bounds = array<i64: 1024, 16>}]} {
    %get3A = arith.constant 0 : index
    %get3A_0 = arith.constant 0 : index
    %get3A_1 = arith.constant 0 : index
    %get3A_2 = vector.load %arg1[%get3A, %get3A_0, %get3A_1] : memref<2x1024x16xf32, #tpu.memory_space<vmem>>, vector<1x1024x16xf32>
    %get3A_3 = vector.shape_cast %get3A_2 : vector<1x1024x16xf32> to vector<1024x16xf32>
    %get3A_4 = arith.constant 1 : index
    %get3A_5 = arith.constant 0 : index
    %get3A_6 = arith.constant 0 : index
    %get3A_7 = vector.load %arg1[%get3A_4, %get3A_5, %get3A_6] : memref<2x1024x16xf32, #tpu.memory_space<vmem>>, vector<1x1024x16xf32>
    %get3A_8 = vector.shape_cast %get3A_7 : vector<1x1024x16xf32> to vector<1024x16xf32>
    %add3A = arith.addf %get3A_3, %get3A_8 : vector<1024x16xf32>
    %slice3A = vector.extract_strided_slice %add3A {offsets = [0, 4], sizes = [1024, 1], strides = [1, 1]} : vector<1024x16xf32> to vector<1024x1xf32>
    %get3A_9 = arith.constant 0 : index
    %get3A_10 = arith.constant 0 : index
    %get3A_11 = vector.load %arg2[%get3A_9, %get3A_10] : memref<1024x16xf32, #tpu.memory_space<vmem>>, vector<1024x16xf32>
    %mul3A = vector.broadcast %slice3A : vector<1024x1xf32> to vector<1024x16xf32>
    %mul3A_12 = arith.mulf %mul3A, %get3A_11 : vector<1024x16xf32>
    %sub3A = arith.subf %add3A, %mul3A_12 : vector<1024x16xf32>
    %add3A_13 = arith.constant 1.000000e-16 : f32
    %add3A_14 = vector.broadcast %add3A_13 : f32 to vector<1024x1xf32>
    %add3A_15 = arith.addf %slice3A, %add3A_14 : vector<1024x1xf32>
    %div3A = vector.broadcast %add3A_15 : vector<1024x1xf32> to vector<1024x16xf32>
    %div3A_16 = arith.divf %sub3A, %div3A : vector<1024x16xf32>
    %get3A_17 = arith.constant 0 : index
    %get3A_18 = arith.constant 0 : index
    %get3A_19 = vector.load %arg3[%get3A_17, %get3A_18] : memref<1x16xf32, #tpu.memory_space<vmem>>, vector<1x16xf32>
    %add3A_20 = vector.broadcast %get3A_19 : vector<1x16xf32> to vector<1024x16xf32>
    %add3A_21 = arith.addf %div3A_16, %add3A_20 : vector<1024x16xf32>
    %swap3A = arith.constant 0 : index
    %swap3A_22 = arith.constant 0 : index
    %swap3A_23 = vector.load %arg4[%swap3A, %swap3A_22] : memref<1024x16xf32, #tpu.memory_space<vmem>>, vector<1024x16xf32>
    tpu.vector_store %arg4[%swap3A, %swap3A_22], %add3A_21 {strides = array<i32>} : memref<1024x16xf32, #tpu.memory_space<vmem>>, vector<1024x16xf32>,
    return
  }
  func.func @transform_0(%arg0: i32) -> (i32, i32, i32) {
    %c0_i32 = arith.constant 0 : i32
    %c0_i32_0 = arith.constant 0 : i32
    %c0_i32_1 = arith.constant 0 : i32
    return %c0_i32, %arg0, %c0_i32_0 : i32, i32, i32
  }
  func.func @transform_1(%arg0: i32) -> (i32, i32) {
    %c0_i32 = arith.constant 0 : i32
    %c0_i32_0 = arith.constant 0 : i32
    return %arg0, %c0_i32 : i32, i32
  }
  func.func @transform_2(%arg0: i32) -> (i32, i32) {
    %c0_i32 = arith.constant 0 : i32
    %c0_i32_0 = arith.constant 0 : i32
    %c0_i32_1 = arith.constant 0 : i32
    return %c0_i32, %c0_i32_0 : i32, i32
  }
  func.func @transform_3(%arg0: i32) -> (i32, i32) {
    %c0_i32 = arith.constant 0 : i32
    %c0_i32_0 = arith.constant 0 : i32
    return %arg0, %c0_i32 : i32, i32
  }
}

</mosaic_0001>

<sc_bundles>
// kernel: kernel.12.cloned.1.call-start
scs
__scs_entry_jumppad:
0x0: {  	(pc) =	sbr.rel $0x88, $3  }
0x1: {  	(tag) =	ssettag $0x0;
	lr =	simm.s32 $0x1  }
0x2: {  	[smem:$0x3F97] =	sst lr;
	_ =	strace $0xD0000000  }
0x3: {  	_ = 	snop  }
0x4: {  	_ = 	snop  }
0x5: {  	_ = 	snop  }
0x6: {  	_ = 	snop  }
0x7: {  	_ = 	snop  }
__scs_overlays_trampoline_lowered:
0x8: {  	[smem:$0x3FA6] =	sst s0  }
0x9: {  	[smem:$0x3FA7] =	sst s1  }
0xa: {  	[smem:$0x3FA8] =	sst s2  }
0xb: {  	[smem:$0x3FA9] =	sst s3  }
0xc: {  	[smem:$0x3FAA] =	sst s4  }
0xd: {  	[smem:$0x3FAB] =	sst s5  }
0xe: {  	[smem:$0x3FAC] =	sst s6  }
0xf: {  	[smem:$0x3FAD] =	sst s7  }
0x10: {  	[smem:$0x3FAE] =	sst s8  }
0x11: {  	[smem:$0x3FAF] =	sst s9;
	s0 =	simm.s32 @!p0 $0x0  }
0x12: {  	s1 =	sld [smem:$0x3F95];
	s0 =	simm.s32 @p0 $0x1  }
0x13: {  	[smem:$0x3FB0] =	sst s0;
	s0 =	simm.s32 @!p1 $0x0  }
0x14: {  	s2 =	sld [smem:$0x3F94];
	s0 =	simm.s32 @p1 $0x1  }
0x15: {  	[smem:$0x3FB1] =	sst s0;
	s0 =	simm.s32 @!p2 $0x0  }
0x16: {  	s3 =	sld [smem:$0x3FDB];
	s0 =	simm.s32 @p2 $0x1  }
0x17: {  	s4 =	simm.s32 $0x1BF5;
	[smem:$0x3FB3] =	sst s0  }
0x18: {  	s0 =	sld [smem:$0x3F96];
	_ =	swait.ge [sflag:s4], $0x0  }
0x19: {  	s7 =	sld [smem:$0x3F97]  }
0x1a: {  	s8 =	sadd.s32 $0xFFFFE003, lr  }
0x1b: {  	s9 =	sadd.s32 $0xFFFFFEF7, lr;
	s5 =	simm.s32 $0xFFFFFFFF;
	p2 =	slt.u32 s8, $0xFFFFF086  }
0x1c: {  	p1 =	slt.u32 s9, $0xF7A;
	s5 =	simm.s32 @!p2 $0x0  }
0x1d: {  	s5 =	simm.s32 @p1 $0x1;
	p0 =	seq.s32 s7, s2  }
0x1e: {  	s7 =	smul.u32 @!p0 $0xF7A, s2;
	p2 =	seq.s32 @!p0 s5, $0x0  }
0x1f: {  	s9 =	smul.u32 $0xF7A, s1;
	s8 =	simm.s32 @!p0 $0x1BF5;
	p2 =	por !p2, p0  }
0x20: {  	[sflag:s8] =	ssyncset.s32 @!p0 $0xFFFFF086;
	s6 =	sadd.s32 @!p0 s3, s7;
	s7 =	simm.s32 @!p0 $0x108  }
0x21: {  	s3 =	sadd.s32 s3, s9;
	s6 =	sadd.s32 @!p0 $0x88, s6;
	s7 =	simm.s32 @p2 $0x1082  }
0x22: {  	[simem:s7], [sflag:s8] =	dma.local @!p0 [hbm:s6], $0xF7A  }
0x23: {  	s9 =	sor.u32 $0xD0000000, s2;
	s6 =	simm.s32 $0x108;
	_ =	swait.ge @!p0 [sflag:s8], $0x0  }
0x24: {  	s3 =	sadd.s32 $0x88, s3;
	s6 =	simm.s32 @!p1 $0x1082;
	[sflag:s4] =	ssyncset.s32 $0xFFFFF086  }
0x25: {  	[simem:s6], [sflag:s4] =	dma.local [hbm:s3], $0xF7A  }
0x26: {  	[smem:$0x3F97] =	sst s1;
	(tag) =	ssettag s2;
	_ =	strace s9  }
0x27: {  	s1 =	sld [smem:$0x3FA7]  }
0x28: {  	s2 =	sld [smem:$0x3FA8]  }
0x29: {  	s4 =	sld [smem:$0x3FAA]  }
0x2a: {  	p0 =	seq.s32 s5, $0x0;
	s5 =	sld [smem:$0x3FAB]  }
0x2b: {  	s6 =	sld [smem:$0x3FAC]  }
0x2c: {  	s7 =	sld [smem:$0x3FAD]  }
0x2d: {  	s3 =	simm.s32 $0x108;
	s8 =	sld [smem:$0x3FAE]  }
0x2e: {  	s3 =	simm.s32 @!p0 $0x1082;
	s9 =	sld [smem:$0x3FAF]  }
0x2f: {  	lr =	sadd.s32 s0, s3;
	s0 =	sld [smem:$0x3FA6]  }
0x30: {  	s3 =	sld [smem:$0x3FA9]  }
0x31: {  	[smem:$0x3FB2] =	sst s10  }
0x32: {  	s10 =	sld [smem:$0x3FB0];
	_ =	sdelay $0x3  }
0x33: {  	p0 =	seq.s32 s10, $0x1;
	s10 =	sld [smem:$0x3FB2];
	_ =	sdelay $0x3  }
0x34: {  	[smem:$0x3FB2] =	sst s10  }
0x35: {  	s10 =	sld [smem:$0x3FB1];
	_ =	sdelay $0x3  }
0x36: {  	p1 =	seq.s32 s10, $0x1;
	s10 =	sld [smem:$0x3FB2];
	_ =	sdelay $0x3  }
0x37: {  	[smem:$0x3FB2] =	sst s10  }
0x38: {  	s10 =	sld [smem:$0x3FB3]  }
0x39: {  	_ = 	snop;
	(pc) =	sbr.ind lr, $3  }
0x3a: {  	_ = 	snop  }
0x3b: {  	_ = 	snop  }
0x3c: {  	p2 =	seq.s32 s10, $0x1;
	s10 =	sld [smem:$0x3FB2]  }
0x3d: {  	_ =	shalt  }
0x3e: {  	_ =	shalt  }
0x3f: {  	_ =	shalt  }
0x40: {  	_ =	shalt  }
0x41: {  	_ =	shalt  }
0x42: {  	_ =	shalt  }
0x43: {  	_ =	shalt  }
0x44: {  	_ =	shalt  }
0x45: {  	_ =	shalt  }
0x46: {  	_ =	shalt  }
0x47: {  	_ =	shalt  }
0x48: {  	_ =	shalt  }
0x49: {  	_ =	shalt  }
0x4a: {  	_ =	shalt  }
0x4b: {  	_ =	shalt  }
0x4c: {  	_ =	shalt  }
0x4d: {  	_ =	shalt  }
0x4e: {  	_ =	shalt  }
0x4f: {  	_ =	shalt  }
0x50: {  	_ =	shalt  }
0x51: {  	_ =	shalt  }
0x52: {  	_ =	shalt  }
0x53: {  	_ =	shalt  }
0x54: {  	_ =	shalt  }
0x55: {  	_ =	shalt  }
0x56: {  	_ =	shalt  }
0x57: {  	_ =	shalt  }
0x58: {  	_ =	shalt  }
0x59: {  	_ =	shalt  }
0x5a: {  	_ =	shalt  }
0x5b: {  	_ =	shalt  }
0x5c: {  	_ =	shalt  }
0x5d: {  	_ =	shalt  }
0x5e: {  	_ =	shalt  }
0x5f: {  	_ =	shalt  }
0x60: {  	_ =	shalt  }
0x61: {  	_ =	shalt  }
0x62: {  	_ =	shalt  }
0x63: {  	_ =	shalt  }
0x64: {  	_ =	shalt  }
0x65: {  	_ =	shalt  }
0x66: {  	_ =	shalt  }
0x67: {  	_ =	shalt  }
0x68: {  	_ =	shalt  }
0x69: {  	_ =	shalt  }
0x6a: {  	_ =	shalt  }
0x6b: {  	_ =	shalt  }
0x6c: {  	_ =	shalt  }
0x6d: {  	_ =	shalt  }
0x6e: {  	_ =	shalt  }
0x6f: {  	_ =	shalt  }
0x70: {  	_ =	shalt  }
0x71: {  	_ =	shalt  }
0x72: {  	_ =	shalt  }
0x73: {  	_ =	shalt  }
0x74: {  	_ =	shalt  }
0x75: {  	_ =	shalt  }
0x76: {  	_ =	shalt  }
0x77: {  	_ =	shalt  }
0x78: {  	_ =	shalt  }
0x79: {  	_ =	shalt  }
0x7a: {  	_ =	shalt  }
0x7b: {  	_ =	shalt  }
0x7c: {  	_ =	shalt  }
0x7d: {  	_ =	shalt  }
0x7e: {  	_ =	shalt  }
0x7f: {  	_ =	shalt  }
0x80: {  	_ =	shalt  }
0x81: {  	_ =	shalt  }
0x82: {  	_ =	shalt  }
0x83: {  	_ =	shalt  }
0x84: {  	_ =	shalt  }
0x85: {  	_ =	shalt  }
0x86: {  	_ =	shalt  }
0x87: {  	_ =	shalt  }
.Lfunc_end0:
.L_simem_size_0:
called_computation_lowered:
.L_overlay_start_0:
0x88: {  	s2 =	sld [smem:$0x3FD9]  }
0x89: {  	s3 =	sld [smem:$0x3FFE];
	_ =	sdelay $0x1  }
0x8a: {  	s1 =	srdreg.scid  }
0x8b: {  	s0 =	sand.u32 $0x1, s1  }
0x8c: {  	s16 =	sshll.u32 s0, $0xA;
	s2 =	sadd.s32 s3, s2  }
0x8d: {  	s2 =	sadd.s32 s2, s16  }
0x8e: {  	[smem:$0x3FBE] =	sst s2  }
0x8f: {  	_ = 	snop  }
0x90: {  	(tm) =	ssettm $0x1  }
0x91: {  	s17 =	sld [smem:$0x3FFB];
	_ =	sdelay $0x3  }
0x92: {  	_ =	strace s17  }
0x93: {  	s2 =	sld [smem:$0x3FFC];
	_ =	sdelay $0x3  }
0x94: {  	_ =	strace s2  }
0x95: {  	s2 =	sld [smem:$0x3FFD];
	_ =	sdelay $0x3  }
0x96: {  	_ =	strace s2  }
0x97: {  	_ =	strace $0x8FFFFFFF  }
0x98: {  	s18 =	sld [smem:$0x3FDB];
	_ =	sdelay $0x1  }
0x99: {  	s19 =	simm.s32 $_scs_section_size  }
0x9a: {  	s4 =	simm.s32 $_size__tile_overlayer_lowered;
	s5 =	simm.s32 $_tile_overlayer_lowered  }
0x9b: {  	s22 =	simm.s32 $0x1BFF;
	s21 =	sshll.u32 s5, $0x1;
	s2 =	sadd.s32 s19, s18  }
0x9c: {  	s6 =	simm.s32 $0x0;
	s20 =	sshll.u32 s4, $0x1;
	s4 =	sadd.s32 s21, s2  }
0x9d: {  	[timem:s6], [sflag:s22] =	dma.local [hbm:s4], s20  }
0x9e: {  	_ =	swait.ge [sflag:s22], s20  }
0x9f: {  	s3 =	ssub.s32 $0x0, s20;
	[sflag:s22] =	ssyncset.done $0x0  }
0xa0: {  	[sflag:s22] =	ssyncadd.s32 s3;
	_ =	sdelay $0x1  }
0xa1: {  	s23 =	simm.s32 $0x1B8B  }
0xa2: {  	_ =	swait.ge [sflag:s23], $0x1  }
0xa3: {  	[sflag:s23] =	ssyncset.done $0x0  }
0xa4: {  	s25 =	simm.s32 $0x1B8E;
	s24 =	sld [smem:$0x3FFE];
	[sflag:s23] =	ssyncadd.s32 $0xFFFFFFFF  }
0xa5: {  	s26 =	simm.s32 $execute0_lowered;
	[smem:$0x3FD2] =	sst s25  }
0xa6: {  	s4 =	sshll.u32 s26, $0x1;
	_ =	strace $0x80000046;
	[dreg:$0x1] =	wrdreg $0xFFFFFFFF  }
0xa7: {  	s28 =	simm.s32 $_size_execute0_lowered;
	s2 =	sadd.s32 s2, s4;
	[dreg:$0x0] =	wrdreg $0x0  }
0xa8: {  	s4 =	sshll.u32 s28, $0x1;
	[dreg:$0x2] =	wrdreg s2  }
0xa9: {  	[dreg:$0x3] =	wrdreg s4  }
0xaa: {  	[dreg:$0x4] =	wrdreg $0xC0  }
0xab: {  	_ =	task [dreg:s6], $0x5FFFF  }
0xac: {  	[dreg:$0x1] =	wrdreg $0xFFFFFFFF  }
0xad: {  	[dreg:$0x0] =	wrdreg $0x60  }
0xae: {  	[dreg:$0x2] =	wrdreg s24  }
0xaf: {  	[dreg:$0x3] =	wrdreg $0x9  }
0xb0: {  	_ =	task.clear_ibuf [dreg:s6], $0x4FFFF;
	_ =	strace $0x90000046  }
0xb1: {  	s29 =	simm.s32 $0x9;
	_ =	strace $0x80000048  }
0xb2: {  	_ =	swait.ge [sflag:s29], $0x1  }
0xb3: {  	[sflag:s29] =	ssyncadd.s32 $0xFFFFFFFF  }
0xb4: {  	_ =	strace $0x90000048  }
0xb5: {  	_ =	sfence  }
0xb6: {  	s30 =	sld [smem:$0x0];
	_ =	sdelay $0x2  }
0xb7: {  	s31 =	sshll.u32 s1, $0xD;
	s1 =	sshrl.u32 s1, $0x2  }
0xb8: {  	s3 =	sand.u32 $0x4000, s31;
	s1 =	sadd.s32 s1, s30  }
0xb9: {  	s0 =	sor.u32 s3, s0;
	s1 =	sshll.u32 s1, $0x11  }
0xba: {  	s0 =	sor.u32 s1, s0  }
0xbb: {  	s0 =	sadd.s32 $0x8F2B, s0  }
0xbc: {  	[sflag:s0] =	ssyncadd.remote.s32 $0x1  }
0xbd: {  	_ =	sfence.sel $0xFFFF  }
0xbe: {  	[dreg:$0x0] =	wrdreg $0xFFFFFFFF;
	(pc) =	sbr.abs _section_cstart, $3  }
0xbf: {  	[dreg:$0x1] =	wrdreg $0xFFFFFFFF  }
0xc0: {  	_ =	task.clear_ibuf [dreg:s6], $0x2FFFF;
	_ =	strace $0x9FFFFFFF  }
0xc1: {  	(tm) =	ssettm $0x7FFFFFFF  }
tec
execute0_lowered:
.L_overlay_start_1:
0x0: {  	(tag) =	ssettag $0x1  }
0x1: {  	s0 =	srdreg.scid  }
0x2: {  	s4 =	stileid.u32;
	s5 =	rddreg [dreg:$0x0]  }
0x3: {  	s2 =	simm.s32 $0x0;
	s12 =	simm.s32 $0xD;
	s14 =	simm.s32 $0x80  }
0x4: {  	s15 =	simm.s32 $0x5800;
	s16 =	simm.s32 $0x9800;
	s28 =	simm.s32 $0x8  }
0x5: {  	s30 =	simm.s32 $0xA;
	s31 =	simm.s32 $0xB;
	s0 =	sand.u32 $0x1, s0  }
0x6: {  	[smem:$0x7FF] =	sst s2;
	s3 =	sadd.s32 $0x56800, s5;
	s7 =	smul.u32 $0x150000, s4  }
0x7: {  	s8 =	sadd.s32 $0x7E800, s5;
	s1 =	sshll.u32 s0, $0x4;
	s6 =	smul.u32 $0x1500000, s0  }
0x8: {  	_ =	strace $0x80000047;
	s0 =	ssub.s32 $0x2, s0;
	s1 =	sor.u32 s4, s1  }
0x9: {  	s4 =	sadd.s32 $0x2E800, s5;
	s18 =	sshrl.u32 s0, $0x1;
	s1 =	smul.u32 $0x580, s1  }
0xa: {  	s6 =	sadd.s32 s7, s6;
	s0 =	ssub.s32 s0, s18;
	s18 =	simm.s32 $0xD800  }
0xb: {  	s20 =	sshrl.u32 s6, $0x3;
	s0 =	smax.u32 s0, $0x1;
	s22 =	sor.u32 $0x8000, s6  }
0xc: {  	s23 =	sor.u32 $0xC000, s6;
	s24 =	sor.u32 $0x4000, s6;
	s1 =	sadd.s32 s1, s5  }
0xd: {  	[dreg:$0x4] =	wrdreg s0;
	s21 =	sadd.s32 s20, s8;
	s0 =	sshrl.u32 s22, $0x3  }
0xe: {  	s25 =	sshrl.u32 s24, $0x3;
	s20 =	simm.s32 $0x5;
	s22 =	simm.s32 $0x11800  }
0xf: {  	s24 =	simm.s32 $0x3;
	s19 =	sadd.s32 $0x23800, s1;
	[dreg:$0x5] =	wrdreg s21  }
0x10: {  	s1 =	sadd.s32 $0xE000, s1;
	s0 =	sadd.s32 s0, s8;
	[dreg:$0x2] =	wrdreg s19  }
.Ltmp0:
0x11: {  	s29 =	sadd.s32 s25, s8;
	[dreg:$0x3] =	wrdreg s1;
	(pc) =	sbr.rel .LBB2_1-.Ltmp0, $4  }
0x12: {  	s21 =	simm.s32 $0x2;
	s25 =	simm.s32 $0x7;
	[dreg:$0x6] =	wrdreg s0  }
0x13: {  	s1 =	sshrl.u32 s23, $0x3;
	[dreg:$0x8] =	wrdreg s29;
	s19 =	simm.s32 $0x1  }
0x14: {  	s23 =	simm.s32 $0x6;
	s0 =	simm.s32 $0x0;
	s26 =	sadd.s32 s1, s8  }
0x15: {  	s1 =	simm.s32 $0xC;
	[dreg:$0x7] =	wrdreg s26;
	s26 =	simm.s32 $0x4  }
.LBB2_4:
0x16: {  	s5 =	simm.s32 $0x9  }
0x17: {  	_ =	swait.ge [sflag:s5], $0x4000  }
0x18: {  	[sflag:s5] =	ssyncset.done $0x0  }
0x19: {  	[sflag:s5] =	ssyncadd.s32 $0xFFFFC000  }
0x1a: {  	_ =	swait.ge [sflag:s30], $0x4000  }
0x1b: {  	[sflag:s30] =	ssyncset.done $0x0  }
0x1c: {  	[sflag:s30] =	ssyncadd.s32 $0xFFFFC000  }
0x1d: {  	_ =	swait.ge [sflag:s31], $0x4000  }
0x1e: {  	[sflag:s31] =	ssyncset.done $0x0  }
0x1f: {  	[sflag:s31] =	ssyncadd.s32 $0xFFFFC000  }
0x20: {  	_ =	swait.ge [sflag:s1], $0x4000  }
0x21: {  	s0 =	sadd.s32 $0x1, s0;
	s29 =	rddreg [dreg:$0x4]  }
0x22: {  	p0 =	sne.s32 s0, s29  }
.Ltmp1:
0x23: {  	_ = 	snop;
	(pc) =	sbr.rel @!p0 .LBB2_5-.Ltmp1, $3  }
0x24: {  	_ =	sdelay $0x1  }
0x25: {  	[sflag:s1] =	ssyncset.done $0x0  }
0x26: {  	[sflag:s1] =	ssyncadd.s32 $0xFFFFC000  }
.LBB2_1:
0x27: {  	s5 =	rddreg [dreg:$0x2]  }
0x28: {  	[tilespmem:s2], [sflag:$0xD] =	stream.linear.gather [hbm4b:s5+s2], $0x2A00, $0x38;
	[tilespmem:$0x15800] =	vst v63  }
0x29: {  	_ =	swait.ge [sflag:s12], $0x2A00  }
0x2a: {  	[sflag:s12] =	ssyncset.done $0x0  }
0x2b: {  	s6 =	simm.s32 $0x2C00;
	s17 =	rddreg [dreg:$0x3];
	[sflag:s12] =	ssyncadd.s32 $0xFFFFD600  }
0x2c: {  	[tilespmem:s6], [sflag:$0xD] =	stream.linear.gather [hbm4b:s17+s2], $0x2A00, $0x38;
	[tilespmem:$0x15800] =	vst v63  }
0x2d: {  	_ =	swait.ge [sflag:s12], $0x2A00  }
0x2e: {  	[sflag:s12] =	ssyncset.done $0x0  }
0x2f: {  	[sflag:s12] =	ssyncadd.s32 $0xFFFFD600  }
0x30: {  	[tilespmem:s15], [sflag:$0x1] =	stream.indirect.gather [hbm4b:s3+s14], $0x80, s2, s14, $0xb8;
	[tilespmem:$0x15800] =	vst v63  }
0x31: {  	_ = 	snop  }
0x32: {  	[tilespmem:s16], [sflag:$0x2] =	stream.indirect.gather [hbm4b:s3+s14], $0x80, s14, s14, $0xb8;
	[tilespmem:$0x15800] =	vst v63  }
0x33: {  	s29 =	simm.s32 $0x100  }
0x34: {  	[tilespmem:s18], [sflag:$0x3] =	stream.indirect.gather [hbm4b:s3+s14], $0x80, s29, s14, $0xb8;
	[tilespmem:$0x15800] =	vst v63  }
0x35: {  	_ =	swait.ge [sflag:s19], $0x4000  }
0x36: {  	s11 =	rddreg [dreg:$0x8]  }
0x37: {  	s10 =	rddreg [dreg:$0x7]  }
0x38: {  	[sflag:s19] =	ssyncset.done $0x0;
	s9 =	rddreg [dreg:$0x6]  }
0x39: {  	s7 =	simm.s32 $0x0;
	s8 =	rddreg [dreg:$0x5];
	[sflag:s19] =	ssyncadd.s32 $0xFFFFC000  }
0x3a: {  	[tilespmem:s15], [sflag:$0x5] =	stream.indirect.gather.add.f32 [hbm:s4], $0x80, s6, s14, $0xb8;
	[tilespmem:$0x15800] =	vst v63  }
.LBB2_2:
0x3b: {  	_ =	swait.ge [sflag:s20], $0x4000  }
0x3c: {  	[sflag:s20] =	ssyncset.done $0x0  }
0x3d: {  	[sflag:s20] =	ssyncadd.s32 $0xFFFFC000  }
0x3e: {  	[hbm4b:s8+s2] =	stream.linear.scatter [tilespmem:s15], [sflag:$0x9], $0x4000, $0x38;
	[tilespmem:$0x15800] =	vst v63  }
0x3f: {  	_ =	swait.ge [sflag:s21], $0x4000  }
0x40: {  	s13 =	sshra.s32 s7, $0x2;
	[sflag:s21] =	ssyncset.done $0x0  }
0x41: {  	p0 =	seq.s32 s7, $0x0;
	s6 =	sadd.s32 $0x2C80, s13;
	[sflag:s21] =	ssyncadd.s32 $0xFFFFC000  }
0x42: {  	[tilespmem:s16], [sflag:$0x6] =	stream.indirect.gather.add.f32 [hbm:s4], $0x80, s6, s14, $0xb8;
	[tilespmem:$0x15800] =	vst v63  }
0x43: {  	s6 =	simm.s32 @!p0 $0xC  }
0x44: {  	_ =	swait.ge @!p0 [sflag:s6], $0x4000  }
0x45: {  	[sflag:s6] =	ssyncset.done @!p0 $0x0  }
0x46: {  	s5 =	sadd.s32 $0x180, s13;
	[sflag:s6] =	ssyncadd.s32 @!p0 $0xFFFFC000  }
0x47: {  	[tilespmem:s22], [sflag:$0x4] =	stream.indirect.gather [hbm4b:s3+s14], $0x80, s5, s14, $0xb8;
	[tilespmem:$0x15800] =	vst v63  }
0x48: {  	_ =	swait.ge [sflag:s23], $0x4000  }
0x49: {  	[sflag:s23] =	ssyncset.done $0x0  }
0x4a: {  	[sflag:s23] =	ssyncadd.s32 $0xFFFFC000  }
0x4b: {  	[hbm4b:s11+s2] =	stream.linear.scatter [tilespmem:s16], [sflag:$0xA], $0x4000, $0x38;
	[tilespmem:$0x15800] =	vst v63  }
0x4c: {  	_ =	swait.ge [sflag:s24], $0x4000  }
0x4d: {  	p0 =	seq.s32 s7, $0xA000;
	[sflag:s24] =	ssyncset.done $0x0  }
0x4e: {  	s17 =	sadd.s32 $0x2D00, s13;
	s6 =	simm.s32 @!p0 $0x9;
	[sflag:s24] =	ssyncadd.s32 $0xFFFFC000  }
0x4f: {  	[tilespmem:s18], [sflag:$0x7] =	stream.indirect.gather.add.f32 [hbm:s4], $0x80, s17, s14, $0xb8;
	[tilespmem:$0x15800] =	vst v63  }
0x50: {  	_ =	swait.ge @!p0 [sflag:s6], $0x4000  }
0x51: {  	[sflag:s6] =	ssyncset.done @!p0 $0x0  }
0x52: {  	[sflag:s6] =	ssyncadd.s32 @!p0 $0xFFFFC000;
	s6 =	sshra.s32 @!p0 s7, $0x2  }
0x53: {  	s29 =	simm.s32 @!p0 $0x5800;
	s17 =	simm.s32 @!p0 $0x80;
	s5 =	sadd.s32 @!p0 $0x200, s6  }
0x54: {  	[tilespmem:s29], [sflag:$0x1] =	stream.indirect.gather @!p0 [hbm4b:s3+s17], $0x80, s5, s17, $0xb8;
	[tilespmem:$0x15800] =	vst v63  }
0x55: {  	_ =	swait.ge [sflag:s25], $0x4000  }
0x56: {  	[sflag:s25] =	ssyncset.done $0x0  }
0x57: {  	[sflag:s25] =	ssyncadd.s32 $0xFFFFC000  }
0x58: {  	[hbm4b:s9+s2] =	stream.linear.scatter [tilespmem:s18], [sflag:$0xB], $0x4000, $0x38;
	[tilespmem:$0x15800] =	vst v63  }
0x59: {  	_ =	swait.ge [sflag:s26], $0x4000  }
0x5a: {  	[sflag:s26] =	ssyncset.done $0x0  }
0x5b: {  	s29 =	sadd.s32 $0x2D80, s13;
	s5 =	simm.s32 @!p0 $0xA;
	[sflag:s26] =	ssyncadd.s32 $0xFFFFC000  }
0x5c: {  	[tilespmem:s22], [sflag:$0x8] =	stream.indirect.gather.add.f32 [hbm:s4], $0x80, s29, s14, $0xb8;
	[tilespmem:$0x15800] =	vst v63  }
0x5d: {  	_ =	swait.ge @!p0 [sflag:s5], $0x4000  }
0x5e: {  	[sflag:s5] =	ssyncset.done @!p0 $0x0  }
0x5f: {  	[sflag:s5] =	ssyncadd.s32 @!p0 $0xFFFFC000;
	s5 =	sadd.s32 @!p0 $0x280, s6;
	s6 =	simm.s32 @!p0 $0x9800  }
0x60: {  	[tilespmem:s6], [sflag:$0x2] =	stream.indirect.gather @!p0 [hbm4b:s3+s17], $0x80, s5, s17, $0xb8;
	[tilespmem:$0x15800] =	vst v63  }
.Ltmp2:
0x61: {  	_ = 	snop;
	(pc) =	sbr.rel @p0 .LBB2_4-.Ltmp2, $4  }
0x62: {  	_ =	swait.ge [sflag:s28], $0x4000  }
0x63: {  	[sflag:s28] =	ssyncset.done $0x0  }
0x64: {  	[sflag:s28] =	ssyncadd.s32 $0xFFFFC000  }
0x65: {  	[hbm4b:s10+s2] =	stream.linear.scatter [tilespmem:s22], [sflag:$0xC], $0x4000, $0x38;
	[tilespmem:$0x15800] =	vst v63  }
0x66: {  	_ =	swait.ge [sflag:s19], $0x4000  }
0x67: {  	[sflag:s19] =	ssyncset.done $0x0  }
0x68: {  	s5 =	sadd.s32 $0x2E00, s13;
	[sflag:s19] =	ssyncadd.s32 $0xFFFFC000  }
0x69: {  	[tilespmem:s15], [sflag:$0x5] =	stream.indirect.gather.add.f32 [hbm:s4], $0x80, s5, s14, $0xb8;
	[tilespmem:$0x15800] =	vst v63  }
.Ltmp3:
0x6a: {  	_ = 	snop;
	(pc) =	sbr.rel .LBB2_2-.Ltmp3, $4  }
0x6b: {  	s29 =	sadd.s32 $0x300, s13;
	s7 =	sadd.s32 $0x800, s7;
	_ =	swait.ge [sflag:s31], $0x4000  }
0x6c: {  	s8 =	sadd.s32 $0x2000, s8;
	s9 =	sadd.s32 $0x2000, s9;
	[sflag:s31] =	ssyncset.done $0x0  }
0x6d: {  	s10 =	sadd.s32 $0x2000, s10;
	s11 =	sadd.s32 $0x2000, s11;
	[sflag:s31] =	ssyncadd.s32 $0xFFFFC000  }
0x6e: {  	[tilespmem:s18], [sflag:$0x3] =	stream.indirect.gather [hbm4b:s3+s14], $0x80, s29, s14, $0xb8;
	[tilespmem:$0x15800] =	vst v63  }
.LBB2_5:
0x6f: {  	_ =	sfence.sel $0x180000  }
0x70: {  	[bflag:$0x0] =	sbarrier.arrive $0xFFFF  }
0x71: {  	_ =	strace $0x90000047  }
0x72: {  	s0 =	stileid.u32;
	[bflag:$0x2] =	sbarrier.arrive $0xFFFF  }
0x73: {  	p0 =	sne.s32 s0, $0x0;
	s0 =	rddreg [dreg:$0x1]  }
0x74: {  	s0 =	sadd.s32 @!p0 $0x100000, s0  }
0x75: {  	[sflag:s0] =	ssyncadd.tile.s32 @!p0 $0x1;
	_ =	shalt  }
.Lfunc_end2:
_tile_overlayer_lowered:
.L_overlay_start_2:
0x76: {  	(tag) =	ssettag $0x2  }
0x77: {  	s0 =	rddreg [dreg:$0x0];
	s2 =	stileid.u32  }
0x78: {  	s1 =	rddreg [dreg:$0x1];
	p0 =	sne.s32 s2, $0x0  }
0x79: {  	s3 =	rddreg [dreg:$0x2];
	[bflag:$0x3] =	sbarrier.arrive $0xFFFF;
	s2 =	simm.s32 @!p0 $0x1C0D  }
0x7a: {  	[timem:s3], [sflag:s2] =	dma.local @!p0 [hbm:s0], s1  }
0x7b: {  	s0 =	simm.s32 @!p0 $0xD  }
0x7c: {  	_ =	swait.ge @!p0 [sflag:s0], s1  }
0x7d: {  	s1 =	ssub.s32 @!p0 $0x0, s1;
	[sflag:s0] =	ssyncset.done @!p0 $0x0  }
0x7e: {  	[sflag:s0] =	ssyncadd.s32 @!p0 s1  }
0x7f: {  	[bflag:$0x3] =	sbarrier.arrive $0xFFFF  }
0x80: {  	_ =	shalt  }

// kernel: kernel.15.cloned.1.call-start
scs
__scs_entry_jumppad:
0x0: {  	(pc) =	sbr.rel $0x88, $3  }
0x1: {  	(tag) =	ssettag $0x0;
	lr =	simm.s32 $0x1  }
0x2: {  	[smem:$0x3F97] =	sst lr;
	_ =	strace $0xD0000000  }
0x3: {  	_ = 	snop  }
0x4: {  	_ = 	snop  }
0x5: {  	_ = 	snop  }
0x6: {  	_ = 	snop  }
0x7: {  	_ = 	snop  }
__scs_overlays_trampoline_lowered:
0x8: {  	[smem:$0x3FA6] =	sst s0  }
0x9: {  	[smem:$0x3FA7] =	sst s1  }
0xa: {  	[smem:$0x3FA8] =	sst s2  }
0xb: {  	[smem:$0x3FA9] =	sst s3  }
0xc: {  	[smem:$0x3FAA] =	sst s4  }
0xd: {  	[smem:$0x3FAB] =	sst s5  }
0xe: {  	[smem:$0x3FAC] =	sst s6  }
0xf: {  	[smem:$0x3FAD] =	sst s7  }
0x10: {  	[smem:$0x3FAE] =	sst s8  }
0x11: {  	[smem:$0x3FAF] =	sst s9;
	s0 =	simm.s32 @!p0 $0x0  }
0x12: {  	s1 =	sld [smem:$0x3F95];
	s0 =	simm.s32 @p0 $0x1  }
0x13: {  	[smem:$0x3FB0] =	sst s0;
	s0 =	simm.s32 @!p1 $0x0  }
0x14: {  	s2 =	sld [smem:$0x3F94];
	s0 =	simm.s32 @p1 $0x1  }
0x15: {  	[smem:$0x3FB1] =	sst s0;
	s0 =	simm.s32 @!p2 $0x0  }
0x16: {  	s3 =	sld [smem:$0x3FDB];
	s0 =	simm.s32 @p2 $0x1  }
0x17: {  	s4 =	simm.s32 $0x1BF5;
	[smem:$0x3FB3] =	sst s0  }
0x18: {  	s0 =	sld [smem:$0x3F96];
	_ =	swait.ge [sflag:s4], $0x0  }
0x19: {  	s7 =	sld [smem:$0x3F97]  }
0x1a: {  	s8 =	sadd.s32 $0xFFFFE003, lr  }
0x1b: {  	s9 =	sadd.s32 $0xFFFFFEF7, lr;
	s5 =	simm.s32 $0xFFFFFFFF;
	p2 =	slt.u32 s8, $0xFFFFF086  }
0x1c: {  	p1 =	slt.u32 s9, $0xF7A;
	s5 =	simm.s32 @!p2 $0x0  }
0x1d: {  	s5 =	simm.s32 @p1 $0x1;
	p0 =	seq.s32 s7, s2  }
0x1e: {  	s7 =	smul.u32 @!p0 $0xF7A, s2;
	p2 =	seq.s32 @!p0 s5, $0x0  }
0x1f: {  	s9 =	smul.u32 $0xF7A, s1;
	s8 =	simm.s32 @!p0 $0x1BF5;
	p2 =	por !p2, p0  }
0x20: {  	[sflag:s8] =	ssyncset.s32 @!p0 $0xFFFFF086;
	s6 =	sadd.s32 @!p0 s3, s7;
	s7 =	simm.s32 @!p0 $0x108  }
0x21: {  	s3 =	sadd.s32 s3, s9;
	s6 =	sadd.s32 @!p0 $0x88, s6;
	s7 =	simm.s32 @p2 $0x1082  }
0x22: {  	[simem:s7], [sflag:s8] =	dma.local @!p0 [hbm:s6], $0xF7A  }
0x23: {  	s9 =	sor.u32 $0xD0000000, s2;
	s6 =	simm.s32 $0x108;
	_ =	swait.ge @!p0 [sflag:s8], $0x0  }
0x24: {  	s3 =	sadd.s32 $0x88, s3;
	s6 =	simm.s32 @!p1 $0x1082;
	[sflag:s4] =	ssyncset.s32 $0xFFFFF086  }
0x25: {  	[simem:s6], [sflag:s4] =	dma.local [hbm:s3], $0xF7A  }
0x26: {  	[smem:$0x3F97] =	sst s1;
	(tag) =	ssettag s2;
	_ =	strace s9  }
0x27: {  	s1 =	sld [smem:$0x3FA7]  }
0x28: {  	s2 =	sld [smem:$0x3FA8]  }
0x29: {  	s4 =	sld [smem:$0x3FAA]  }
0x2a: {  	p0 =	seq.s32 s5, $0x0;
	s5 =	sld [smem:$0x3FAB]  }
0x2b: {  	s6 =	sld [smem:$0x3FAC]  }
0x2c: {  	s7 =	sld [smem:$0x3FAD]  }
0x2d: {  	s3 =	simm.s32 $0x108;
	s8 =	sld [smem:$0x3FAE]  }
0x2e: {  	s3 =	simm.s32 @!p0 $0x1082;
	s9 =	sld [smem:$0x3FAF]  }
0x2f: {  	lr =	sadd.s32 s0, s3;
	s0 =	sld [smem:$0x3FA6]  }
0x30: {  	s3 =	sld [smem:$0x3FA9]  }
0x31: {  	[smem:$0x3FB2] =	sst s10  }
0x32: {  	s10 =	sld [smem:$0x3FB0];
	_ =	sdelay $0x3  }
0x33: {  	p0 =	seq.s32 s10, $0x1;
	s10 =	sld [smem:$0x3FB2];
	_ =	sdelay $0x3  }
0x34: {  	[smem:$0x3FB2] =	sst s10  }
0x35: {  	s10 =	sld [smem:$0x3FB1];
	_ =	sdelay $0x3  }
0x36: {  	p1 =	seq.s32 s10, $0x1;
	s10 =	sld [smem:$0x3FB2];
	_ =	sdelay $0x3  }
0x37: {  	[smem:$0x3FB2] =	sst s10  }
0x38: {  	s10 =	sld [smem:$0x3FB3]  }
0x39: {  	_ = 	snop;
	(pc) =	sbr.ind lr, $3  }
0x3a: {  	_ = 	snop  }
0x3b: {  	_ = 	snop  }
0x3c: {  	p2 =	seq.s32 s10, $0x1;
	s10 =	sld [smem:$0x3FB2]  }
0x3d: {  	_ =	shalt  }
0x3e: {  	_ =	shalt  }
0x3f: {  	_ =	shalt  }
0x40: {  	_ =	shalt  }
0x41: {  	_ =	shalt  }
0x42: {  	_ =	shalt  }
0x43: {  	_ =	shalt  }
0x44: {  	_ =	shalt  }
0x45: {  	_ =	shalt  }
0x46: {  	_ =	shalt  }
0x47: {  	_ =	shalt  }
0x48: {  	_ =	shalt  }
0x49: {  	_ =	shalt  }
0x4a: {  	_ =	shalt  }
0x4b: {  	_ =	shalt  }
0x4c: {  	_ =	shalt  }
0x4d: {  	_ =	shalt  }
0x4e: {  	_ =	shalt  }
0x4f: {  	_ =	shalt  }
0x50: {  	_ =	shalt  }
0x51: {  	_ =	shalt  }
0x52: {  	_ =	shalt  }
0x53: {  	_ =	shalt  }
0x54: {  	_ =	shalt  }
0x55: {  	_ =	shalt  }
0x56: {  	_ =	shalt  }
0x57: {  	_ =	shalt  }
0x58: {  	_ =	shalt  }
0x59: {  	_ =	shalt  }
0x5a: {  	_ =	shalt  }
0x5b: {  	_ =	shalt  }
0x5c: {  	_ =	shalt  }
0x5d: {  	_ =	shalt  }
0x5e: {  	_ =	shalt  }
0x5f: {  	_ =	shalt  }
0x60: {  	_ =	shalt  }
0x61: {  	_ =	shalt  }
0x62: {  	_ =	shalt  }
0x63: {  	_ =	shalt  }
0x64: {  	_ =	shalt  }
0x65: {  	_ =	shalt  }
0x66: {  	_ =	shalt  }
0x67: {  	_ =	shalt  }
0x68: {  	_ =	shalt  }
0x69: {  	_ =	shalt  }
0x6a: {  	_ =	shalt  }
0x6b: {  	_ =	shalt  }
0x6c: {  	_ =	shalt  }
0x6d: {  	_ =	shalt  }
0x6e: {  	_ =	shalt  }
0x6f: {  	_ =	shalt  }
0x70: {  	_ =	shalt  }
0x71: {  	_ =	shalt  }
0x72: {  	_ =	shalt  }
0x73: {  	_ =	shalt  }
0x74: {  	_ =	shalt  }
0x75: {  	_ =	shalt  }
0x76: {  	_ =	shalt  }
0x77: {  	_ =	shalt  }
0x78: {  	_ =	shalt  }
0x79: {  	_ =	shalt  }
0x7a: {  	_ =	shalt  }
0x7b: {  	_ =	shalt  }
0x7c: {  	_ =	shalt  }
0x7d: {  	_ =	shalt  }
0x7e: {  	_ =	shalt  }
0x7f: {  	_ =	shalt  }
0x80: {  	_ =	shalt  }
0x81: {  	_ =	shalt  }
0x82: {  	_ =	shalt  }
0x83: {  	_ =	shalt  }
0x84: {  	_ =	shalt  }
0x85: {  	_ =	shalt  }
0x86: {  	_ =	shalt  }
0x87: {  	_ =	shalt  }
.Lfunc_end0:
.L_simem_size_0:
called_computation.1_lowered:
.L_overlay_start_0:
0x88: {  	s2 =	sld [smem:$0x3FD9]  }
0x89: {  	s3 =	sld [smem:$0x3FFE];
	_ =	sdelay $0x1  }
0x8a: {  	s1 =	srdreg.scid  }
0x8b: {  	s0 =	sand.u32 $0x1, s1  }
0x8c: {  	s17 =	sshll.u32 s0, $0xA;
	s2 =	sadd.s32 s3, s2  }
0x8d: {  	s2 =	sadd.s32 s2, s17  }
0x8e: {  	[smem:$0x3FBE] =	sst s2  }
0x8f: {  	_ = 	snop  }
0x90: {  	(tm) =	ssettm $0x1  }
0x91: {  	s18 =	sld [smem:$0x3FFB];
	_ =	sdelay $0x3  }
0x92: {  	_ =	strace s18  }
0x93: {  	s2 =	sld [smem:$0x3FFC];
	_ =	sdelay $0x3  }
0x94: {  	_ =	strace s2  }
0x95: {  	s2 =	sld [smem:$0x3FFD];
	_ =	sdelay $0x3  }
0x96: {  	_ =	strace s2  }
0x97: {  	_ =	strace $0x8FFFFFFF  }
0x98: {  	s19 =	sld [smem:$0x3FDB];
	_ =	sdelay $0x1  }
0x99: {  	s20 =	simm.s32 $_scs_section_size  }
0x9a: {  	s4 =	simm.s32 $_size__tile_overlayer_lowered;
	s5 =	simm.s32 $_tile_overlayer_lowered  }
0x9b: {  	s6 =	simm.s32 $0x1BFF;
	s21 =	sshll.u32 s5, $0x1;
	s3 =	sadd.s32 s20, s19  }
0x9c: {  	s22 =	simm.s32 $0x0;
	s4 =	sshll.u32 s4, $0x1;
	s5 =	sadd.s32 s21, s3  }
0x9d: {  	[timem:s22], [sflag:s6] =	dma.local [hbm:s5], s4  }
0x9e: {  	_ =	swait.ge [sflag:s6], s4  }
0x9f: {  	s4 =	ssub.s32 $0x0, s4;
	[sflag:s6] =	ssyncset.done $0x0  }
0xa0: {  	[sflag:s6] =	ssyncadd.s32 s4;
	_ =	sdelay $0x1  }
0xa1: {  	s23 =	simm.s32 $0x1B8B  }
0xa2: {  	_ =	swait.ge [sflag:s23], $0x1  }
0xa3: {  	[sflag:s23] =	ssyncset.done $0x0  }
0xa4: {  	[sflag:s23] =	ssyncadd.s32 $0xFFFFFFFF  }
0xa5: {  	s4 =	sld [smem:$0x0]  }
0xa6: {  	s5 =	sand.u32 $0xFFFFFFFE, s1  }
0xa7: {  	p0 =	sne.s32 s1, s5  }
0xa8: {  	s5 =	sshll.u32 @p0 s5, $0xE  }
0xa9: {  	s5 =	sadd.s32 @p0 $0x11B8D, s5;
	s6 =	sshll.u32 @p0 s4, $0x11  }
0xaa: {  	s5 =	sor.u32 @p0 s6, s5  }
0xab: {  	[sflag:s5] =	ssyncadd.remote.s32 @p0 $0x1;
	_ =	sdelay $0x1  }
0xac: {  	s5 =	simm.s32 @p0 $0x1B8D  }
0xad: {  	_ =	swait.eq @p0 [sflag:s5], $0x1  }
0xae: {  	[sflag:s5] =	ssyncadd.s32 @p0 $0xFFFFFFFF  }
0xaf: {  	s6 =	sshll.u32 @!p0 s1, $0xE  }
0xb0: {  	s6 =	sor.u32 @!p0 $0x4000, s6;
	s5 =	simm.s32 @!p0 $0x1B8D  }
0xb1: {  	s4 =	sshll.u32 @!p0 s4, $0x11;
	s6 =	sadd.s32 @!p0 $0x11B8D, s6;
	_ =	swait.eq @!p0 [sflag:s5], $0x1  }
0xb2: {  	s4 =	sor.u32 @!p0 s4, s6;
	[sflag:s5] =	ssyncadd.s32 @!p0 $0xFFFFFFFF  }
0xb3: {  	s25 =	simm.s32 $0x1B8E;
	s24 =	sld [smem:$0x3FFE];
	[sflag:s4] =	ssyncadd.remote.s32 @!p0 $0x1  }
0xb4: {  	s26 =	simm.s32 $execute0_lowered;
	[smem:$0x3FD2] =	sst s25  }
0xb5: {  	s5 =	sshll.u32 s26, $0x1;
	_ =	strace $0x8000004C;
	[dreg:$0x1] =	wrdreg $0xFFFFFFFF  }
0xb6: {  	s28 =	simm.s32 $_size_execute0_lowered;
	s3 =	sadd.s32 s3, s5;
	[dreg:$0x0] =	wrdreg $0x0  }
0xb7: {  	s5 =	sshll.u32 s28, $0x1;
	[dreg:$0x2] =	wrdreg s3  }
0xb8: {  	[dreg:$0x3] =	wrdreg s5  }
0xb9: {  	[dreg:$0x4] =	wrdreg $0xC0  }
0xba: {  	_ =	task [dreg:s22], $0x5FFFF  }
0xbb: {  	[dreg:$0x1] =	wrdreg $0xFFFFFFFF  }
0xbc: {  	[dreg:$0x0] =	wrdreg $0x60  }
0xbd: {  	[dreg:$0x2] =	wrdreg s24  }
0xbe: {  	[dreg:$0x3] =	wrdreg $0xB4000  }
0xbf: {  	[dreg:$0x4] =	wrdreg $0x9  }
0xc0: {  	_ =	task.clear_ibuf [dreg:s22], $0x5FFFF;
	_ =	strace $0x9000004C  }
0xc1: {  	s29 =	simm.s32 $0x9;
	_ =	strace $0x8000004E  }
0xc2: {  	_ =	swait.ge [sflag:s29], $0x1  }
0xc3: {  	[sflag:s29] =	ssyncadd.s32 $0xFFFFFFFF  }
0xc4: {  	_ =	strace $0x9000004E  }
0xc5: {  	_ =	sfence  }
0xc6: {  	s30 =	sld [smem:$0x0];
	_ =	sdelay $0x2  }
0xc7: {  	s31 =	sshll.u32 s1, $0xD;
	s1 =	sshrl.u32 s1, $0x2  }
0xc8: {  	s4 =	sand.u32 $0x4000, s31;
	s1 =	sadd.s32 s1, s30  }
0xc9: {  	s0 =	sor.u32 s4, s0;
	s1 =	sshll.u32 s1, $0x11  }
0xca: {  	s0 =	sor.u32 s1, s0  }
0xcb: {  	s0 =	sadd.s32 $0x8F2B, s0  }
0xcc: {  	[sflag:s0] =	ssyncadd.remote.s32 $0x1  }
0xcd: {  	_ =	sfence.sel $0xFFFF  }
0xce: {  	[dreg:$0x0] =	wrdreg $0xFFFFFFFF;
	(pc) =	sbr.abs _section_cstart, $3  }
0xcf: {  	[dreg:$0x1] =	wrdreg $0xFFFFFFFF  }
0xd0: {  	_ =	task.clear_ibuf [dreg:s22], $0x2FFFF;
	_ =	strace $0x9FFFFFFF  }
0xd1: {  	(tm) =	ssettm $0x7FFFFFFF  }
tec
execute0_lowered:
.L_overlay_start_1:
0x0: {  	(tag) =	ssettag $0x1  }
0x1: {  	s0 =	srdreg.scid  }
0x2: {  	s14 =	stileid.u32;
	s5 =	rddreg [dreg:$0x0]  }
0x3: {  	s2 =	rddreg [dreg:$0x1];
	s3 =	simm.s32 $0x0;
	s18 =	simm.s32 $0x7  }
0x4: {  	s19 =	simm.s32 $0x5400;
	s20 =	simm.s32 $0x7400;
	s28 =	simm.s32 $0x3  }
0x5: {  	s30 =	simm.s32 $0x5;
	s31 =	simm.s32 $0x6;
	s7 =	smul.u32 $0x14000, s14  }
0x6: {  	s0 =	sand.u32 $0x1, s0;
	[smem:$0x7FF] =	sst s3;
	s21 =	smul.u32 $0x50000, s14  }
0x7: {  	s16 =	sadd.s32 $0xAFEA00, s5;
	s22 =	sshll.u32 s14, $0x6;
	s6 =	smul.u32 $0x140000, s0  }
0x8: {  	s1 =	sshll.u32 s0, $0x4;
	s9 =	ssub.s32 $0x2, s0;
	s0 =	smul.u32 $0x1500000, s0  }
0x9: {  	_ =	strace $0x8000004D;
	s1 =	sor.u32 s14, s1;
	s14 =	smul.u32 $0x150000, s14  }
0xa: {  	s10 =	sshrl.u32 s9, $0x1;
	s4 =	smul.u32 $0xA80, s1;
	s6 =	sadd.s32 s7, s6  }
0xb: {  	s7 =	sshrl.u32 s21, $0x2;
	s11 =	smul.u32 $0x2A000, s1;
	s10 =	ssub.s32 s9, s10  }
0xc: {  	s1 =	smul.u32 $0x150000, s1;
	s21 =	simm.s32 $0x1;
	s6 =	sshrl.u32 s6, $0x3  }
0xd: {  	s17 =	sadd.s32 s7, s2;
	s10 =	smax.u32 s10, $0x1;
	s0 =	sadd.s32 s14, s0  }
0xe: {  	s8 =	sadd.s32 s4, s5;
	s4 =	sadd.s32 $0x23800, s5;
	s12 =	sadd.s32 s6, s5  }
0xf: {  	s5 =	sadd.s32 s16, s11;
	s6 =	sor.u32 $0x1C07, s22;
	s13 =	sor.u32 $0x6000, s1  }
0x10: {  	s23 =	sshrl.u32 s1, $0x3;
	s1 =	sor.u32 $0x8000, s1;
	s26 =	sor.u32 $0xE000, s0  }
0x11: {  	s15 =	sor.u32 $0xC000, s0;
	s0 =	sor.u32 $0xA000, s0;
	s17 =	sshrl.u32 s17, $0x3  }
0x12: {  	s22 =	simm.s32 $0x40;
	s7 =	sadd.s32 $0xFE800, s8;
	s8 =	sadd.s32 $0x400, s5  }
0x13: {  	s24 =	sadd.s32 s23, s16;
	s9 =	sadd.s32 $0x113800, s12;
	s25 =	sshrl.u32 s13, $0x3  }
.Ltmp0:
0x14: {  	s1 =	sshrl.u32 s1, $0x3;
	s29 =	sshrl.u32 s15, $0x3;
	(pc) =	sbr.rel .LBB2_1-.Ltmp0, $4  }
0x15: {  	s0 =	sshrl.u32 s0, $0x3;
	s23 =	simm.s32 $0x9400;
	s11 =	sadd.s32 $0x800, s24  }
0x16: {  	s12 =	sadd.s32 s16, s25;
	s13 =	sadd.s32 s16, s1;
	s1 =	sshrl.u32 s26, $0x3  }
0x17: {  	s15 =	sadd.s32 s29, s16;
	s24 =	simm.s32 $0x2;
	s26 =	simm.s32 $0x4  }
0x18: {  	s14 =	sadd.s32 s1, s16;
	s16 =	sadd.s32 s0, s16;
	s0 =	simm.s32 $0x0  }
.LBB2_4:
0x19: {  	_ =	swait.ge [sflag:s28], $0x2000  }
0x1a: {  	[sflag:s28] =	ssyncset.done $0x0  }
0x1b: {  	s1 =	simm.s32 $0x5380;
	[sflag:s28] =	ssyncadd.s32 $0xFFFFE000  }
0x1c: {  	[spmem:s2] =	stream.indirect.scatter.add.f32 [tilespmem:s23], [sflag:$0x6], $0x80, s1, s22, $0xb8;
	[tilespmem:$0x1F400] =	vst v63  }
0x1d: {  	_ =	swait.ge [sflag:s26], $0x2000  }
0x1e: {  	[sflag:s26] =	ssyncset.done $0x0  }
0x1f: {  	[sflag:s26] =	ssyncadd.s32 $0xFFFFE000  }
0x20: {  	_ =	swait.ge [sflag:s30], $0x2000  }
0x21: {  	[sflag:s30] =	ssyncset.done $0x0  }
0x22: {  	[sflag:s30] =	ssyncadd.s32 $0xFFFFE000  }
0x23: {  	_ =	swait.ge [sflag:s31], $0x2000  }
0x24: {  	s0 =	sadd.s32 $0x1, s0;
	[sflag:s31] =	ssyncset.done $0x0  }
0x25: {  	p0 =	sne.s32 s0, s10;
	[sflag:s31] =	ssyncadd.s32 $0xFFFFE000  }
.Ltmp1:
0x26: {  	[bflag:$0x0] =	sbarrier.arrive $0xFFFF;
	(pc) =	sbr.rel @!p0 .LBB2_5-.Ltmp1, $4  }
0x27: {  	[hbm:s9], [sflag:s6] =	dma.local [spmem:s17], $0x2800  }
0x28: {  	_ =	swait.ge [sflag:s18], $0x2800  }
0x29: {  	[sflag:s18] =	ssyncset.done $0x0  }
0x2a: {  	[sflag:s18] =	ssyncadd.s32 $0xFFFFD800  }
.LBB2_1:
0x2b: {  	[spmem:s17], [sflag:s6] =	dma.local [hbm:s4], $0x2800  }
0x2c: {  	_ =	swait.ge [sflag:s18], $0x2800  }
0x2d: {  	[sflag:s18] =	ssyncset.done $0x0  }
0x2e: {  	[sflag:s18] =	ssyncadd.s32 $0xFFFFD800  }
0x2f: {  	[bflag:$0x0] =	sbarrier.arrive $0xFFFF  }
0x30: {  	[tilespmem:s3], [sflag:$0x7] =	stream.linear.gather [hbm4b:s7+s3], $0x5400, $0x38;
	[tilespmem:$0x1F400] =	vst v63  }
0x31: {  	_ =	swait.ge [sflag:s18], $0x5400  }
0x32: {  	[sflag:s18] =	ssyncset.done $0x0  }
0x33: {  	[sflag:s18] =	ssyncadd.s32 $0xFFFFAC00  }
0x34: {  	[tilespmem:s19], [sflag:$0x1] =	stream.linear.gather [hbm4b:s5+s3], $0x2000, $0x38;
	[tilespmem:$0x1F400] =	vst v63  }
0x35: {  	_ = 	snop  }
0x36: {  	[tilespmem:s20], [sflag:$0x2] =	stream.linear.gather [hbm4b:s8+s3], $0x2000, $0x38;
	[tilespmem:$0x1F400] =	vst v63  }
0x37: {  	_ =	swait.ge [sflag:s21], $0x2000  }
0x38: {  	[sflag:s21] =	ssyncset.done $0x0  }
0x39: {  	[sflag:s21] =	ssyncadd.s32 $0xFFFFE000  }
0x3a: {  	[spmem:s2] =	stream.indirect.scatter.add.f32 [tilespmem:s19], [sflag:$0x4], $0x80, s3, s22, $0xb8;
	[tilespmem:$0x1F400] =	vst v63  }
0x3b: {  	_ = 	snop  }
0x3c: {  	[tilespmem:s23], [sflag:$0x3] =	stream.linear.gather [hbm4b:s11+s3], $0x2000, $0x38;
	[tilespmem:$0x1F400] =	vst v63  }
0x3d: {  	_ =	swait.ge [sflag:s24], $0x2000  }
0x3e: {  	[sflag:s24] =	ssyncset.done $0x0  }
0x3f: {  	s1 =	simm.s32 $0x80;
	[sflag:s24] =	ssyncadd.s32 $0xFFFFE000  }
0x40: {  	[spmem:s2] =	stream.indirect.scatter.add.f32 [tilespmem:s20], [sflag:$0x5], $0x80, s1, s22, $0xb8;
	[tilespmem:$0x1F400] =	vst v63  }
0x41: {  	_ =	swait.ge [sflag:s26], $0x2000  }
0x42: {  	[sflag:s26] =	ssyncset.done $0x0  }
0x43: {  	[sflag:s26] =	ssyncadd.s32 $0xFFFFE000  }
0x44: {  	[tilespmem:s19], [sflag:$0x1] =	stream.linear.gather [hbm4b:s12+s3], $0x2000, $0x38;
	[tilespmem:$0x1F400] =	vst v63  }
0x45: {  	_ =	swait.ge [sflag:s28], $0x2000  }
0x46: {  	[sflag:s28] =	ssyncset.done $0x0  }
0x47: {  	s25 =	simm.s32 $0x100;
	[sflag:s28] =	ssyncadd.s32 $0xFFFFE000  }
0x48: {  	[spmem:s2] =	stream.indirect.scatter.add.f32 [tilespmem:s23], [sflag:$0x6], $0x80, s25, s22, $0xb8;
	[tilespmem:$0x1F400] =	vst v63  }
0x49: {  	_ =	swait.ge [sflag:s30], $0x2000  }
0x4a: {  	[sflag:s30] =	ssyncset.done $0x0  }
0x4b: {  	s29 =	simm.s32 $0x0;
	s25 =	simm.s32 $0x280;
	[sflag:s30] =	ssyncadd.s32 $0xFFFFE000  }
0x4c: {  	[tilespmem:s20], [sflag:$0x2] =	stream.linear.gather [hbm4b:s13+s3], $0x2000, $0x38;
	[tilespmem:$0x1F400] =	vst v63  }
.LBB2_2:
0x4d: {  	_ =	swait.ge [sflag:s21], $0x2000  }
0x4e: {  	[sflag:s21] =	ssyncset.done $0x0  }
0x4f: {  	s1 =	sadd.s32 $0xFFFFFF00, s25;
	[sflag:s21] =	ssyncadd.s32 $0xFFFFE000  }
0x50: {  	[spmem:s2] =	stream.indirect.scatter.add.f32 [tilespmem:s19], [sflag:$0x4], $0x80, s1, s22, $0xb8;
	[tilespmem:$0x1F400] =	vst v63  }
0x51: {  	_ =	swait.ge [sflag:s31], $0x2000  }
0x52: {  	[sflag:s31] =	ssyncset.done $0x0  }
0x53: {  	p0 =	seq.s32 s29, $0x28800;
	s1 =	sadd.s32 s29, s16;
	[sflag:s31] =	ssyncadd.s32 $0xFFFFE000  }
0x54: {  	[tilespmem:s23], [sflag:$0x3] =	stream.linear.gather [hbm4b:s1+s3], $0x2000, $0x38;
	[tilespmem:$0x1F400] =	vst v63  }
.Ltmp2:
0x55: {  	_ = 	snop;
	(pc) =	sbr.rel @p0 .LBB2_4-.Ltmp2, $4  }
0x56: {  	_ =	swait.ge [sflag:s24], $0x2000  }
0x57: {  	[sflag:s24] =	ssyncset.done $0x0  }
0x58: {  	s1 =	sadd.s32 $0xFFFFFF80, s25;
	[sflag:s24] =	ssyncadd.s32 $0xFFFFE000  }
0x59: {  	[spmem:s2] =	stream.indirect.scatter.add.f32 [tilespmem:s20], [sflag:$0x5], $0x80, s1, s22, $0xb8;
	[tilespmem:$0x1F400] =	vst v63  }
0x5a: {  	_ =	swait.ge [sflag:s26], $0x2000  }
0x5b: {  	[sflag:s26] =	ssyncset.done $0x0  }
0x5c: {  	s1 =	sadd.s32 s29, s15;
	[sflag:s26] =	ssyncadd.s32 $0xFFFFE000  }
0x5d: {  	[tilespmem:s19], [sflag:$0x1] =	stream.linear.gather [hbm4b:s1+s3], $0x2000, $0x38;
	[tilespmem:$0x1F400] =	vst v63  }
0x5e: {  	_ =	swait.ge [sflag:s28], $0x2000  }
0x5f: {  	[sflag:s28] =	ssyncset.done $0x0  }
0x60: {  	[sflag:s28] =	ssyncadd.s32 $0xFFFFE000  }
0x61: {  	[spmem:s2] =	stream.indirect.scatter.add.f32 [tilespmem:s23], [sflag:$0x6], $0x80, s25, s22, $0xb8;
	[tilespmem:$0x1F400] =	vst v63  }
.Ltmp3:
0x62: {  	_ = 	snop;
	(pc) =	sbr.rel .LBB2_2-.Ltmp3, $4  }
0x63: {  	_ =	swait.ge [sflag:s30], $0x2000  }
0x64: {  	s1 =	sadd.s32 s29, s14;
	[sflag:s30] =	ssyncset.done $0x0  }
0x65: {  	s29 =	sadd.s32 $0xC00, s29;
	s25 =	sadd.s32 $0x180, s25;
	[sflag:s30] =	ssyncadd.s32 $0xFFFFE000  }
0x66: {  	[tilespmem:s20], [sflag:$0x2] =	stream.linear.gather [hbm4b:s1+s3], $0x2000, $0x38;
	[tilespmem:$0x1F400] =	vst v63  }
.LBB2_5:
0x67: {  	_ =	sfence.sel $0x180000  }
0x68: {  	[bflag:$0x0] =	sbarrier.arrive $0xFFFF  }
0x69: {  	_ =	strace $0x9000004D  }
0x6a: {  	s0 =	stileid.u32;
	[bflag:$0x2] =	sbarrier.arrive $0xFFFF  }
0x6b: {  	p0 =	sne.s32 s0, $0x0;
	s0 =	rddreg [dreg:$0x2]  }
0x6c: {  	s0 =	sadd.s32 @!p0 $0x100000, s0  }
0x6d: {  	[sflag:s0] =	ssyncadd.tile.s32 @!p0 $0x1;
	_ =	shalt  }
.Lfunc_end2:
_tile_overlayer_lowered:
.L_overlay_start_2:
0x6e: {  	(tag) =	ssettag $0x2  }
0x6f: {  	s0 =	rddreg [dreg:$0x0];
	s2 =	stileid.u32  }
0x70: {  	s1 =	rddreg [dreg:$0x1];
	p0 =	sne.s32 s2, $0x0  }
0x71: {  	s3 =	rddreg [dreg:$0x2];
	[bflag:$0x3] =	sbarrier.arrive $0xFFFF;
	s2 =	simm.s32 @!p0 $0x1C07  }
0x72: {  	[timem:s3], [sflag:s2] =	dma.local @!p0 [hbm:s0], s1  }
0x73: {  	s0 =	simm.s32 @!p0 $0x7  }
0x74: {  	_ =	swait.ge @!p0 [sflag:s0], s1  }
0x75: {  	s1 =	ssub.s32 @!p0 $0x0, s1;
	[sflag:s0] =	ssyncset.done @!p0 $0x0  }
0x76: {  	[sflag:s0] =	ssyncadd.s32 @!p0 s1  }
0x77: {  	[bflag:$0x3] =	sbarrier.arrive $0xFFFF  }
0x78: {  	_ =	shalt  }

// kernel: kernel.18.cloned.1.call-start
scs
__scs_entry_jumppad:
0x0: {  	(pc) =	sbr.rel $0x88, $3  }
0x1: {  	(tag) =	ssettag $0x0;
	lr =	simm.s32 $0x1  }
0x2: {  	[smem:$0x3F97] =	sst lr;
	_ =	strace $0xD0000000  }
0x3: {  	_ = 	snop  }
0x4: {  	_ = 	snop  }
0x5: {  	_ = 	snop  }
0x6: {  	_ = 	snop  }
0x7: {  	_ = 	snop  }
__scs_overlays_trampoline_lowered:
0x8: {  	[smem:$0x3FA6] =	sst s0  }
0x9: {  	[smem:$0x3FA7] =	sst s1  }
0xa: {  	[smem:$0x3FA8] =	sst s2  }
0xb: {  	[smem:$0x3FA9] =	sst s3  }
0xc: {  	[smem:$0x3FAA] =	sst s4  }
0xd: {  	[smem:$0x3FAB] =	sst s5  }
0xe: {  	[smem:$0x3FAC] =	sst s6  }
0xf: {  	[smem:$0x3FAD] =	sst s7  }
0x10: {  	[smem:$0x3FAE] =	sst s8  }
0x11: {  	[smem:$0x3FAF] =	sst s9;
	s0 =	simm.s32 @!p0 $0x0  }
0x12: {  	s1 =	sld [smem:$0x3F95];
	s0 =	simm.s32 @p0 $0x1  }
0x13: {  	[smem:$0x3FB0] =	sst s0;
	s0 =	simm.s32 @!p1 $0x0  }
0x14: {  	s2 =	sld [smem:$0x3F94];
	s0 =	simm.s32 @p1 $0x1  }
0x15: {  	[smem:$0x3FB1] =	sst s0;
	s0 =	simm.s32 @!p2 $0x0  }
0x16: {  	s3 =	sld [smem:$0x3FDB];
	s0 =	simm.s32 @p2 $0x1  }
0x17: {  	s4 =	simm.s32 $0x1BF5;
	[smem:$0x3FB3] =	sst s0  }
0x18: {  	s0 =	sld [smem:$0x3F96];
	_ =	swait.ge [sflag:s4], $0x0  }
0x19: {  	s7 =	sld [smem:$0x3F97]  }
0x1a: {  	s8 =	sadd.s32 $0xFFFFE003, lr  }
0x1b: {  	s9 =	sadd.s32 $0xFFFFFEF7, lr;
	s5 =	simm.s32 $0xFFFFFFFF;
	p2 =	slt.u32 s8, $0xFFFFF086  }
0x1c: {  	p1 =	slt.u32 s9, $0xF7A;
	s5 =	simm.s32 @!p2 $0x0  }
0x1d: {  	s5 =	simm.s32 @p1 $0x1;
	p0 =	seq.s32 s7, s2  }
0x1e: {  	s7 =	smul.u32 @!p0 $0xF7A, s2;
	p2 =	seq.s32 @!p0 s5, $0x0  }
0x1f: {  	s9 =	smul.u32 $0xF7A, s1;
	s8 =	simm.s32 @!p0 $0x1BF5;
	p2 =	por !p2, p0  }
0x20: {  	[sflag:s8] =	ssyncset.s32 @!p0 $0xFFFFF086;
	s6 =	sadd.s32 @!p0 s3, s7;
	s7 =	simm.s32 @!p0 $0x108  }
0x21: {  	s3 =	sadd.s32 s3, s9;
	s6 =	sadd.s32 @!p0 $0x88, s6;
	s7 =	simm.s32 @p2 $0x1082  }
0x22: {  	[simem:s7], [sflag:s8] =	dma.local @!p0 [hbm:s6], $0xF7A  }
0x23: {  	s9 =	sor.u32 $0xD0000000, s2;
	s6 =	simm.s32 $0x108;
	_ =	swait.ge @!p0 [sflag:s8], $0x0  }
0x24: {  	s3 =	sadd.s32 $0x88, s3;
	s6 =	simm.s32 @!p1 $0x1082;
	[sflag:s4] =	ssyncset.s32 $0xFFFFF086  }
0x25: {  	[simem:s6], [sflag:s4] =	dma.local [hbm:s3], $0xF7A  }
0x26: {  	[smem:$0x3F97] =	sst s1;
	(tag) =	ssettag s2;
	_ =	strace s9  }
0x27: {  	s1 =	sld [smem:$0x3FA7]  }
0x28: {  	s2 =	sld [smem:$0x3FA8]  }
0x29: {  	s4 =	sld [smem:$0x3FAA]  }
0x2a: {  	p0 =	seq.s32 s5, $0x0;
	s5 =	sld [smem:$0x3FAB]  }
0x2b: {  	s6 =	sld [smem:$0x3FAC]  }
0x2c: {  	s7 =	sld [smem:$0x3FAD]  }
0x2d: {  	s3 =	simm.s32 $0x108;
	s8 =	sld [smem:$0x3FAE]  }
0x2e: {  	s3 =	simm.s32 @!p0 $0x1082;
	s9 =	sld [smem:$0x3FAF]  }
0x2f: {  	lr =	sadd.s32 s0, s3;
	s0 =	sld [smem:$0x3FA6]  }
0x30: {  	s3 =	sld [smem:$0x3FA9]  }
0x31: {  	[smem:$0x3FB2] =	sst s10  }
0x32: {  	s10 =	sld [smem:$0x3FB0];
	_ =	sdelay $0x3  }
0x33: {  	p0 =	seq.s32 s10, $0x1;
	s10 =	sld [smem:$0x3FB2];
	_ =	sdelay $0x3  }
0x34: {  	[smem:$0x3FB2] =	sst s10  }
0x35: {  	s10 =	sld [smem:$0x3FB1];
	_ =	sdelay $0x3  }
0x36: {  	p1 =	seq.s32 s10, $0x1;
	s10 =	sld [smem:$0x3FB2];
	_ =	sdelay $0x3  }
0x37: {  	[smem:$0x3FB2] =	sst s10  }
0x38: {  	s10 =	sld [smem:$0x3FB3]  }
0x39: {  	_ = 	snop;
	(pc) =	sbr.ind lr, $3  }
0x3a: {  	_ = 	snop  }
0x3b: {  	_ = 	snop  }
0x3c: {  	p2 =	seq.s32 s10, $0x1;
	s10 =	sld [smem:$0x3FB2]  }
0x3d: {  	_ =	shalt  }
0x3e: {  	_ =	shalt  }
0x3f: {  	_ =	shalt  }
0x40: {  	_ =	shalt  }
0x41: {  	_ =	shalt  }
0x42: {  	_ =	shalt  }
0x43: {  	_ =	shalt  }
0x44: {  	_ =	shalt  }
0x45: {  	_ =	shalt  }
0x46: {  	_ =	shalt  }
0x47: {  	_ =	shalt  }
0x48: {  	_ =	shalt  }
0x49: {  	_ =	shalt  }
0x4a: {  	_ =	shalt  }
0x4b: {  	_ =	shalt  }
0x4c: {  	_ =	shalt  }
0x4d: {  	_ =	shalt  }
0x4e: {  	_ =	shalt  }
0x4f: {  	_ =	shalt  }
0x50: {  	_ =	shalt  }
0x51: {  	_ =	shalt  }
0x52: {  	_ =	shalt  }
0x53: {  	_ =	shalt  }
0x54: {  	_ =	shalt  }
0x55: {  	_ =	shalt  }
0x56: {  	_ =	shalt  }
0x57: {  	_ =	shalt  }
0x58: {  	_ =	shalt  }
0x59: {  	_ =	shalt  }
0x5a: {  	_ =	shalt  }
0x5b: {  	_ =	shalt  }
0x5c: {  	_ =	shalt  }
0x5d: {  	_ =	shalt  }
0x5e: {  	_ =	shalt  }
0x5f: {  	_ =	shalt  }
0x60: {  	_ =	shalt  }
0x61: {  	_ =	shalt  }
0x62: {  	_ =	shalt  }
0x63: {  	_ =	shalt  }
0x64: {  	_ =	shalt  }
0x65: {  	_ =	shalt  }
0x66: {  	_ =	shalt  }
0x67: {  	_ =	shalt  }
0x68: {  	_ =	shalt  }
0x69: {  	_ =	shalt  }
0x6a: {  	_ =	shalt  }
0x6b: {  	_ =	shalt  }
0x6c: {  	_ =	shalt  }
0x6d: {  	_ =	shalt  }
0x6e: {  	_ =	shalt  }
0x6f: {  	_ =	shalt  }
0x70: {  	_ =	shalt  }
0x71: {  	_ =	shalt  }
0x72: {  	_ =	shalt  }
0x73: {  	_ =	shalt  }
0x74: {  	_ =	shalt  }
0x75: {  	_ =	shalt  }
0x76: {  	_ =	shalt  }
0x77: {  	_ =	shalt  }
0x78: {  	_ =	shalt  }
0x79: {  	_ =	shalt  }
0x7a: {  	_ =	shalt  }
0x7b: {  	_ =	shalt  }
0x7c: {  	_ =	shalt  }
0x7d: {  	_ =	shalt  }
0x7e: {  	_ =	shalt  }
0x7f: {  	_ =	shalt  }
0x80: {  	_ =	shalt  }
0x81: {  	_ =	shalt  }
0x82: {  	_ =	shalt  }
0x83: {  	_ =	shalt  }
0x84: {  	_ =	shalt  }
0x85: {  	_ =	shalt  }
0x86: {  	_ =	shalt  }
0x87: {  	_ =	shalt  }
.Lfunc_end0:
.L_simem_size_0:
called_computation.2_lowered:
.L_overlay_start_0:
0x88: {  	s2 =	sld [smem:$0x3FD9]  }
0x89: {  	s3 =	sld [smem:$0x3FFE];
	_ =	sdelay $0x1  }
0x8a: {  	s1 =	srdreg.scid  }
0x8b: {  	s0 =	sand.u32 $0x1, s1  }
0x8c: {  	s17 =	sshll.u32 s0, $0xA;
	s2 =	sadd.s32 s3, s2  }
0x8d: {  	s2 =	sadd.s32 s2, s17  }
0x8e: {  	[smem:$0x3FBE] =	sst s2  }
0x8f: {  	_ = 	snop  }
0x90: {  	s2 =	sld [smem:$0x3FD0];
	(tm) =	ssettm $0x1  }
0x91: {  	s18 =	sld [smem:$0x3FFB];
	_ =	sdelay $0x3  }
0x92: {  	_ =	strace s18  }
0x93: {  	s3 =	sld [smem:$0x3FFC];
	_ =	sdelay $0x3  }
0x94: {  	_ =	strace s3  }
0x95: {  	s3 =	sld [smem:$0x3FFD];
	_ =	sdelay $0x3  }
0x96: {  	_ =	strace s3  }
0x97: {  	_ =	strace $0x8FFFFFFF  }
0x98: {  	s19 =	sld [smem:$0x3FDB];
	_ =	sdelay $0x1  }
0x99: {  	s4 =	simm.s32 $_scs_section_size  }
0x9a: {  	s5 =	simm.s32 $_size__tile_overlayer_lowered;
	s6 =	simm.s32 $_tile_overlayer_lowered  }
0x9b: {  	s22 =	simm.s32 $0x1BFF;
	s21 =	sshll.u32 s6, $0x1;
	s3 =	sadd.s32 s4, s19  }
0x9c: {  	s7 =	simm.s32 $0x0;
	s20 =	sshll.u32 s5, $0x1;
	s5 =	sadd.s32 s21, s3  }
0x9d: {  	[timem:s7], [sflag:s22] =	dma.local [hbm:s5], s20  }
0x9e: {  	_ =	swait.ge [sflag:s22], s20  }
0x9f: {  	s4 =	ssub.s32 $0x0, s20;
	[sflag:s22] =	ssyncset.done $0x0  }
0xa0: {  	[sflag:s22] =	ssyncadd.s32 s4;
	_ =	sdelay $0x1  }
0xa1: {  	s23 =	simm.s32 $0x1B8B  }
0xa2: {  	_ =	swait.ge [sflag:s23], $0x1  }
0xa3: {  	[sflag:s23] =	ssyncset.done $0x0  }
0xa4: {  	s25 =	simm.s32 $0x1B8E;
	s24 =	sld [smem:$0x3FFE];
	[sflag:s23] =	ssyncadd.s32 $0xFFFFFFFF  }
0xa5: {  	s26 =	simm.s32 $execute0_lowered;
	[smem:$0x3FD2] =	sst s25  }
0xa6: {  	s5 =	sshll.u32 s26, $0x1;
	_ =	strace $0x80000049;
	[dreg:$0x1] =	wrdreg $0xFFFFFFFF  }
0xa7: {  	s28 =	simm.s32 $_size_execute0_lowered;
	s3 =	sadd.s32 s3, s5;
	[dreg:$0x0] =	wrdreg $0x0  }
0xa8: {  	s5 =	sshll.u32 s28, $0x1;
	[dreg:$0x2] =	wrdreg s3  }
0xa9: {  	[dreg:$0x3] =	wrdreg s5  }
0xaa: {  	[dreg:$0x4] =	wrdreg $0xC0  }
0xab: {  	_ =	task [dreg:s7], $0x5FFFF  }
0xac: {  	[dreg:$0x1] =	wrdreg $0xFFFFFFFF  }
0xad: {  	[dreg:$0x0] =	wrdreg $0x60  }
0xae: {  	[dreg:$0x2] =	wrdreg s24  }
0xaf: {  	[dreg:$0x3] =	wrdreg s2  }
0xb0: {  	[dreg:$0x4] =	wrdreg $0x36000  }
0xb1: {  	[dreg:$0x5] =	wrdreg $0xA  }
0xb2: {  	_ =	task.clear_ibuf [dreg:s7], $0x6FFFF;
	_ =	strace $0x90000049  }
0xb3: {  	s29 =	simm.s32 $0xA;
	_ =	strace $0x8000004B  }
0xb4: {  	_ =	swait.ge [sflag:s29], $0x1  }
0xb5: {  	[sflag:s29] =	ssyncadd.s32 $0xFFFFFFFF  }
0xb6: {  	_ =	strace $0x9000004B  }
0xb7: {  	_ =	sfence  }
0xb8: {  	s30 =	sld [smem:$0x0];
	_ =	sdelay $0x2  }
0xb9: {  	s31 =	sshll.u32 s1, $0xD;
	s1 =	sshrl.u32 s1, $0x2  }
0xba: {  	s3 =	sand.u32 $0x4000, s31;
	s1 =	sadd.s32 s1, s30  }
0xbb: {  	s0 =	sor.u32 s3, s0;
	s1 =	sshll.u32 s1, $0x11  }
0xbc: {  	s0 =	sor.u32 s1, s0  }
0xbd: {  	s0 =	sadd.s32 $0x8F2B, s0  }
0xbe: {  	[sflag:s0] =	ssyncadd.remote.s32 $0x1  }
0xbf: {  	_ =	sfence.sel $0xFFFF  }
0xc0: {  	[dreg:$0x0] =	wrdreg $0xFFFFFFFF;
	(pc) =	sbr.abs _section_cstart, $3  }
0xc1: {  	[dreg:$0x1] =	wrdreg $0xFFFFFFFF  }
0xc2: {  	_ =	task.clear_ibuf [dreg:s7], $0x2FFFF;
	_ =	strace $0x9FFFFFFF  }
0xc3: {  	(tm) =	ssettm $0x7FFFFFFF  }
tec
execute0_lowered:
.L_overlay_start_1:
0x0: {  	(tag) =	ssettag $0x1  }
0x1: {  	s0 =	rddreg [dreg:$0x0]  }
0x2: {  	s3 =	rddreg [dreg:$0x2]  }
0x3: {  	s1 =	srdreg.scid;
	s11 =	stileid.u32  }
0x4: {  	s4 =	simm.s32 $0x0;
	s18 =	simm.s32 $0x7;
	s19 =	simm.s32 $0x2A00  }
0x5: {  	s20 =	simm.s32 $0x2E00;
	s21 =	simm.s32 $0x1;
	s29 =	simm.s32 $0x5  }
0x6: {  	s30 =	simm.s32 $0x6;
	s31 =	simm.s32 $0x29C0;
	s5 =	smul.u32 $0x2800, s11  }
0x7: {  	s1 =	sand.u32 $0x1, s1;
	[smem:$0x7FF] =	sst s4;
	s25 =	smul.u32 $0x2A000, s11  }
0x8: {  	s16 =	sadd.s32 $0x56800, s0;
	s2 =	sshll.u32 s1, $0x4;
	s6 =	smul.u32 $0x28000, s1  }
0x9: {  	s8 =	ssub.s32 $0x2, s1;
	s1 =	smul.u32 $0x2A0000, s1;
	s2 =	sor.u32 s11, s2  }
0xa: {  	s23 =	sshll.u32 s11, $0x6;
	_ =	strace $0x8000004A;
	s7 =	smul.u32 $0x540, s2  }
0xb: {  	s9 =	sshrl.u32 s8, $0x1;
	s17 =	sadd.s32 s5, s3;
	s22 =	smul.u32 $0x5400, s2  }
0xc: {  	s6 =	sadd.s32 s5, s6;
	s10 =	ssub.s32 s8, s9;
	s2 =	smul.u32 $0x2A000, s2  }
0xd: {  	s5 =	sor.u32 $0x1C07, s23;
	s28 =	sadd.s32 s25, s1;
	s17 =	sshrl.u32 s17, $0x3  }
0xe: {  	s23 =	simm.s32 $0x3200;
	s25 =	simm.s32 $0x4;
	s6 =	sshrl.u32 s6, $0x3  }
0xf: {  	s10 =	smax.u32 s10, $0x1;
	s1 =	sor.u32 $0x1C00, s28;
	s7 =	sadd.s32 s7, s0  }
0x10: {  	s0 =	sadd.s32 s6, s0;
	s12 =	sor.u32 $0xC00, s2;
	s13 =	sor.u32 $0x1000, s2  }
0x11: {  	s24 =	sshrl.u32 s2, $0x3;
	s2 =	sor.u32 $0x1800, s28;
	s1 =	sshrl.u32 s1, $0x3  }
0x12: {  	s6 =	sadd.s32 $0x3800, s7;
	s7 =	sadd.s32 s16, s22;
	s9 =	sadd.s32 $0xE000, s0  }
0x13: {  	s0 =	sadd.s32 s24, s16;
	s26 =	sshrl.u32 s12, $0x3;
	s13 =	sshrl.u32 s13, $0x3  }
.Ltmp0:
0x14: {  	s2 =	sshrl.u32 s2, $0x3;
	s14 =	sadd.s32 s1, s16;
	(pc) =	sbr.rel .LBB2_1-.Ltmp0, $4  }
0x15: {  	s22 =	simm.s32 $0x40;
	s24 =	simm.s32 $0x2;
	s8 =	sadd.s32 $0x80, s7  }
0x16: {  	s11 =	sadd.s32 $0x100, s0;
	s12 =	sadd.s32 s16, s26;
	s0 =	sor.u32 $0x1400, s28  }
0x17: {  	s13 =	sadd.s32 s16, s13;
	s15 =	sadd.s32 s2, s16;
	s0 =	sshrl.u32 s0, $0x3  }
0x18: {  	s26 =	simm.s32 $0x3;
	s16 =	sadd.s32 s0, s16;
	s0 =	simm.s32 $0x0  }
.LBB2_4:
0x19: {  	_ =	swait.ge [sflag:s26], $0x400  }
0x1a: {  	[sflag:s26] =	ssyncset.done $0x0  }
0x1b: {  	[sflag:s26] =	ssyncadd.s32 $0xFFFFFC00  }
0x1c: {  	[spmem:s3] =	stream.indirect.scatter.add.f32 [tilespmem:s23], [sflag:$0x6], $0x10, s31, s22, $0xb8;
	[tilespmem:$0x5E00] =	vst v63  }
0x1d: {  	_ =	swait.ge [sflag:s25], $0x400  }
0x1e: {  	[sflag:s25] =	ssyncset.done $0x0  }
0x1f: {  	[sflag:s25] =	ssyncadd.s32 $0xFFFFFC00  }
0x20: {  	_ =	swait.ge [sflag:s29], $0x400  }
0x21: {  	[sflag:s29] =	ssyncset.done $0x0  }
0x22: {  	[sflag:s29] =	ssyncadd.s32 $0xFFFFFC00  }
0x23: {  	_ =	swait.ge [sflag:s30], $0x400  }
0x24: {  	s0 =	sadd.s32 $0x1, s0;
	[sflag:s30] =	ssyncset.done $0x0  }
0x25: {  	p0 =	sne.s32 s0, s10;
	[sflag:s30] =	ssyncadd.s32 $0xFFFFFC00  }
.Ltmp1:
0x26: {  	[bflag:$0x0] =	sbarrier.arrive $0xFFFF;
	(pc) =	sbr.rel @!p0 .LBB2_5-.Ltmp1, $4  }
0x27: {  	[hbm:s9], [sflag:s5] =	dma.local [spmem:s17], $0x500  }
0x28: {  	_ =	swait.ge [sflag:s18], $0x500  }
0x29: {  	[sflag:s18] =	ssyncset.done $0x0  }
0x2a: {  	[sflag:s18] =	ssyncadd.s32 $0xFFFFFB00  }
.LBB2_1:
0x2b: {  	s1 =	rddreg [dreg:$0x1]  }
0x2c: {  	[spmem:s17], [sflag:s5] =	dma.local [hbm:s1], $0x500  }
0x2d: {  	_ =	swait.ge [sflag:s18], $0x500  }
0x2e: {  	[sflag:s18] =	ssyncset.done $0x0  }
0x2f: {  	[sflag:s18] =	ssyncadd.s32 $0xFFFFFB00  }
0x30: {  	[bflag:$0x0] =	sbarrier.arrive $0xFFFF  }
0x31: {  	[tilespmem:s4], [sflag:$0x7] =	stream.linear.gather [hbm4b:s6+s4], $0x2A00, $0x38;
	[tilespmem:$0x5E00] =	vst v63  }
0x32: {  	_ =	swait.ge [sflag:s18], $0x2A00  }
0x33: {  	[sflag:s18] =	ssyncset.done $0x0  }
0x34: {  	[sflag:s18] =	ssyncadd.s32 $0xFFFFD600  }
0x35: {  	[tilespmem:s19], [sflag:$0x1] =	stream.linear.gather [hbm4b:s7+s4], $0x400, $0x38;
	[tilespmem:$0x5E00] =	vst v63  }
0x36: {  	_ = 	snop  }
0x37: {  	[tilespmem:s20], [sflag:$0x2] =	stream.linear.gather [hbm4b:s8+s4], $0x400, $0x38;
	[tilespmem:$0x5E00] =	vst v63  }
0x38: {  	_ =	swait.ge [sflag:s21], $0x400  }
0x39: {  	[sflag:s21] =	ssyncset.done $0x0  }
0x3a: {  	[sflag:s21] =	ssyncadd.s32 $0xFFFFFC00  }
0x3b: {  	[spmem:s3] =	stream.indirect.scatter.add.f32 [tilespmem:s19], [sflag:$0x4], $0x10, s4, s22, $0xb8;
	[tilespmem:$0x5E00] =	vst v63  }
0x3c: {  	_ = 	snop  }
0x3d: {  	[tilespmem:s23], [sflag:$0x3] =	stream.linear.gather [hbm4b:s11+s4], $0x400, $0x38;
	[tilespmem:$0x5E00] =	vst v63  }
0x3e: {  	_ =	swait.ge [sflag:s24], $0x400  }
0x3f: {  	[sflag:s24] =	ssyncset.done $0x0  }
0x40: {  	[sflag:s24] =	ssyncadd.s32 $0xFFFFFC00  }
0x41: {  	[spmem:s3] =	stream.indirect.scatter.add.f32 [tilespmem:s20], [sflag:$0x5], $0x10, s22, s22, $0xb8;
	[tilespmem:$0x5E00] =	vst v63  }
0x42: {  	_ =	swait.ge [sflag:s25], $0x400  }
0x43: {  	[sflag:s25] =	ssyncset.done $0x0  }
0x44: {  	[sflag:s25] =	ssyncadd.s32 $0xFFFFFC00  }
0x45: {  	[tilespmem:s19], [sflag:$0x1] =	stream.linear.gather [hbm4b:s12+s4], $0x400, $0x38;
	[tilespmem:$0x5E00] =	vst v63  }
0x46: {  	_ =	swait.ge [sflag:s26], $0x400  }
0x47: {  	[sflag:s26] =	ssyncset.done $0x0  }
0x48: {  	s28 =	simm.s32 $0x80;
	[sflag:s26] =	ssyncadd.s32 $0xFFFFFC00  }
0x49: {  	[spmem:s3] =	stream.indirect.scatter.add.f32 [tilespmem:s23], [sflag:$0x6], $0x10, s28, s22, $0xb8;
	[tilespmem:$0x5E00] =	vst v63  }
0x4a: {  	_ =	swait.ge [sflag:s29], $0x400  }
0x4b: {  	[sflag:s29] =	ssyncset.done $0x0  }
0x4c: {  	s2 =	simm.s32 $0x0;
	s1 =	simm.s32 $0x140;
	[sflag:s29] =	ssyncadd.s32 $0xFFFFFC00  }
0x4d: {  	[tilespmem:s20], [sflag:$0x2] =	stream.linear.gather [hbm4b:s13+s4], $0x400, $0x38;
	[tilespmem:$0x5E00] =	vst v63  }
.LBB2_2:
0x4e: {  	_ =	swait.ge [sflag:s21], $0x400  }
0x4f: {  	[sflag:s21] =	ssyncset.done $0x0  }
0x50: {  	s28 =	sadd.s32 $0xFFFFFF80, s1;
	[sflag:s21] =	ssyncadd.s32 $0xFFFFFC00  }
0x51: {  	[spmem:s3] =	stream.indirect.scatter.add.f32 [tilespmem:s19], [sflag:$0x4], $0x10, s28, s22, $0xb8;
	[tilespmem:$0x5E00] =	vst v63  }
0x52: {  	_ =	swait.ge [sflag:s30], $0x400  }
0x53: {  	[sflag:s30] =	ssyncset.done $0x0  }
0x54: {  	p0 =	seq.s32 s2, $0x5100;
	s28 =	sadd.s32 s2, s16;
	[sflag:s30] =	ssyncadd.s32 $0xFFFFFC00  }
0x55: {  	[tilespmem:s23], [sflag:$0x3] =	stream.linear.gather [hbm4b:s28+s4], $0x400, $0x38;
	[tilespmem:$0x5E00] =	vst v63  }
.Ltmp2:
0x56: {  	_ = 	snop;
	(pc) =	sbr.rel @p0 .LBB2_4-.Ltmp2, $4  }
0x57: {  	_ =	swait.ge [sflag:s24], $0x400  }
0x58: {  	[sflag:s24] =	ssyncset.done $0x0  }
0x59: {  	s28 =	sadd.s32 $0xFFFFFFC0, s1;
	[sflag:s24] =	ssyncadd.s32 $0xFFFFFC00  }
0x5a: {  	[spmem:s3] =	stream.indirect.scatter.add.f32 [tilespmem:s20], [sflag:$0x5], $0x10, s28, s22, $0xb8;
	[tilespmem:$0x5E00] =	vst v63  }
0x5b: {  	_ =	swait.ge [sflag:s25], $0x400  }
0x5c: {  	[sflag:s25] =	ssyncset.done $0x0  }
0x5d: {  	s28 =	sadd.s32 s2, s15;
	[sflag:s25] =	ssyncadd.s32 $0xFFFFFC00  }
0x5e: {  	[tilespmem:s19], [sflag:$0x1] =	stream.linear.gather [hbm4b:s28+s4], $0x400, $0x38;
	[tilespmem:$0x5E00] =	vst v63  }
0x5f: {  	_ =	swait.ge [sflag:s26], $0x400  }
0x60: {  	[sflag:s26] =	ssyncset.done $0x0  }
0x61: {  	[sflag:s26] =	ssyncadd.s32 $0xFFFFFC00  }
0x62: {  	[spmem:s3] =	stream.indirect.scatter.add.f32 [tilespmem:s23], [sflag:$0x6], $0x10, s1, s22, $0xb8;
	[tilespmem:$0x5E00] =	vst v63  }
.Ltmp3:
0x63: {  	_ = 	snop;
	(pc) =	sbr.rel .LBB2_2-.Ltmp3, $4  }
0x64: {  	_ =	swait.ge [sflag:s29], $0x400  }
0x65: {  	s28 =	sadd.s32 s2, s14;
	[sflag:s29] =	ssyncset.done $0x0  }
0x66: {  	s2 =	sadd.s32 $0x180, s2;
	s1 =	sadd.s32 $0xC0, s1;
	[sflag:s29] =	ssyncadd.s32 $0xFFFFFC00  }
0x67: {  	[tilespmem:s20], [sflag:$0x2] =	stream.linear.gather [hbm4b:s28+s4], $0x400, $0x38;
	[tilespmem:$0x5E00] =	vst v63  }
.LBB2_5:
0x68: {  	_ =	sfence.sel $0x180000  }
0x69: {  	[bflag:$0x0] =	sbarrier.arrive $0xFFFF  }
0x6a: {  	_ =	strace $0x9000004A  }
0x6b: {  	s0 =	stileid.u32;
	[bflag:$0x2] =	sbarrier.arrive $0xFFFF  }
0x6c: {  	p0 =	sne.s32 s0, $0x0;
	s0 =	rddreg [dreg:$0x3]  }
0x6d: {  	s0 =	sadd.s32 @!p0 $0x100000, s0  }
0x6e: {  	[sflag:s0] =	ssyncadd.tile.s32 @!p0 $0x1;
	_ =	shalt  }
.Lfunc_end2:
_tile_overlayer_lowered:
.L_overlay_start_2:
0x6f: {  	(tag) =	ssettag $0x2  }
0x70: {  	s0 =	rddreg [dreg:$0x0];
	s2 =	stileid.u32  }
0x71: {  	s1 =	rddreg [dreg:$0x1];
	p0 =	sne.s32 s2, $0x0  }
0x72: {  	s3 =	rddreg [dreg:$0x2];
	[bflag:$0x3] =	sbarrier.arrive $0xFFFF;
	s2 =	simm.s32 @!p0 $0x1C07  }
0x73: {  	[timem:s3], [sflag:s2] =	dma.local @!p0 [hbm:s0], s1  }
0x74: {  	s0 =	simm.s32 @!p0 $0x7  }
0x75: {  	_ =	swait.ge @!p0 [sflag:s0], s1  }
0x76: {  	s1 =	ssub.s32 @!p0 $0x0, s1;
	[sflag:s0] =	ssyncset.done @!p0 $0x0  }
0x77: {  	[sflag:s0] =	ssyncadd.s32 @!p0 s1  }
0x78: {  	[bflag:$0x3] =	sbarrier.arrive $0xFFFF  }
0x79: {  	_ =	shalt  }

// kernel: kernel.21.cloned.1.call-start
scs
__scs_entry_jumppad:
0x0: {  	(pc) =	sbr.rel $0x88, $3  }
0x1: {  	(tag) =	ssettag $0x0;
	lr =	simm.s32 $0x1  }
0x2: {  	[smem:$0x3F97] =	sst lr;
	_ =	strace $0xD0000000  }
0x3: {  	_ = 	snop  }
0x4: {  	_ = 	snop  }
0x5: {  	_ = 	snop  }
0x6: {  	_ = 	snop  }
0x7: {  	_ = 	snop  }
__scs_overlays_trampoline_lowered:
0x8: {  	[smem:$0x3FA6] =	sst s0  }
0x9: {  	[smem:$0x3FA7] =	sst s1  }
0xa: {  	[smem:$0x3FA8] =	sst s2  }
0xb: {  	[smem:$0x3FA9] =	sst s3  }
0xc: {  	[smem:$0x3FAA] =	sst s4  }
0xd: {  	[smem:$0x3FAB] =	sst s5  }
0xe: {  	[smem:$0x3FAC] =	sst s6  }
0xf: {  	[smem:$0x3FAD] =	sst s7  }
0x10: {  	[smem:$0x3FAE] =	sst s8  }
0x11: {  	[smem:$0x3FAF] =	sst s9;
	s0 =	simm.s32 @!p0 $0x0  }
0x12: {  	s1 =	sld [smem:$0x3F95];
	s0 =	simm.s32 @p0 $0x1  }
0x13: {  	[smem:$0x3FB0] =	sst s0;
	s0 =	simm.s32 @!p1 $0x0  }
0x14: {  	s2 =	sld [smem:$0x3F94];
	s0 =	simm.s32 @p1 $0x1  }
0x15: {  	[smem:$0x3FB1] =	sst s0;
	s0 =	simm.s32 @!p2 $0x0  }
0x16: {  	s3 =	sld [smem:$0x3FDB];
	s0 =	simm.s32 @p2 $0x1  }
0x17: {  	s4 =	simm.s32 $0x1BF5;
	[smem:$0x3FB3] =	sst s0  }
0x18: {  	s0 =	sld [smem:$0x3F96];
	_ =	swait.ge [sflag:s4], $0x0  }
0x19: {  	s7 =	sld [smem:$0x3F97]  }
0x1a: {  	s8 =	sadd.s32 $0xFFFFE003, lr  }
0x1b: {  	s9 =	sadd.s32 $0xFFFFFEF7, lr;
	s5 =	simm.s32 $0xFFFFFFFF;
	p2 =	slt.u32 s8, $0xFFFFF086  }
0x1c: {  	p1 =	slt.u32 s9, $0xF7A;
	s5 =	simm.s32 @!p2 $0x0  }
0x1d: {  	s5 =	simm.s32 @p1 $0x1;
	p0 =	seq.s32 s7, s2  }
0x1e: {  	s7 =	smul.u32 @!p0 $0xF7A, s2;
	p2 =	seq.s32 @!p0 s5, $0x0  }
0x1f: {  	s9 =	smul.u32 $0xF7A, s1;
	s8 =	simm.s32 @!p0 $0x1BF5;
	p2 =	por !p2, p0  }
0x20: {  	[sflag:s8] =	ssyncset.s32 @!p0 $0xFFFFF086;
	s6 =	sadd.s32 @!p0 s3, s7;
	s7 =	simm.s32 @!p0 $0x108  }
0x21: {  	s3 =	sadd.s32 s3, s9;
	s6 =	sadd.s32 @!p0 $0x88, s6;
	s7 =	simm.s32 @p2 $0x1082  }
0x22: {  	[simem:s7], [sflag:s8] =	dma.local @!p0 [hbm:s6], $0xF7A  }
0x23: {  	s9 =	sor.u32 $0xD0000000, s2;
	s6 =	simm.s32 $0x108;
	_ =	swait.ge @!p0 [sflag:s8], $0x0  }
0x24: {  	s3 =	sadd.s32 $0x88, s3;
	s6 =	simm.s32 @!p1 $0x1082;
	[sflag:s4] =	ssyncset.s32 $0xFFFFF086  }
0x25: {  	[simem:s6], [sflag:s4] =	dma.local [hbm:s3], $0xF7A  }
0x26: {  	[smem:$0x3F97] =	sst s1;
	(tag) =	ssettag s2;
	_ =	strace s9  }
0x27: {  	s1 =	sld [smem:$0x3FA7]  }
0x28: {  	s2 =	sld [smem:$0x3FA8]  }
0x29: {  	s4 =	sld [smem:$0x3FAA]  }
0x2a: {  	p0 =	seq.s32 s5, $0x0;
	s5 =	sld [smem:$0x3FAB]  }
0x2b: {  	s6 =	sld [smem:$0x3FAC]  }
0x2c: {  	s7 =	sld [smem:$0x3FAD]  }
0x2d: {  	s3 =	simm.s32 $0x108;
	s8 =	sld [smem:$0x3FAE]  }
0x2e: {  	s3 =	simm.s32 @!p0 $0x1082;
	s9 =	sld [smem:$0x3FAF]  }
0x2f: {  	lr =	sadd.s32 s0, s3;
	s0 =	sld [smem:$0x3FA6]  }
0x30: {  	s3 =	sld [smem:$0x3FA9]  }
0x31: {  	[smem:$0x3FB2] =	sst s10  }
0x32: {  	s10 =	sld [smem:$0x3FB0];
	_ =	sdelay $0x3  }
0x33: {  	p0 =	seq.s32 s10, $0x1;
	s10 =	sld [smem:$0x3FB2];
	_ =	sdelay $0x3  }
0x34: {  	[smem:$0x3FB2] =	sst s10  }
0x35: {  	s10 =	sld [smem:$0x3FB1];
	_ =	sdelay $0x3  }
0x36: {  	p1 =	seq.s32 s10, $0x1;
	s10 =	sld [smem:$0x3FB2];
	_ =	sdelay $0x3  }
0x37: {  	[smem:$0x3FB2] =	sst s10  }
0x38: {  	s10 =	sld [smem:$0x3FB3]  }
0x39: {  	_ = 	snop;
	(pc) =	sbr.ind lr, $3  }
0x3a: {  	_ = 	snop  }
0x3b: {  	_ = 	snop  }
0x3c: {  	p2 =	seq.s32 s10, $0x1;
	s10 =	sld [smem:$0x3FB2]  }
0x3d: {  	_ =	shalt  }
0x3e: {  	_ =	shalt  }
0x3f: {  	_ =	shalt  }
0x40: {  	_ =	shalt  }
0x41: {  	_ =	shalt  }
0x42: {  	_ =	shalt  }
0x43: {  	_ =	shalt  }
0x44: {  	_ =	shalt  }
0x45: {  	_ =	shalt  }
0x46: {  	_ =	shalt  }
0x47: {  	_ =	shalt  }
0x48: {  	_ =	shalt  }
0x49: {  	_ =	shalt  }
0x4a: {  	_ =	shalt  }
0x4b: {  	_ =	shalt  }
0x4c: {  	_ =	shalt  }
0x4d: {  	_ =	shalt  }
0x4e: {  	_ =	shalt  }
0x4f: {  	_ =	shalt  }
0x50: {  	_ =	shalt  }
0x51: {  	_ =	shalt  }
0x52: {  	_ =	shalt  }
0x53: {  	_ =	shalt  }
0x54: {  	_ =	shalt  }
0x55: {  	_ =	shalt  }
0x56: {  	_ =	shalt  }
0x57: {  	_ =	shalt  }
0x58: {  	_ =	shalt  }
0x59: {  	_ =	shalt  }
0x5a: {  	_ =	shalt  }
0x5b: {  	_ =	shalt  }
0x5c: {  	_ =	shalt  }
0x5d: {  	_ =	shalt  }
0x5e: {  	_ =	shalt  }
0x5f: {  	_ =	shalt  }
0x60: {  	_ =	shalt  }
0x61: {  	_ =	shalt  }
0x62: {  	_ =	shalt  }
0x63: {  	_ =	shalt  }
0x64: {  	_ =	shalt  }
0x65: {  	_ =	shalt  }
0x66: {  	_ =	shalt  }
0x67: {  	_ =	shalt  }
0x68: {  	_ =	shalt  }
0x69: {  	_ =	shalt  }
0x6a: {  	_ =	shalt  }
0x6b: {  	_ =	shalt  }
0x6c: {  	_ =	shalt  }
0x6d: {  	_ =	shalt  }
0x6e: {  	_ =	shalt  }
0x6f: {  	_ =	shalt  }
0x70: {  	_ =	shalt  }
0x71: {  	_ =	shalt  }
0x72: {  	_ =	shalt  }
0x73: {  	_ =	shalt  }
0x74: {  	_ =	shalt  }
0x75: {  	_ =	shalt  }
0x76: {  	_ =	shalt  }
0x77: {  	_ =	shalt  }
0x78: {  	_ =	shalt  }
0x79: {  	_ =	shalt  }
0x7a: {  	_ =	shalt  }
0x7b: {  	_ =	shalt  }
0x7c: {  	_ =	shalt  }
0x7d: {  	_ =	shalt  }
0x7e: {  	_ =	shalt  }
0x7f: {  	_ =	shalt  }
0x80: {  	_ =	shalt  }
0x81: {  	_ =	shalt  }
0x82: {  	_ =	shalt  }
0x83: {  	_ =	shalt  }
0x84: {  	_ =	shalt  }
0x85: {  	_ =	shalt  }
0x86: {  	_ =	shalt  }
0x87: {  	_ =	shalt  }
.Lfunc_end0:
.L_simem_size_0:
called_computation.3_lowered:
.L_overlay_start_0:
0x88: {  	s2 =	sld [smem:$0x3FD9]  }
0x89: {  	s3 =	sld [smem:$0x3FFE];
	_ =	sdelay $0x1  }
0x8a: {  	s1 =	srdreg.scid  }
0x8b: {  	s0 =	sand.u32 $0x1, s1  }
0x8c: {  	s16 =	sshll.u32 s0, $0xA;
	s2 =	sadd.s32 s3, s2  }
0x8d: {  	s2 =	sadd.s32 s2, s16  }
0x8e: {  	[smem:$0x3FBE] =	sst s2  }
0x8f: {  	_ = 	snop  }
0x90: {  	(tm) =	ssettm $0x1  }
0x91: {  	s17 =	sld [smem:$0x3FFB];
	_ =	sdelay $0x3  }
0x92: {  	_ =	strace s17  }
0x93: {  	s2 =	sld [smem:$0x3FFC];
	_ =	sdelay $0x3  }
0x94: {  	_ =	strace s2  }
0x95: {  	s2 =	sld [smem:$0x3FFD];
	_ =	sdelay $0x3  }
0x96: {  	_ =	strace s2  }
0x97: {  	_ =	strace $0x8FFFFFFF  }
0x98: {  	s18 =	sld [smem:$0x3FDB];
	_ =	sdelay $0x1  }
0x99: {  	s19 =	simm.s32 $_scs_section_size  }
0x9a: {  	s4 =	simm.s32 $_size__tile_overlayer_lowered;
	s5 =	simm.s32 $_tile_overlayer_lowered  }
0x9b: {  	s22 =	simm.s32 $0x1BFF;
	s21 =	sshll.u32 s5, $0x1;
	s2 =	sadd.s32 s19, s18  }
0x9c: {  	s6 =	simm.s32 $0x0;
	s20 =	sshll.u32 s4, $0x1;
	s4 =	sadd.s32 s21, s2  }
0x9d: {  	[timem:s6], [sflag:s22] =	dma.local [hbm:s4], s20  }
0x9e: {  	_ =	swait.ge [sflag:s22], s20  }
0x9f: {  	s3 =	ssub.s32 $0x0, s20;
	[sflag:s22] =	ssyncset.done $0x0  }
0xa0: {  	[sflag:s22] =	ssyncadd.s32 s3;
	_ =	sdelay $0x1  }
0xa1: {  	s23 =	simm.s32 $0x1B8B  }
0xa2: {  	_ =	swait.ge [sflag:s23], $0x1  }
0xa3: {  	[sflag:s23] =	ssyncset.done $0x0  }
0xa4: {  	s25 =	simm.s32 $0x1B8E;
	s24 =	sld [smem:$0x3FFE];
	[sflag:s23] =	ssyncadd.s32 $0xFFFFFFFF  }
0xa5: {  	s26 =	simm.s32 $execute0_lowered;
	[smem:$0x3FD2] =	sst s25  }
0xa6: {  	s4 =	sshll.u32 s26, $0x1;
	_ =	strace $0x8000004F;
	[dreg:$0x1] =	wrdreg $0xFFFFFFFF  }
0xa7: {  	s28 =	simm.s32 $_size_execute0_lowered;
	s2 =	sadd.s32 s2, s4;
	[dreg:$0x0] =	wrdreg $0x0  }
0xa8: {  	s4 =	sshll.u32 s28, $0x1;
	[dreg:$0x2] =	wrdreg s2  }
0xa9: {  	[dreg:$0x3] =	wrdreg s4  }
0xaa: {  	[dreg:$0x4] =	wrdreg $0xC0  }
0xab: {  	_ =	task [dreg:s6], $0x5FFFF  }
0xac: {  	[dreg:$0x1] =	wrdreg $0xFFFFFFFF  }
0xad: {  	[dreg:$0x0] =	wrdreg $0x60  }
0xae: {  	[dreg:$0x2] =	wrdreg s24  }
0xaf: {  	[dreg:$0x3] =	wrdreg $0x9  }
0xb0: {  	_ =	task.clear_ibuf [dreg:s6], $0x4FFFF;
	_ =	strace $0x9000004F  }
0xb1: {  	s29 =	simm.s32 $0x9;
	_ =	strace $0x80000051  }
0xb2: {  	_ =	swait.ge [sflag:s29], $0x1  }
0xb3: {  	[sflag:s29] =	ssyncadd.s32 $0xFFFFFFFF  }
0xb4: {  	_ =	strace $0x90000051  }
0xb5: {  	_ =	sfence  }
0xb6: {  	s30 =	sld [smem:$0x0];
	_ =	sdelay $0x2  }
0xb7: {  	s31 =	sshll.u32 s1, $0xD;
	s1 =	sshrl.u32 s1, $0x2  }
0xb8: {  	s3 =	sand.u32 $0x4000, s31;
	s1 =	sadd.s32 s1, s30  }
0xb9: {  	s0 =	sor.u32 s3, s0;
	s1 =	sshll.u32 s1, $0x11  }
0xba: {  	s0 =	sor.u32 s1, s0  }
0xbb: {  	s0 =	sadd.s32 $0x8F2B, s0  }
0xbc: {  	[sflag:s0] =	ssyncadd.remote.s32 $0x1  }
0xbd: {  	_ =	sfence.sel $0xFFFF  }
0xbe: {  	[dreg:$0x0] =	wrdreg $0xFFFFFFFF;
	(pc) =	sbr.abs _section_cstart, $3  }
0xbf: {  	[dreg:$0x1] =	wrdreg $0xFFFFFFFF  }
0xc0: {  	_ =	task.clear_ibuf [dreg:s6], $0x2FFFF;
	_ =	strace $0x9FFFFFFF  }
0xc1: {  	(tm) =	ssettm $0x7FFFFFFF  }
tec
execute0_lowered:
.L_overlay_start_1:
0x0: {  	(tag) =	ssettag $0x1  }
0x1: {  	s0 =	srdreg.scid  }
0x2: {  	s4 =	stileid.u32;
	s5 =	rddreg [dreg:$0x0]  }
0x3: {  	s2 =	simm.s32 $0x0;
	s12 =	simm.s32 $0xD;
	s14 =	simm.s32 $0x80  }
0x4: {  	s15 =	simm.s32 $0x5400;
	s16 =	simm.s32 $0x5C00;
	s28 =	simm.s32 $0x8  }
0x5: {  	s30 =	simm.s32 $0xA;
	s31 =	simm.s32 $0xB;
	s0 =	sand.u32 $0x1, s0  }
0x6: {  	[smem:$0x7FF] =	sst s2;
	s3 =	sadd.s32 $0x13000, s5;
	s7 =	smul.u32 $0x2A000, s4  }
0x7: {  	s8 =	sadd.s32 $0x23800, s5;
	s1 =	sshll.u32 s0, $0x4;
	s6 =	smul.u32 $0x2A0000, s0  }
0x8: {  	_ =	strace $0x80000050;
	s0 =	ssub.s32 $0x2, s0;
	s1 =	sor.u32 s4, s1  }
0x9: {  	s4 =	sadd.s32 $0xE000, s5;
	s18 =	sshrl.u32 s0, $0x1;
	s1 =	smul.u32 $0x540, s1  }
0xa: {  	s6 =	sadd.s32 s7, s6;
	s0 =	ssub.s32 s0, s18;
	s18 =	simm.s32 $0x6400  }
0xb: {  	s20 =	sshrl.u32 s6, $0x3;
	s0 =	smax.u32 s0, $0x1;
	s22 =	sor.u32 $0x1000, s6  }
0xc: {  	s23 =	sor.u32 $0x1800, s6;
	s24 =	sor.u32 $0x800, s6;
	s1 =	sadd.s32 s1, s5  }
0xd: {  	[dreg:$0x4] =	wrdreg s0;
	s21 =	sadd.s32 s20, s8;
	s0 =	sshrl.u32 s22, $0x3  }
0xe: {  	s25 =	sshrl.u32 s24, $0x3;
	s20 =	simm.s32 $0x5;
	s22 =	simm.s32 $0x6C00  }
0xf: {  	s24 =	simm.s32 $0x3;
	s19 =	sadd.s32 $0x19000, s1;
	[dreg:$0x5] =	wrdreg s21  }
0x10: {  	s1 =	sadd.s32 $0x3800, s1;
	s0 =	sadd.s32 s0, s8;
	[dreg:$0x2] =	wrdreg s19  }
.Ltmp0:
0x11: {  	s29 =	sadd.s32 s25, s8;
	[dreg:$0x3] =	wrdreg s1;
	(pc) =	sbr.rel .LBB2_1-.Ltmp0, $4  }
0x12: {  	s21 =	simm.s32 $0x2;
	s25 =	simm.s32 $0x7;
	[dreg:$0x6] =	wrdreg s0  }
0x13: {  	s1 =	sshrl.u32 s23, $0x3;
	[dreg:$0x8] =	wrdreg s29;
	s19 =	simm.s32 $0x1  }
0x14: {  	s23 =	simm.s32 $0x6;
	s0 =	simm.s32 $0x0;
	s26 =	sadd.s32 s1, s8  }
0x15: {  	s1 =	simm.s32 $0xC;
	[dreg:$0x7] =	wrdreg s26;
	s26 =	simm.s32 $0x4  }
.LBB2_4:
0x16: {  	s5 =	simm.s32 $0x9  }
0x17: {  	_ =	swait.ge [sflag:s5], $0x800  }
0x18: {  	[sflag:s5] =	ssyncset.done $0x0  }
0x19: {  	[sflag:s5] =	ssyncadd.s32 $0xFFFFF800  }
0x1a: {  	_ =	swait.ge [sflag:s30], $0x800  }
0x1b: {  	[sflag:s30] =	ssyncset.done $0x0  }
0x1c: {  	[sflag:s30] =	ssyncadd.s32 $0xFFFFF800  }
0x1d: {  	_ =	swait.ge [sflag:s31], $0x800  }
0x1e: {  	[sflag:s31] =	ssyncset.done $0x0  }
0x1f: {  	[sflag:s31] =	ssyncadd.s32 $0xFFFFF800  }
0x20: {  	_ =	swait.ge [sflag:s1], $0x800  }
0x21: {  	s0 =	sadd.s32 $0x1, s0;
	s29 =	rddreg [dreg:$0x4]  }
0x22: {  	p0 =	sne.s32 s0, s29  }
.Ltmp1:
0x23: {  	_ = 	snop;
	(pc) =	sbr.rel @!p0 .LBB2_5-.Ltmp1, $3  }
0x24: {  	_ =	sdelay $0x1  }
0x25: {  	[sflag:s1] =	ssyncset.done $0x0  }
0x26: {  	[sflag:s1] =	ssyncadd.s32 $0xFFFFF800  }
.LBB2_1:
0x27: {  	s5 =	rddreg [dreg:$0x2]  }
0x28: {  	[tilespmem:s2], [sflag:$0xD] =	stream.linear.gather [hbm4b:s5+s2], $0x2A00, $0x38;
	[tilespmem:$0x7400] =	vst v63  }
0x29: {  	_ =	swait.ge [sflag:s12], $0x2A00  }
0x2a: {  	[sflag:s12] =	ssyncset.done $0x0  }
0x2b: {  	s6 =	simm.s32 $0x2A00;
	s17 =	rddreg [dreg:$0x3];
	[sflag:s12] =	ssyncadd.s32 $0xFFFFD600  }
0x2c: {  	[tilespmem:s6], [sflag:$0xD] =	stream.linear.gather [hbm4b:s17+s2], $0x2A00, $0x38;
	[tilespmem:$0x7400] =	vst v63  }
0x2d: {  	_ =	swait.ge [sflag:s12], $0x2A00  }
0x2e: {  	[sflag:s12] =	ssyncset.done $0x0  }
0x2f: {  	[sflag:s12] =	ssyncadd.s32 $0xFFFFD600  }
0x30: {  	[tilespmem:s15], [sflag:$0x1] =	stream.indirect.gather [hbm4b:s3+s14], $0x10, s2, s14, $0xb8;
	[tilespmem:$0x7400] =	vst v63  }
0x31: {  	_ = 	snop  }
0x32: {  	[tilespmem:s16], [sflag:$0x2] =	stream.indirect.gather [hbm4b:s3+s14], $0x10, s14, s14, $0xb8;
	[tilespmem:$0x7400] =	vst v63  }
0x33: {  	s29 =	simm.s32 $0x100  }
0x34: {  	[tilespmem:s18], [sflag:$0x3] =	stream.indirect.gather [hbm4b:s3+s14], $0x10, s29, s14, $0xb8;
	[tilespmem:$0x7400] =	vst v63  }
0x35: {  	_ =	swait.ge [sflag:s19], $0x800  }
0x36: {  	s11 =	rddreg [dreg:$0x8]  }
0x37: {  	s10 =	rddreg [dreg:$0x7]  }
0x38: {  	[sflag:s19] =	ssyncset.done $0x0;
	s9 =	rddreg [dreg:$0x6]  }
0x39: {  	s7 =	simm.s32 $0x0;
	s8 =	rddreg [dreg:$0x5];
	[sflag:s19] =	ssyncadd.s32 $0xFFFFF800  }
0x3a: {  	[tilespmem:s15], [sflag:$0x5] =	stream.indirect.gather.add.f32 [hbm:s4], $0x10, s6, s14, $0xb8;
	[tilespmem:$0x7400] =	vst v63  }
.LBB2_2:
0x3b: {  	_ =	swait.ge [sflag:s20], $0x800  }
0x3c: {  	[sflag:s20] =	ssyncset.done $0x0  }
0x3d: {  	[sflag:s20] =	ssyncadd.s32 $0xFFFFF800  }
0x3e: {  	[hbm4b:s8+s2] =	stream.linear.scatter [tilespmem:s15], [sflag:$0x9], $0x800, $0x38;
	[tilespmem:$0x7400] =	vst v63  }
0x3f: {  	_ =	swait.ge [sflag:s21], $0x800  }
0x40: {  	s13 =	sshra.s32 s7, $0x2;
	[sflag:s21] =	ssyncset.done $0x0  }
0x41: {  	p0 =	seq.s32 s7, $0x0;
	s6 =	sadd.s32 $0x2A80, s13;
	[sflag:s21] =	ssyncadd.s32 $0xFFFFF800  }
0x42: {  	[tilespmem:s16], [sflag:$0x6] =	stream.indirect.gather.add.f32 [hbm:s4], $0x10, s6, s14, $0xb8;
	[tilespmem:$0x7400] =	vst v63  }
0x43: {  	s6 =	simm.s32 @!p0 $0xC  }
0x44: {  	_ =	swait.ge @!p0 [sflag:s6], $0x800  }
0x45: {  	[sflag:s6] =	ssyncset.done @!p0 $0x0  }
0x46: {  	s5 =	sadd.s32 $0x180, s13;
	[sflag:s6] =	ssyncadd.s32 @!p0 $0xFFFFF800  }
0x47: {  	[tilespmem:s22], [sflag:$0x4] =	stream.indirect.gather [hbm4b:s3+s14], $0x10, s5, s14, $0xb8;
	[tilespmem:$0x7400] =	vst v63  }
0x48: {  	_ =	swait.ge [sflag:s23], $0x800  }
0x49: {  	[sflag:s23] =	ssyncset.done $0x0  }
0x4a: {  	[sflag:s23] =	ssyncadd.s32 $0xFFFFF800  }
0x4b: {  	[hbm4b:s11+s2] =	stream.linear.scatter [tilespmem:s16], [sflag:$0xA], $0x800, $0x38;
	[tilespmem:$0x7400] =	vst v63  }
0x4c: {  	_ =	swait.ge [sflag:s24], $0x800  }
0x4d: {  	p0 =	seq.s32 s7, $0xA000;
	[sflag:s24] =	ssyncset.done $0x0  }
0x4e: {  	s17 =	sadd.s32 $0x2B00, s13;
	s6 =	simm.s32 @!p0 $0x9;
	[sflag:s24] =	ssyncadd.s32 $0xFFFFF800  }
0x4f: {  	[tilespmem:s18], [sflag:$0x7] =	stream.indirect.gather.add.f32 [hbm:s4], $0x10, s17, s14, $0xb8;
	[tilespmem:$0x7400] =	vst v63  }
0x50: {  	_ =	swait.ge @!p0 [sflag:s6], $0x800  }
0x51: {  	[sflag:s6] =	ssyncset.done @!p0 $0x0  }
0x52: {  	[sflag:s6] =	ssyncadd.s32 @!p0 $0xFFFFF800;
	s6 =	sshra.s32 @!p0 s7, $0x2  }
0x53: {  	s29 =	simm.s32 @!p0 $0x5400;
	s17 =	simm.s32 @!p0 $0x80;
	s5 =	sadd.s32 @!p0 $0x200, s6  }
0x54: {  	[tilespmem:s29], [sflag:$0x1] =	stream.indirect.gather @!p0 [hbm4b:s3+s17], $0x10, s5, s17, $0xb8;
	[tilespmem:$0x7400] =	vst v63  }
0x55: {  	_ =	swait.ge [sflag:s25], $0x800  }
0x56: {  	[sflag:s25] =	ssyncset.done $0x0  }
0x57: {  	[sflag:s25] =	ssyncadd.s32 $0xFFFFF800  }
0x58: {  	[hbm4b:s9+s2] =	stream.linear.scatter [tilespmem:s18], [sflag:$0xB], $0x800, $0x38;
	[tilespmem:$0x7400] =	vst v63  }
0x59: {  	_ =	swait.ge [sflag:s26], $0x800  }
0x5a: {  	[sflag:s26] =	ssyncset.done $0x0  }
0x5b: {  	s29 =	sadd.s32 $0x2B80, s13;
	s5 =	simm.s32 @!p0 $0xA;
	[sflag:s26] =	ssyncadd.s32 $0xFFFFF800  }
0x5c: {  	[tilespmem:s22], [sflag:$0x8] =	stream.indirect.gather.add.f32 [hbm:s4], $0x10, s29, s14, $0xb8;
	[tilespmem:$0x7400] =	vst v63  }
0x5d: {  	_ =	swait.ge @!p0 [sflag:s5], $0x800  }
0x5e: {  	[sflag:s5] =	ssyncset.done @!p0 $0x0  }
0x5f: {  	[sflag:s5] =	ssyncadd.s32 @!p0 $0xFFFFF800;
	s5 =	sadd.s32 @!p0 $0x280, s6;
	s6 =	simm.s32 @!p0 $0x5C00  }
0x60: {  	[tilespmem:s6], [sflag:$0x2] =	stream.indirect.gather @!p0 [hbm4b:s3+s17], $0x10, s5, s17, $0xb8;
	[tilespmem:$0x7400] =	vst v63  }
.Ltmp2:
0x61: {  	_ = 	snop;
	(pc) =	sbr.rel @p0 .LBB2_4-.Ltmp2, $4  }
0x62: {  	_ =	swait.ge [sflag:s28], $0x800  }
0x63: {  	[sflag:s28] =	ssyncset.done $0x0  }
0x64: {  	[sflag:s28] =	ssyncadd.s32 $0xFFFFF800  }
0x65: {  	[hbm4b:s10+s2] =	stream.linear.scatter [tilespmem:s22], [sflag:$0xC], $0x800, $0x38;
	[tilespmem:$0x7400] =	vst v63  }
0x66: {  	_ =	swait.ge [sflag:s19], $0x800  }
0x67: {  	[sflag:s19] =	ssyncset.done $0x0  }
0x68: {  	s5 =	sadd.s32 $0x2C00, s13;
	[sflag:s19] =	ssyncadd.s32 $0xFFFFF800  }
0x69: {  	[tilespmem:s15], [sflag:$0x5] =	stream.indirect.gather.add.f32 [hbm:s4], $0x10, s5, s14, $0xb8;
	[tilespmem:$0x7400] =	vst v63  }
.Ltmp3:
0x6a: {  	_ = 	snop;
	(pc) =	sbr.rel .LBB2_2-.Ltmp3, $4  }
0x6b: {  	s29 =	sadd.s32 $0x300, s13;
	s7 =	sadd.s32 $0x800, s7;
	_ =	swait.ge [sflag:s31], $0x800  }
0x6c: {  	s8 =	sadd.s32 $0x400, s8;
	s9 =	sadd.s32 $0x400, s9;
	[sflag:s31] =	ssyncset.done $0x0  }
0x6d: {  	s10 =	sadd.s32 $0x400, s10;
	s11 =	sadd.s32 $0x400, s11;
	[sflag:s31] =	ssyncadd.s32 $0xFFFFF800  }
0x6e: {  	[tilespmem:s18], [sflag:$0x3] =	stream.indirect.gather [hbm4b:s3+s14], $0x10, s29, s14, $0xb8;
	[tilespmem:$0x7400] =	vst v63  }
.LBB2_5:
0x6f: {  	_ =	sfence.sel $0x180000  }
0x70: {  	[bflag:$0x0] =	sbarrier.arrive $0xFFFF  }
0x71: {  	_ =	strace $0x90000050  }
0x72: {  	s0 =	stileid.u32;
	[bflag:$0x2] =	sbarrier.arrive $0xFFFF  }
0x73: {  	p0 =	sne.s32 s0, $0x0;
	s0 =	rddreg [dreg:$0x1]  }
0x74: {  	s0 =	sadd.s32 @!p0 $0x100000, s0  }
0x75: {  	[sflag:s0] =	ssyncadd.tile.s32 @!p0 $0x1;
	_ =	shalt  }
.Lfunc_end2:
_tile_overlayer_lowered:
.L_overlay_start_2:
0x76: {  	(tag) =	ssettag $0x2  }
0x77: {  	s0 =	rddreg [dreg:$0x0];
	s2 =	stileid.u32  }
0x78: {  	s1 =	rddreg [dreg:$0x1];
	p0 =	sne.s32 s2, $0x0  }
0x79: {  	s3 =	rddreg [dreg:$0x2];
	[bflag:$0x3] =	sbarrier.arrive $0xFFFF;
	s2 =	simm.s32 @!p0 $0x1C0D  }
0x7a: {  	[timem:s3], [sflag:s2] =	dma.local @!p0 [hbm:s0], s1  }
0x7b: {  	s0 =	simm.s32 @!p0 $0xD  }
0x7c: {  	_ =	swait.ge @!p0 [sflag:s0], s1  }
0x7d: {  	s1 =	ssub.s32 @!p0 $0x0, s1;
	[sflag:s0] =	ssyncset.done @!p0 $0x0  }
0x7e: {  	[sflag:s0] =	ssyncadd.s32 @!p0 s1  }
0x7f: {  	[bflag:$0x3] =	sbarrier.arrive $0xFFFF  }
0x80: {  	_ =	shalt  }

// kernel: kernel.24.cloned.1.call-start
scs
__scs_entry_jumppad:
0x0: {  	(pc) =	sbr.rel $0x88, $3  }
0x1: {  	(tag) =	ssettag $0x0;
	lr =	simm.s32 $0x1  }
0x2: {  	[smem:$0x3F97] =	sst lr;
	_ =	strace $0xD0000000  }
0x3: {  	_ = 	snop  }
0x4: {  	_ = 	snop  }
0x5: {  	_ = 	snop  }
0x6: {  	_ = 	snop  }
0x7: {  	_ = 	snop  }
__scs_overlays_trampoline_lowered:
0x8: {  	[smem:$0x3FA6] =	sst s0  }
0x9: {  	[smem:$0x3FA7] =	sst s1  }
0xa: {  	[smem:$0x3FA8] =	sst s2  }
0xb: {  	[smem:$0x3FA9] =	sst s3  }
0xc: {  	[smem:$0x3FAA] =	sst s4  }
0xd: {  	[smem:$0x3FAB] =	sst s5  }
0xe: {  	[smem:$0x3FAC] =	sst s6  }
0xf: {  	[smem:$0x3FAD] =	sst s7  }
0x10: {  	[smem:$0x3FAE] =	sst s8  }
0x11: {  	[smem:$0x3FAF] =	sst s9;
	s0 =	simm.s32 @!p0 $0x0  }
0x12: {  	s1 =	sld [smem:$0x3F95];
	s0 =	simm.s32 @p0 $0x1  }
0x13: {  	[smem:$0x3FB0] =	sst s0;
	s0 =	simm.s32 @!p1 $0x0  }
0x14: {  	s2 =	sld [smem:$0x3F94];
	s0 =	simm.s32 @p1 $0x1  }
0x15: {  	[smem:$0x3FB1] =	sst s0;
	s0 =	simm.s32 @!p2 $0x0  }
0x16: {  	s3 =	sld [smem:$0x3FDB];
	s0 =	simm.s32 @p2 $0x1  }
0x17: {  	s4 =	simm.s32 $0x1BF5;
	[smem:$0x3FB3] =	sst s0  }
0x18: {  	s0 =	sld [smem:$0x3F96];
	_ =	swait.ge [sflag:s4], $0x0  }
0x19: {  	s7 =	sld [smem:$0x3F97]  }
0x1a: {  	s8 =	sadd.s32 $0xFFFFE003, lr  }
0x1b: {  	s9 =	sadd.s32 $0xFFFFFEF7, lr;
	s5 =	simm.s32 $0xFFFFFFFF;
	p2 =	slt.u32 s8, $0xFFFFF086  }
0x1c: {  	p1 =	slt.u32 s9, $0xF7A;
	s5 =	simm.s32 @!p2 $0x0  }
0x1d: {  	s5 =	simm.s32 @p1 $0x1;
	p0 =	seq.s32 s7, s2  }
0x1e: {  	s7 =	smul.u32 @!p0 $0xF7A, s2;
	p2 =	seq.s32 @!p0 s5, $0x0  }
0x1f: {  	s9 =	smul.u32 $0xF7A, s1;
	s8 =	simm.s32 @!p0 $0x1BF5;
	p2 =	por !p2, p0  }
0x20: {  	[sflag:s8] =	ssyncset.s32 @!p0 $0xFFFFF086;
	s6 =	sadd.s32 @!p0 s3, s7;
	s7 =	simm.s32 @!p0 $0x108  }
0x21: {  	s3 =	sadd.s32 s3, s9;
	s6 =	sadd.s32 @!p0 $0x88, s6;
	s7 =	simm.s32 @p2 $0x1082  }
0x22: {  	[simem:s7], [sflag:s8] =	dma.local @!p0 [hbm:s6], $0xF7A  }
0x23: {  	s9 =	sor.u32 $0xD0000000, s2;
	s6 =	simm.s32 $0x108;
	_ =	swait.ge @!p0 [sflag:s8], $0x0  }
0x24: {  	s3 =	sadd.s32 $0x88, s3;
	s6 =	simm.s32 @!p1 $0x1082;
	[sflag:s4] =	ssyncset.s32 $0xFFFFF086  }
0x25: {  	[simem:s6], [sflag:s4] =	dma.local [hbm:s3], $0xF7A  }
0x26: {  	[smem:$0x3F97] =	sst s1;
	(tag) =	ssettag s2;
	_ =	strace s9  }
0x27: {  	s1 =	sld [smem:$0x3FA7]  }
0x28: {  	s2 =	sld [smem:$0x3FA8]  }
0x29: {  	s4 =	sld [smem:$0x3FAA]  }
0x2a: {  	p0 =	seq.s32 s5, $0x0;
	s5 =	sld [smem:$0x3FAB]  }
0x2b: {  	s6 =	sld [smem:$0x3FAC]  }
0x2c: {  	s7 =	sld [smem:$0x3FAD]  }
0x2d: {  	s3 =	simm.s32 $0x108;
	s8 =	sld [smem:$0x3FAE]  }
0x2e: {  	s3 =	simm.s32 @!p0 $0x1082;
	s9 =	sld [smem:$0x3FAF]  }
0x2f: {  	lr =	sadd.s32 s0, s3;
	s0 =	sld [smem:$0x3FA6]  }
0x30: {  	s3 =	sld [smem:$0x3FA9]  }
0x31: {  	[smem:$0x3FB2] =	sst s10  }
0x32: {  	s10 =	sld [smem:$0x3FB0];
	_ =	sdelay $0x3  }
0x33: {  	p0 =	seq.s32 s10, $0x1;
	s10 =	sld [smem:$0x3FB2];
	_ =	sdelay $0x3  }
0x34: {  	[smem:$0x3FB2] =	sst s10  }
0x35: {  	s10 =	sld [smem:$0x3FB1];
	_ =	sdelay $0x3  }
0x36: {  	p1 =	seq.s32 s10, $0x1;
	s10 =	sld [smem:$0x3FB2];
	_ =	sdelay $0x3  }
0x37: {  	[smem:$0x3FB2] =	sst s10  }
0x38: {  	s10 =	sld [smem:$0x3FB3]  }
0x39: {  	_ = 	snop;
	(pc) =	sbr.ind lr, $3  }
0x3a: {  	_ = 	snop  }
0x3b: {  	_ = 	snop  }
0x3c: {  	p2 =	seq.s32 s10, $0x1;
	s10 =	sld [smem:$0x3FB2]  }
0x3d: {  	_ =	shalt  }
0x3e: {  	_ =	shalt  }
0x3f: {  	_ =	shalt  }
0x40: {  	_ =	shalt  }
0x41: {  	_ =	shalt  }
0x42: {  	_ =	shalt  }
0x43: {  	_ =	shalt  }
0x44: {  	_ =	shalt  }
0x45: {  	_ =	shalt  }
0x46: {  	_ =	shalt  }
0x47: {  	_ =	shalt  }
0x48: {  	_ =	shalt  }
0x49: {  	_ =	shalt  }
0x4a: {  	_ =	shalt  }
0x4b: {  	_ =	shalt  }
0x4c: {  	_ =	shalt  }
0x4d: {  	_ =	shalt  }
0x4e: {  	_ =	shalt  }
0x4f: {  	_ =	shalt  }
0x50: {  	_ =	shalt  }
0x51: {  	_ =	shalt  }
0x52: {  	_ =	shalt  }
0x53: {  	_ =	shalt  }
0x54: {  	_ =	shalt  }
0x55: {  	_ =	shalt  }
0x56: {  	_ =	shalt  }
0x57: {  	_ =	shalt  }
0x58: {  	_ =	shalt  }
0x59: {  	_ =	shalt  }
0x5a: {  	_ =	shalt  }
0x5b: {  	_ =	shalt  }
0x5c: {  	_ =	shalt  }
0x5d: {  	_ =	shalt  }
0x5e: {  	_ =	shalt  }
0x5f: {  	_ =	shalt  }
0x60: {  	_ =	shalt  }
0x61: {  	_ =	shalt  }
0x62: {  	_ =	shalt  }
0x63: {  	_ =	shalt  }
0x64: {  	_ =	shalt  }
0x65: {  	_ =	shalt  }
0x66: {  	_ =	shalt  }
0x67: {  	_ =	shalt  }
0x68: {  	_ =	shalt  }
0x69: {  	_ =	shalt  }
0x6a: {  	_ =	shalt  }
0x6b: {  	_ =	shalt  }
0x6c: {  	_ =	shalt  }
0x6d: {  	_ =	shalt  }
0x6e: {  	_ =	shalt  }
0x6f: {  	_ =	shalt  }
0x70: {  	_ =	shalt  }
0x71: {  	_ =	shalt  }
0x72: {  	_ =	shalt  }
0x73: {  	_ =	shalt  }
0x74: {  	_ =	shalt  }
0x75: {  	_ =	shalt  }
0x76: {  	_ =	shalt  }
0x77: {  	_ =	shalt  }
0x78: {  	_ =	shalt  }
0x79: {  	_ =	shalt  }
0x7a: {  	_ =	shalt  }
0x7b: {  	_ =	shalt  }
0x7c: {  	_ =	shalt  }
0x7d: {  	_ =	shalt  }
0x7e: {  	_ =	shalt  }
0x7f: {  	_ =	shalt  }
0x80: {  	_ =	shalt  }
0x81: {  	_ =	shalt  }
0x82: {  	_ =	shalt  }
0x83: {  	_ =	shalt  }
0x84: {  	_ =	shalt  }
0x85: {  	_ =	shalt  }
0x86: {  	_ =	shalt  }
0x87: {  	_ =	shalt  }
.Lfunc_end0:
.L_simem_size_0:
called_computation.4_lowered:
.L_overlay_start_0:
0x88: {  	s2 =	sld [smem:$0x3FD9]  }
0x89: {  	s3 =	sld [smem:$0x3FFE];
	_ =	sdelay $0x1  }
0x8a: {  	s1 =	srdreg.scid  }
0x8b: {  	s0 =	sand.u32 $0x1, s1  }
0x8c: {  	s17 =	sshll.u32 s0, $0xA;
	s2 =	sadd.s32 s3, s2  }
0x8d: {  	s2 =	sadd.s32 s2, s17  }
0x8e: {  	[smem:$0x3FBE] =	sst s2  }
0x8f: {  	_ = 	snop  }
0x90: {  	s2 =	sld [smem:$0x3FD0];
	(tm) =	ssettm $0x1  }
0x91: {  	s18 =	sld [smem:$0x3FFB];
	_ =	sdelay $0x3  }
0x92: {  	_ =	strace s18  }
0x93: {  	s3 =	sld [smem:$0x3FFC];
	_ =	sdelay $0x3  }
0x94: {  	_ =	strace s3  }
0x95: {  	s3 =	sld [smem:$0x3FFD];
	_ =	sdelay $0x3  }
0x96: {  	_ =	strace s3  }
0x97: {  	_ =	strace $0x8FFFFFFF  }
0x98: {  	s19 =	sld [smem:$0x3FDB];
	_ =	sdelay $0x1  }
0x99: {  	s4 =	simm.s32 $_scs_section_size  }
0x9a: {  	s5 =	simm.s32 $_size__tile_overlayer_lowered;
	s6 =	simm.s32 $_tile_overlayer_lowered  }
0x9b: {  	s22 =	simm.s32 $0x1BFF;
	s21 =	sshll.u32 s6, $0x1;
	s3 =	sadd.s32 s4, s19  }
0x9c: {  	s7 =	simm.s32 $0x0;
	s20 =	sshll.u32 s5, $0x1;
	s5 =	sadd.s32 s21, s3  }
0x9d: {  	[timem:s7], [sflag:s22] =	dma.local [hbm:s5], s20  }
0x9e: {  	_ =	swait.ge [sflag:s22], s20  }
0x9f: {  	s4 =	ssub.s32 $0x0, s20;
	[sflag:s22] =	ssyncset.done $0x0  }
0xa0: {  	[sflag:s22] =	ssyncadd.s32 s4;
	_ =	sdelay $0x1  }
0xa1: {  	s23 =	simm.s32 $0x1B8B  }
0xa2: {  	_ =	swait.ge [sflag:s23], $0x1  }
0xa3: {  	[sflag:s23] =	ssyncset.done $0x0  }
0xa4: {  	s25 =	simm.s32 $0x1B8E;
	s24 =	sld [smem:$0x3FFE];
	[sflag:s23] =	ssyncadd.s32 $0xFFFFFFFF  }
0xa5: {  	s26 =	simm.s32 $execute0_lowered;
	[smem:$0x3FD2] =	sst s25  }
0xa6: {  	s5 =	sshll.u32 s26, $0x1;
	_ =	strace $0x80000052;
	[dreg:$0x1] =	wrdreg $0xFFFFFFFF  }
0xa7: {  	s28 =	simm.s32 $_size_execute0_lowered;
	s3 =	sadd.s32 s3, s5;
	[dreg:$0x0] =	wrdreg $0x0  }
0xa8: {  	s5 =	sshll.u32 s28, $0x1;
	[dreg:$0x2] =	wrdreg s3  }
0xa9: {  	[dreg:$0x3] =	wrdreg s5  }
0xaa: {  	[dreg:$0x4] =	wrdreg $0xC0  }
0xab: {  	_ =	task [dreg:s7], $0x5FFFF  }
0xac: {  	[dreg:$0x1] =	wrdreg $0xFFFFFFFF  }
0xad: {  	[dreg:$0x0] =	wrdreg $0x60  }
0xae: {  	[dreg:$0x2] =	wrdreg s24  }
0xaf: {  	[dreg:$0x3] =	wrdreg s2  }
0xb0: {  	[dreg:$0x4] =	wrdreg $0x36000  }
0xb1: {  	[dreg:$0x5] =	wrdreg $0x9  }
0xb2: {  	_ =	task.clear_ibuf [dreg:s7], $0x6FFFF;
	_ =	strace $0x90000052  }
0xb3: {  	s29 =	simm.s32 $0x9;
	_ =	strace $0x80000054  }
0xb4: {  	_ =	swait.ge [sflag:s29], $0x1  }
0xb5: {  	[sflag:s29] =	ssyncadd.s32 $0xFFFFFFFF  }
0xb6: {  	_ =	strace $0x90000054  }
0xb7: {  	_ =	sfence  }
0xb8: {  	s30 =	sld [smem:$0x0];
	_ =	sdelay $0x2  }
0xb9: {  	s31 =	sshll.u32 s1, $0xD;
	s1 =	sshrl.u32 s1, $0x2  }
0xba: {  	s3 =	sand.u32 $0x4000, s31;
	s1 =	sadd.s32 s1, s30  }
0xbb: {  	s0 =	sor.u32 s3, s0;
	s1 =	sshll.u32 s1, $0x11  }
0xbc: {  	s0 =	sor.u32 s1, s0  }
0xbd: {  	s0 =	sadd.s32 $0x8F2B, s0  }
0xbe: {  	[sflag:s0] =	ssyncadd.remote.s32 $0x1  }
0xbf: {  	_ =	sfence.sel $0xFFFF  }
0xc0: {  	[dreg:$0x0] =	wrdreg $0xFFFFFFFF;
	(pc) =	sbr.abs _section_cstart, $3  }
0xc1: {  	[dreg:$0x1] =	wrdreg $0xFFFFFFFF  }
0xc2: {  	_ =	task.clear_ibuf [dreg:s7], $0x2FFFF;
	_ =	strace $0x9FFFFFFF  }
0xc3: {  	(tm) =	ssettm $0x7FFFFFFF  }
tec
execute0_lowered:
.L_overlay_start_1:
0x0: {  	(tag) =	ssettag $0x1  }
0x1: {  	s0 =	rddreg [dreg:$0x0]  }
0x2: {  	s3 =	rddreg [dreg:$0x2]  }
0x3: {  	s1 =	srdreg.scid;
	s11 =	stileid.u32  }
0x4: {  	s4 =	simm.s32 $0x0;
	s18 =	simm.s32 $0x7;
	s19 =	simm.s32 $0x2A00  }
0x5: {  	s20 =	simm.s32 $0x2E00;
	s21 =	simm.s32 $0x1;
	s29 =	simm.s32 $0x5  }
0x6: {  	s30 =	simm.s32 $0x6;
	s31 =	simm.s32 $0x29C0;
	s5 =	smul.u32 $0x2800, s11  }
0x7: {  	s1 =	sand.u32 $0x1, s1;
	[smem:$0x7FF] =	sst s4;
	s25 =	smul.u32 $0x2A000, s11  }
0x8: {  	s16 =	sadd.s32 $0xE000, s0;
	s2 =	sshll.u32 s1, $0x4;
	s6 =	smul.u32 $0x28000, s1  }
0x9: {  	s8 =	ssub.s32 $0x2, s1;
	s1 =	smul.u32 $0x2A0000, s1;
	s2 =	sor.u32 s11, s2  }
0xa: {  	s23 =	sshll.u32 s11, $0x6;
	_ =	strace $0x80000053;
	s7 =	smul.u32 $0x540, s2  }
0xb: {  	s9 =	sshrl.u32 s8, $0x1;
	s17 =	sadd.s32 s5, s3;
	s22 =	smul.u32 $0x5400, s2  }
0xc: {  	s6 =	sadd.s32 s5, s6;
	s10 =	ssub.s32 s8, s9;
	s2 =	smul.u32 $0x2A000, s2  }
0xd: {  	s5 =	sor.u32 $0x1C07, s23;
	s28 =	sadd.s32 s25, s1;
	s17 =	sshrl.u32 s17, $0x3  }
0xe: {  	s23 =	simm.s32 $0x3200;
	s25 =	simm.s32 $0x4;
	s6 =	sshrl.u32 s6, $0x3  }
0xf: {  	s10 =	smax.u32 s10, $0x1;
	s1 =	sor.u32 $0x1C00, s28;
	s7 =	sadd.s32 s7, s0  }
0x10: {  	s0 =	sadd.s32 s6, s0;
	s12 =	sor.u32 $0xC00, s2;
	s13 =	sor.u32 $0x1000, s2  }
0x11: {  	s24 =	sshrl.u32 s2, $0x3;
	s2 =	sor.u32 $0x1800, s28;
	s1 =	sshrl.u32 s1, $0x3  }
0x12: {  	s6 =	sadd.s32 $0x3800, s7;
	s7 =	sadd.s32 s16, s22;
	s9 =	sadd.s32 $0xB6000, s0  }
0x13: {  	s0 =	sadd.s32 s24, s16;
	s26 =	sshrl.u32 s12, $0x3;
	s13 =	sshrl.u32 s13, $0x3  }
.Ltmp0:
0x14: {  	s2 =	sshrl.u32 s2, $0x3;
	s14 =	sadd.s32 s1, s16;
	(pc) =	sbr.rel .LBB2_1-.Ltmp0, $4  }
0x15: {  	s22 =	simm.s32 $0x40;
	s24 =	simm.s32 $0x2;
	s8 =	sadd.s32 $0x80, s7  }
0x16: {  	s11 =	sadd.s32 $0x100, s0;
	s12 =	sadd.s32 s16, s26;
	s0 =	sor.u32 $0x1400, s28  }
0x17: {  	s13 =	sadd.s32 s16, s13;
	s15 =	sadd.s32 s2, s16;
	s0 =	sshrl.u32 s0, $0x3  }
0x18: {  	s26 =	simm.s32 $0x3;
	s16 =	sadd.s32 s0, s16;
	s0 =	simm.s32 $0x0  }
.LBB2_4:
0x19: {  	_ =	swait.ge [sflag:s26], $0x400  }
0x1a: {  	[sflag:s26] =	ssyncset.done $0x0  }
0x1b: {  	[sflag:s26] =	ssyncadd.s32 $0xFFFFFC00  }
0x1c: {  	[spmem:s3] =	stream.indirect.scatter.add.f32 [tilespmem:s23], [sflag:$0x6], $0x10, s31, s22, $0xb8;
	[tilespmem:$0x5E00] =	vst v63  }
0x1d: {  	_ =	swait.ge [sflag:s25], $0x400  }
0x1e: {  	[sflag:s25] =	ssyncset.done $0x0  }
0x1f: {  	[sflag:s25] =	ssyncadd.s32 $0xFFFFFC00  }
0x20: {  	_ =	swait.ge [sflag:s29], $0x400  }
0x21: {  	[sflag:s29] =	ssyncset.done $0x0  }
0x22: {  	[sflag:s29] =	ssyncadd.s32 $0xFFFFFC00  }
0x23: {  	_ =	swait.ge [sflag:s30], $0x400  }
0x24: {  	s0 =	sadd.s32 $0x1, s0;
	[sflag:s30] =	ssyncset.done $0x0  }
0x25: {  	p0 =	sne.s32 s0, s10;
	[sflag:s30] =	ssyncadd.s32 $0xFFFFFC00  }
.Ltmp1:
0x26: {  	[bflag:$0x0] =	sbarrier.arrive $0xFFFF;
	(pc) =	sbr.rel @!p0 .LBB2_5-.Ltmp1, $4  }
0x27: {  	[hbm:s9], [sflag:s5] =	dma.local [spmem:s17], $0x500  }
0x28: {  	_ =	swait.ge [sflag:s18], $0x500  }
0x29: {  	[sflag:s18] =	ssyncset.done $0x0  }
0x2a: {  	[sflag:s18] =	ssyncadd.s32 $0xFFFFFB00  }
.LBB2_1:
0x2b: {  	s1 =	rddreg [dreg:$0x1]  }
0x2c: {  	[spmem:s17], [sflag:s5] =	dma.local [hbm:s1], $0x500  }
0x2d: {  	_ =	swait.ge [sflag:s18], $0x500  }
0x2e: {  	[sflag:s18] =	ssyncset.done $0x0  }
0x2f: {  	[sflag:s18] =	ssyncadd.s32 $0xFFFFFB00  }
0x30: {  	[bflag:$0x0] =	sbarrier.arrive $0xFFFF  }
0x31: {  	[tilespmem:s4], [sflag:$0x7] =	stream.linear.gather [hbm4b:s6+s4], $0x2A00, $0x38;
	[tilespmem:$0x5E00] =	vst v63  }
0x32: {  	_ =	swait.ge [sflag:s18], $0x2A00  }
0x33: {  	[sflag:s18] =	ssyncset.done $0x0  }
0x34: {  	[sflag:s18] =	ssyncadd.s32 $0xFFFFD600  }
0x35: {  	[tilespmem:s19], [sflag:$0x1] =	stream.linear.gather [hbm4b:s7+s4], $0x400, $0x38;
	[tilespmem:$0x5E00] =	vst v63  }
0x36: {  	_ = 	snop  }
0x37: {  	[tilespmem:s20], [sflag:$0x2] =	stream.linear.gather [hbm4b:s8+s4], $0x400, $0x38;
	[tilespmem:$0x5E00] =	vst v63  }
0x38: {  	_ =	swait.ge [sflag:s21], $0x400  }
0x39: {  	[sflag:s21] =	ssyncset.done $0x0  }
0x3a: {  	[sflag:s21] =	ssyncadd.s32 $0xFFFFFC00  }
0x3b: {  	[spmem:s3] =	stream.indirect.scatter.add.f32 [tilespmem:s19], [sflag:$0x4], $0x10, s4, s22, $0xb8;
	[tilespmem:$0x5E00] =	vst v63  }
0x3c: {  	_ = 	snop  }
0x3d: {  	[tilespmem:s23], [sflag:$0x3] =	stream.linear.gather [hbm4b:s11+s4], $0x400, $0x38;
	[tilespmem:$0x5E00] =	vst v63  }
0x3e: {  	_ =	swait.ge [sflag:s24], $0x400  }
0x3f: {  	[sflag:s24] =	ssyncset.done $0x0  }
0x40: {  	[sflag:s24] =	ssyncadd.s32 $0xFFFFFC00  }
0x41: {  	[spmem:s3] =	stream.indirect.scatter.add.f32 [tilespmem:s20], [sflag:$0x5], $0x10, s22, s22, $0xb8;
	[tilespmem:$0x5E00] =	vst v63  }
0x42: {  	_ =	swait.ge [sflag:s25], $0x400  }
0x43: {  	[sflag:s25] =	ssyncset.done $0x0  }
0x44: {  	[sflag:s25] =	ssyncadd.s32 $0xFFFFFC00  }
0x45: {  	[tilespmem:s19], [sflag:$0x1] =	stream.linear.gather [hbm4b:s12+s4], $0x400, $0x38;
	[tilespmem:$0x5E00] =	vst v63  }
0x46: {  	_ =	swait.ge [sflag:s26], $0x400  }
0x47: {  	[sflag:s26] =	ssyncset.done $0x0  }
0x48: {  	s28 =	simm.s32 $0x80;
	[sflag:s26] =	ssyncadd.s32 $0xFFFFFC00  }
0x49: {  	[spmem:s3] =	stream.indirect.scatter.add.f32 [tilespmem:s23], [sflag:$0x6], $0x10, s28, s22, $0xb8;
	[tilespmem:$0x5E00] =	vst v63  }
0x4a: {  	_ =	swait.ge [sflag:s29], $0x400  }
0x4b: {  	[sflag:s29] =	ssyncset.done $0x0  }
0x4c: {  	s2 =	simm.s32 $0x0;
	s1 =	simm.s32 $0x140;
	[sflag:s29] =	ssyncadd.s32 $0xFFFFFC00  }
0x4d: {  	[tilespmem:s20], [sflag:$0x2] =	stream.linear.gather [hbm4b:s13+s4], $0x400, $0x38;
	[tilespmem:$0x5E00] =	vst v63  }
.LBB2_2:
0x4e: {  	_ =	swait.ge [sflag:s21], $0x400  }
0x4f: {  	[sflag:s21] =	ssyncset.done $0x0  }
0x50: {  	s28 =	sadd.s32 $0xFFFFFF80, s1;
	[sflag:s21] =	ssyncadd.s32 $0xFFFFFC00  }
0x51: {  	[spmem:s3] =	stream.indirect.scatter.add.f32 [tilespmem:s19], [sflag:$0x4], $0x10, s28, s22, $0xb8;
	[tilespmem:$0x5E00] =	vst v63  }
0x52: {  	_ =	swait.ge [sflag:s30], $0x400  }
0x53: {  	[sflag:s30] =	ssyncset.done $0x0  }
0x54: {  	p0 =	seq.s32 s2, $0x5100;
	s28 =	sadd.s32 s2, s16;
	[sflag:s30] =	ssyncadd.s32 $0xFFFFFC00  }
0x55: {  	[tilespmem:s23], [sflag:$0x3] =	stream.linear.gather [hbm4b:s28+s4], $0x400, $0x38;
	[tilespmem:$0x5E00] =	vst v63  }
.Ltmp2:
0x56: {  	_ = 	snop;
	(pc) =	sbr.rel @p0 .LBB2_4-.Ltmp2, $4  }
0x57: {  	_ =	swait.ge [sflag:s24], $0x400  }
0x58: {  	[sflag:s24] =	ssyncset.done $0x0  }
0x59: {  	s28 =	sadd.s32 $0xFFFFFFC0, s1;
	[sflag:s24] =	ssyncadd.s32 $0xFFFFFC00  }
0x5a: {  	[spmem:s3] =	stream.indirect.scatter.add.f32 [tilespmem:s20], [sflag:$0x5], $0x10, s28, s22, $0xb8;
	[tilespmem:$0x5E00] =	vst v63  }
0x5b: {  	_ =	swait.ge [sflag:s25], $0x400  }
0x5c: {  	[sflag:s25] =	ssyncset.done $0x0  }
0x5d: {  	s28 =	sadd.s32 s2, s15;
	[sflag:s25] =	ssyncadd.s32 $0xFFFFFC00  }
0x5e: {  	[tilespmem:s19], [sflag:$0x1] =	stream.linear.gather [hbm4b:s28+s4], $0x400, $0x38;
	[tilespmem:$0x5E00] =	vst v63  }
0x5f: {  	_ =	swait.ge [sflag:s26], $0x400  }
0x60: {  	[sflag:s26] =	ssyncset.done $0x0  }
0x61: {  	[sflag:s26] =	ssyncadd.s32 $0xFFFFFC00  }
0x62: {  	[spmem:s3] =	stream.indirect.scatter.add.f32 [tilespmem:s23], [sflag:$0x6], $0x10, s1, s22, $0xb8;
	[tilespmem:$0x5E00] =	vst v63  }
.Ltmp3:
0x63: {  	_ = 	snop;
	(pc) =	sbr.rel .LBB2_2-.Ltmp3, $4  }
0x64: {  	_ =	swait.ge [sflag:s29], $0x400  }
0x65: {  	s28 =	sadd.s32 s2, s14;
	[sflag:s29] =	ssyncset.done $0x0  }
0x66: {  	s2 =	sadd.s32 $0x180, s2;
	s1 =	sadd.s32 $0xC0, s1;
	[sflag:s29] =	ssyncadd.s32 $0xFFFFFC00  }
0x67: {  	[tilespmem:s20], [sflag:$0x2] =	stream.linear.gather [hbm4b:s28+s4], $0x400, $0x38;
	[tilespmem:$0x5E00] =	vst v63  }
.LBB2_5:
0x68: {  	_ =	sfence.sel $0x180000  }
0x69: {  	[bflag:$0x0] =	sbarrier.arrive $0xFFFF  }
0x6a: {  	_ =	strace $0x90000053  }
0x6b: {  	s0 =	stileid.u32;
	[bflag:$0x2] =	sbarrier.arrive $0xFFFF  }
0x6c: {  	p0 =	sne.s32 s0, $0x0;
	s0 =	rddreg [dreg:$0x3]  }
0x6d: {  	s0 =	sadd.s32 @!p0 $0x100000, s0  }
0x6e: {  	[sflag:s0] =	ssyncadd.tile.s32 @!p0 $0x1;
	_ =	shalt  }
.Lfunc_end2:
_tile_overlayer_lowered:
.L_overlay_start_2:
0x6f: {  	(tag) =	ssettag $0x2  }
0x70: {  	s0 =	rddreg [dreg:$0x0];
	s2 =	stileid.u32  }
0x71: {  	s1 =	rddreg [dreg:$0x1];
	p0 =	sne.s32 s2, $0x0  }
0x72: {  	s3 =	rddreg [dreg:$0x2];
	[bflag:$0x3] =	sbarrier.arrive $0xFFFF;
	s2 =	simm.s32 @!p0 $0x1C07  }
0x73: {  	[timem:s3], [sflag:s2] =	dma.local @!p0 [hbm:s0], s1  }
0x74: {  	s0 =	simm.s32 @!p0 $0x7  }
0x75: {  	_ =	swait.ge @!p0 [sflag:s0], s1  }
0x76: {  	s1 =	ssub.s32 @!p0 $0x0, s1;
	[sflag:s0] =	ssyncset.done @!p0 $0x0  }
0x77: {  	[sflag:s0] =	ssyncadd.s32 @!p0 s1  }
0x78: {  	[bflag:$0x3] =	sbarrier.arrive $0xFFFF  }
0x79: {  	_ =	shalt  }

</sc_bundles>
